<compile_context>
chip_gen: v7x
topology: tpu7x:2x2x1
jax: 0.10.2.dev20260603
libtpu: 0.0.44.dev20260713+nightly
codegen_flags: <defaults>
</compile_context>

<pallas_src>
import functools

import numpy as np

import jax
import jax.numpy as jnp
from jax import lax
from jax.experimental import pallas as pl
from jax.experimental.pallas import tpu as pltpu
from jax.experimental.pallas import tpu_sc as plsc

N = 10000
E = 320000
D_IN = 128
D_HID = 256

NC = 2
NS = 16
B = 128

NPAD = 10240
E_PAD = 327680
ROWS_L1 = 80
ROWS_L2 = 160
ZCH = 640
NDEG = 10240
DCH = 640
ICH = 16

_mesh = plsc.VectorSubcoreMesh(
    core_axis_name="c", subcore_axis_name="s", num_cores=NC, num_subcores=NS
)


def _zero_acc(zrows, acc, s):
    pltpu.sync_copy(zrows.at[pl.ds(s * ZCH, ZCH)], acc.at[pl.ds(s * ZCH, ZCH)])


def _copy_out_rows(acc, out_hbm, c, s):
    @pl.when(s < NS - 1)
    def _():
        pltpu.sync_copy(acc.at[pl.ds(s * ZCH, ZCH)],
                        out_hbm.at[c, pl.ds(s * ZCH, ZCH)])

    @pl.when(s == NS - 1)
    def _():
        pltpu.sync_copy(acc.at[pl.ds((NS - 1) * ZCH, N - (NS - 1) * ZCH)],
                        out_hbm.at[c, pl.ds((NS - 1) * ZCH, N - (NS - 1) * ZCH)])


@functools.partial(
    pl.kernel,
    out_type=(
        jax.ShapeDtypeStruct((NC, N, D_IN), jnp.float32),
        jax.ShapeDtypeStruct((NDEG,), jnp.float32),
        jax.ShapeDtypeStruct((NDEG,), jnp.float32),
    ),
    mesh=_mesh,
    scratch_types=[
        pltpu.VMEM_SHARED((NPAD, D_IN), jnp.float32),
        pltpu.VMEM_SHARED((NDEG,), jnp.float32),
        pltpu.VMEM((ICH, B), jnp.int32),
        pltpu.VMEM((ICH, B), jnp.int32),
        pltpu.VMEM((B, D_IN), jnp.float32),
        pltpu.VMEM((B, D_IN), jnp.float32),
        pltpu.VMEM((B,), jnp.float32),
        pltpu.SemaphoreType.DMA,
        pltpu.SemaphoreType.DMA,
        pltpu.SemaphoreType.DMA,
    ],
)
def _sc_layer1(x_hbm, src_hbm, dst_hbm, zrows, zdeg,
               psum, pdeg0, pdeg1, acc, dacc, idx_s, idx_d, rows0, rows1,
               ones_v, sem_g0, sem_g1, sem_d):
    c = lax.axis_index("c")
    s = lax.axis_index("s")

    _zero_acc(zrows, acc, s)
    pltpu.sync_copy(zdeg.at[pl.ds(s * DCH, DCH)], dacc.at[pl.ds(s * DCH, DCH)])
    for i in range(B // 16):
        ones_v[pl.ds(16 * i, 16)] = jnp.ones((16,), jnp.float32)

    rb = (c * NS + s) * ROWS_L1
    plsc.subcore_barrier()

    def chunk(k, carry):
        pltpu.sync_copy(src_hbm.at[pl.ds(rb + k * ICH, ICH)], idx_s)
        pltpu.sync_copy(dst_hbm.at[pl.ds(rb + k * ICH, ICH)], idx_d)
        pltpu.async_copy(x_hbm.at[idx_s.at[0]], rows0, sem_g0)

        def pair(p, carry2):
            j = 2 * p
            pltpu.async_copy(x_hbm.at[idx_s.at[j + 1]], rows1, sem_g1)
            pltpu.make_async_copy(x_hbm.at[idx_s.at[0]], rows0, sem_g0).wait()
            pltpu.sync_copy(rows0, acc.at[idx_d.at[j]], add=True)
            pltpu.async_copy(ones_v, dacc.at[idx_d.at[j]], sem_d, add=True)

            @pl.when(j + 2 < ICH)
            def _():
                pltpu.async_copy(x_hbm.at[idx_s.at[j + 2]], rows0, sem_g0)

            pltpu.make_async_copy(x_hbm.at[idx_s.at[0]], rows1, sem_g1).wait()
            pltpu.sync_copy(rows1, acc.at[idx_d.at[j + 1]], add=True)
            pltpu.async_copy(ones_v, dacc.at[idx_d.at[j + 1]], sem_d, add=True)
            return carry2

        carry = lax.fori_loop(0, ICH // 2, pair, carry)

        def drain(j, carry3):
            pltpu.make_async_copy(ones_v, dacc.at[idx_d.at[0]], sem_d).wait()
            return carry3

        return lax.fori_loop(0, ICH, drain, carry)

    lax.fori_loop(0, ROWS_L1 // ICH, chunk, 0)

    plsc.subcore_barrier()
    _copy_out_rows(acc, psum, c, s)

    @pl.when(c == 0)
    def _():
        pltpu.sync_copy(dacc.at[pl.ds(s * DCH, DCH)], pdeg0.at[pl.ds(s * DCH, DCH)])

    @pl.when(c == 1)
    def _():
        pltpu.sync_copy(dacc.at[pl.ds(s * DCH, DCH)], pdeg1.at[pl.ds(s * DCH, DCH)])


@functools.partial(
    pl.kernel,
    out_type=jax.ShapeDtypeStruct((NC, N, D_HID // 2), jnp.float32),
    mesh=_mesh,
    scratch_types=[
        pltpu.VMEM_SHARED((NPAD, D_HID // 2), jnp.float32),
        pltpu.VMEM((ICH, B), jnp.int32),
        pltpu.VMEM((ICH, B), jnp.int32),
        pltpu.VMEM((B, D_HID // 2), jnp.float32),
        pltpu.VMEM((B, D_HID // 2), jnp.float32),
        pltpu.SemaphoreType.DMA,
        pltpu.SemaphoreType.DMA,
    ],
)
def _sc_layer2(h1a_hbm, h1b_hbm, src_hbm, dst_hbm, zrows,
               psum, acc, idx_s, idx_d, rows0, rows1,
               sem_g0, sem_g1):
    c = lax.axis_index("c")
    s = lax.axis_index("s")

    _zero_acc(zrows, acc, s)

    rb = s * ROWS_L2
    plsc.subcore_barrier()

    def make_chunk(h_hbm):
        def chunk(k, carry):
            pltpu.sync_copy(src_hbm.at[pl.ds(rb + k * ICH, ICH)], idx_s)
            pltpu.sync_copy(dst_hbm.at[pl.ds(rb + k * ICH, ICH)], idx_d)
            pltpu.async_copy(h_hbm.at[idx_s.at[0]], rows0, sem_g0)

            def pair(p, carry2):
                j = 2 * p
                pltpu.async_copy(h_hbm.at[idx_s.at[j + 1]], rows1, sem_g1)
                pltpu.make_async_copy(h_hbm.at[idx_s.at[0]], rows0, sem_g0).wait()
                pltpu.sync_copy(rows0, acc.at[idx_d.at[j]], add=True)

                @pl.when(j + 2 < ICH)
                def _():
                    pltpu.async_copy(h_hbm.at[idx_s.at[j + 2]], rows0, sem_g0)

                pltpu.make_async_copy(h_hbm.at[idx_s.at[0]], rows1, sem_g1).wait()
                pltpu.sync_copy(rows1, acc.at[idx_d.at[j + 1]], add=True)
                return carry2

            return lax.fori_loop(0, ICH // 2, pair, carry)

        return chunk

    @pl.when(c == 0)
    def _():
        lax.fori_loop(0, ROWS_L2 // ICH, make_chunk(h1a_hbm), 0)

    @pl.when(c == 1)
    def _():
        lax.fori_loop(0, ROWS_L2 // ICH, make_chunk(h1b_hbm), 0)

    plsc.subcore_barrier()
    _copy_out_rows(acc, psum, c, s)


def _tc1_body(psum_ref, pd0_ref, pd1_ref, x_ref, wl_ref, wr_ref, b_ref,
              h1a_ref, h1b_ref, inv_ref):
    deg = pd0_ref[...] + pd1_ref[...]
    inv = 1.0 / jnp.maximum(deg, 1.0)
    aggr = (psum_ref[0] + psum_ref[1]) * inv
    h1 = (jnp.dot(aggr, wl_ref[...], preferred_element_type=jnp.float32)
          + jnp.dot(x_ref[...], wr_ref[...], preferred_element_type=jnp.float32)
          + b_ref[...])
    h1a_ref[...] = h1[:, :D_IN]
    h1b_ref[...] = h1[:, D_IN:]
    inv_ref[...] = inv


def _tc2_body(s2_ref, inv_ref, h1a_ref, h1b_ref,
              wla_ref, wlb_ref, wra_ref, wrb_ref, b_ref, out_ref):
    inv = inv_ref[...]
    o = (jnp.dot(s2_ref[0] * inv, wla_ref[...], preferred_element_type=jnp.float32)
         + jnp.dot(s2_ref[1] * inv, wlb_ref[...], preferred_element_type=jnp.float32)
         + jnp.dot(h1a_ref[...], wra_ref[...], preferred_element_type=jnp.float32)
         + jnp.dot(h1b_ref[...], wrb_ref[...], preferred_element_type=jnp.float32)
         + b_ref[...])
    out_ref[...] = jnp.maximum(o, 0.0)


_R = 2000


def _tc_layer1(psum, pd0, pd1, x, w1lT, w1rT, b1r):
    H = D_HID // 2
    return pl.pallas_call(
        _tc1_body,
        grid=(N // _R,),
        in_specs=[
            pl.BlockSpec((NC, _R, D_IN), lambda i: (0, i, 0)),
            pl.BlockSpec((_R, 1), lambda i: (i, 0)),
            pl.BlockSpec((_R, 1), lambda i: (i, 0)),
            pl.BlockSpec((_R, D_IN), lambda i: (i, 0)),
            pl.BlockSpec((D_IN, D_HID), lambda i: (0, 0)),
            pl.BlockSpec((D_IN, D_HID), lambda i: (0, 0)),
            pl.BlockSpec((1, D_HID), lambda i: (0, 0)),
        ],
        out_specs=[
            pl.BlockSpec((_R, H), lambda i: (i, 0)),
            pl.BlockSpec((_R, H), lambda i: (i, 0)),
            pl.BlockSpec((_R, 1), lambda i: (i, 0)),
        ],
        out_shape=[
            jax.ShapeDtypeStruct((N, H), jnp.float32),
            jax.ShapeDtypeStruct((N, H), jnp.float32),
            jax.ShapeDtypeStruct((N, 1), jnp.float32),
        ],
    )(psum, pd0, pd1, x, w1lT, w1rT, b1r)


def _tc_layer2(psum2, inv, h1a, h1b, w2la, w2lb, w2ra, w2rb, b2r):
    H = D_HID // 2
    return pl.pallas_call(
        _tc2_body,
        grid=(N // _R,),
        in_specs=[
            pl.BlockSpec((NC, _R, H), lambda i: (0, i, 0)),
            pl.BlockSpec((_R, 1), lambda i: (i, 0)),
            pl.BlockSpec((_R, H), lambda i: (i, 0)),
            pl.BlockSpec((_R, H), lambda i: (i, 0)),
            pl.BlockSpec((H, D_HID), lambda i: (0, 0)),
            pl.BlockSpec((H, D_HID), lambda i: (0, 0)),
            pl.BlockSpec((H, D_HID), lambda i: (0, 0)),
            pl.BlockSpec((H, D_HID), lambda i: (0, 0)),
            pl.BlockSpec((1, D_HID), lambda i: (0, 0)),
        ],
        out_specs=pl.BlockSpec((_R, D_HID), lambda i: (i, 0)),
        out_shape=jax.ShapeDtypeStruct((N, D_HID), jnp.float32),
    )(psum2, inv, h1a, h1b, w2la, w2lb, w2ra, w2rb, b2r)


def kernel(x, edge_index, W1_l, b1, W1_r, W2_l, b2, W2_r):
    ei = edge_index.astype(jnp.int32)
    pad = E_PAD - E
    src2d = jnp.concatenate([ei[0], np.zeros((pad,), np.int32)]).reshape(E_PAD // B, B)
    dummy_dst = N + (np.arange(pad, dtype=np.int32) % (NPAD - N))
    dst2d = jnp.concatenate([ei[1], dummy_dst]).reshape(E_PAD // B, B)
    zrows = np.zeros((NPAD, D_IN), np.float32)
    zdeg = np.zeros((NDEG,), np.float32)

    psum, pdeg0, pdeg1 = _sc_layer1(x, src2d, dst2d, zrows, zdeg)
    h1a, h1b, inv = _tc_layer1(
        psum, pdeg0[:N].reshape(N, 1), pdeg1[:N].reshape(N, 1), x,
        W1_l.T, W1_r.T, b1.reshape(1, D_HID))
    psum2 = _sc_layer2(h1a, h1b, src2d, dst2d, zrows)
    out = _tc_layer2(
        psum2, inv, h1a, h1b,
        W2_l.T[:D_IN], W2_l.T[D_IN:], W2_r.T[:D_IN], W2_r.T[D_IN:],
        b2.reshape(1, D_HID))
    return out

# --- scband reference (transcript-rebuilt; emitter-appended) ---
"""Pipeline reference for scband-net-72799695667422 (READ-ONLY COPY).

The authoritative reference and input builder live on the scoring server;
editing this copy changes nothing except your own understanding.
"""

import jax, jax.numpy as jnp
import numpy as np

N_NODES = 10000
N_EDGES = 320000
D_IN = 128
D_HID = 256


def sage_conv(x, edge_index, W_l, b_l, W_r):
    # PyG SAGEConv (mean aggregation):
    #   out = lin_l(mean_{j in N(i)} x_j) + lin_r(x_i)
    # lin_l has bias, lin_r has no bias.
    src = edge_index[0]
    dst = edge_index[1]
    msgs = x[src]  # gather source node features per edge
    summed = jax.ops.segment_sum(msgs, dst, num_segments=x.shape[0])
    deg = jax.ops.segment_sum(
        jnp.ones((edge_index.shape[1],), dtype=x.dtype), dst, num_segments=x.shape[0]
    )
    aggr = summed / jnp.clip(deg, 1.0)[:, None]
    return aggr @ W_l.T + b_l + x @ W_r.T


def setup_inputs(seed: int = 0) -> dict:
    key = jax.random.key(seed)
    ks = jax.random.split(key, 8)
    x = jax.random.normal(ks[0], (N_NODES, D_IN), dtype=jnp.float32)
    edge_index = jax.random.randint(ks[1], (2, N_EDGES), 0, N_NODES)
    # Layer 1: SAGEConv(128 -> 256)
    W1_l = jax.random.normal(ks[2], (D_HID, D_IN), dtype=jnp.float32) * (1.0 / np.sqrt(D_IN))
    b1 = jnp.zeros((D_HID,), dtype=jnp.float32)
    W1_r = jax.random.normal(ks[3], (D_HID, D_IN), dtype=jnp.float32) * (1.0 / np.sqrt(D_IN))
    # Layer 2: SAGEConv(256 -> 256)
    W2_l = jax.random.normal(ks[4], (D_HID, D_HID), dtype=jnp.float32) * (1.0 / np.sqrt(D_HID))
    b2 = jnp.zeros((D_HID,), dtype=jnp.float32)
    W2_r = jax.random.normal(ks[5], (D_HID, D_HID), dtype=jnp.float32) * (1.0 / np.sqrt(D_HID))
    return {
        "x": x,
        "edge_index": edge_index,
        "W1_l": W1_l,
        "b1": b1,
        "W1_r": W1_r,
        "W2_l": W2_l,
        "b2": b2,
        "W2_r": W2_r,
    }


def reference(x, edge_index, W1_l, b1, W1_r, W2_l, b2, W2_r):
    # Net.layers = Sequential(SAGEConv(128,256), SAGEConv(256,256), ReLU())
    # ReLU is only appended after the final conv (per the __init__ loop).
    h = sage_conv(x, edge_index, W1_l, b1, W1_r)
    h = sage_conv(h, edge_index, W2_l, b2, W2_r)
    return jax.nn.relu(h)

if __name__ == "__main__":
    import jax
    _d = setup_inputs()
    print(jax.jit(kernel)(*tuple(_d.values())))

</pallas_src>

<mosaic_0001>
#map = affine_map<(d0, d1) -> (0, 0)>
#map1 = affine_map<(d0, d1) -> (0)>
#map2 = affine_map<(d0, d1) -> (0, 0, 0)>
module attributes {stable_mosaic.version = 14 : i64} {
  func.func @_sc_layer1(%arg0: i32, %arg1: i32, %arg2: memref<10000x128xf32, #tpu.memory_space<hbm>>, %arg3: memref<2560x128xi32, #tpu.memory_space<hbm>>, %arg4: memref<2560x128xi32, #tpu.memory_space<hbm>>, %arg5: memref<10240x128xf32, #tpu.memory_space<hbm>>, %arg6: memref<10240xf32, #tpu.memory_space<hbm>>, %arg7: memref<2x10000x128xf32, #tpu.memory_space<hbm>>, %arg8: memref<10240xf32, #tpu.memory_space<hbm>>, %arg9: memref<10240xf32, #tpu.memory_space<hbm>>, %arg10: memref<10240x128xf32, #tpu.memory_space<vmem_shared>>, %arg11: memref<10240xf32, #tpu.memory_space<vmem_shared>>, %arg12: memref<16x128xi32, #tpu.memory_space<vmem>>, %arg13: memref<16x128xi32, #tpu.memory_space<vmem>>, %arg14: memref<128x128xf32, #tpu.memory_space<vmem>>, %arg15: memref<128x128xf32, #tpu.memory_space<vmem>>, %arg16: memref<128xf32, #tpu.memory_space<vmem>>, %arg17: memref<!tpu.dma_semaphore, #tpu.memory_space<semaphore_mem>>, %arg18: memref<!tpu.dma_semaphore, #tpu.memory_space<semaphore_mem>>, %arg19: memref<!tpu.dma_semaphore, #tpu.memory_space<semaphore_mem>>) attributes {dimension_semantics = [#tpu.dimension_semantics<core_parallel>, #tpu.dimension_semantics<subcore_parallel>], iteration_bounds = array<i64: 2, 16>, scalar_prefetch = 0 : i64, scratch_operands = 10 : i64, tpu.core_type = #tpu.core_type<sc_vector_subcore>, window_params = [{transform_indices = #map}, {transform_indices = #map}, {transform_indices = #map}, {transform_indices = #map}, {transform_indices = #map1}, {transform_indices = #map2}, {transform_indices = #map1}, {transform_indices = #map1}]} {
    %mul3A = arith.constant 640 : i32
    %mul3A_0 = arith.muli %arg1, %mul3A : i32
    %mul3A_1 = arith.constant 640 : i32
    %mul3A_2 = arith.muli %arg1, %mul3A_1 : i32
    "tpu.region"() ({
      %run_scoped3A = tpu.sem_alloc : memref<!tpu.dma_semaphore, #tpu.memory_space<semaphore_mem>>
      %dma_start3A = arith.constant 0 : i32
      %dma_start3A_79 = tpu.memref_slice %arg10[%mul3A_2, %dma_start3A] : memref<10240x128xf32, #tpu.memory_space<vmem_shared>> -> memref<640x128xf32, #tpu.memory_space<vmem_shared>>
      %dma_start3A_80 = arith.constant 0 : i32
      %dma_start3A_81 = tpu.memref_slice %arg5[%mul3A_0, %dma_start3A_80] : memref<10240x128xf32, #tpu.memory_space<hbm>> -> memref<640x128xf32, #tpu.memory_space<hbm>>
      tpu.enqueue_dma source(%dma_start3A_81 : memref<640x128xf32, #tpu.memory_space<hbm>>) target(%dma_start3A_79 : memref<640x128xf32, #tpu.memory_space<vmem_shared>>) target_semaphore(%run_scoped3A : memref<!tpu.dma_semaphore, #tpu.memory_space<semaphore_mem>>)
      %dma_wait3A = arith.constant 0 : i32
      %dma_wait3A_82 = tpu.memref_slice %arg10[%mul3A_2, %dma_wait3A] : memref<10240x128xf32, #tpu.memory_space<vmem_shared>> -> memref<640x128xf32, #tpu.memory_space<vmem_shared>>
      %dma_wait3A_83 = arith.constant 0 : i32
      %dma_wait3A_84 = tpu.memref_slice %arg5[%mul3A_0, %dma_wait3A_83] : memref<10240x128xf32, #tpu.memory_space<hbm>> -> memref<640x128xf32, #tpu.memory_space<hbm>>
      tpu.wait_dma2 semaphore(%run_scoped3A : memref<!tpu.dma_semaphore, #tpu.memory_space<semaphore_mem>>) src(%dma_wait3A_84 : memref<640x128xf32, #tpu.memory_space<hbm>>) dst(%dma_wait3A_82 : memref<640x128xf32, #tpu.memory_space<vmem_shared>>)
      tpu.yield
    }) : () -> ()
    %mul3A_3 = arith.constant 640 : i32
    %mul3A_4 = arith.muli %arg1, %mul3A_3 : i32
    %mul3A_5 = arith.constant 640 : i32
    %mul3A_6 = arith.muli %arg1, %mul3A_5 : i32
    "tpu.region"() ({
      %run_scoped3A = tpu.sem_alloc : memref<!tpu.dma_semaphore, #tpu.memory_space<semaphore_mem>>
      %dma_start3A = tpu.memref_slice %arg11[%mul3A_6] : memref<10240xf32, #tpu.memory_space<vmem_shared>> -> memref<640xf32, #tpu.memory_space<vmem_shared>>
      %dma_start3A_79 = tpu.memref_slice %arg6[%mul3A_4] : memref<10240xf32, #tpu.memory_space<hbm>> -> memref<640xf32, #tpu.memory_space<hbm>>
      tpu.enqueue_dma source(%dma_start3A_79 : memref<640xf32, #tpu.memory_space<hbm>>) target(%dma_start3A : memref<640xf32, #tpu.memory_space<vmem_shared>>) target_semaphore(%run_scoped3A : memref<!tpu.dma_semaphore, #tpu.memory_space<semaphore_mem>>)
      %dma_wait3A = tpu.memref_slice %arg11[%mul3A_6] : memref<10240xf32, #tpu.memory_space<vmem_shared>> -> memref<640xf32, #tpu.memory_space<vmem_shared>>
      %dma_wait3A_80 = tpu.memref_slice %arg6[%mul3A_4] : memref<10240xf32, #tpu.memory_space<hbm>> -> memref<640xf32, #tpu.memory_space<hbm>>
      tpu.wait_dma2 semaphore(%run_scoped3A : memref<!tpu.dma_semaphore, #tpu.memory_space<semaphore_mem>>) src(%dma_wait3A_80 : memref<640xf32, #tpu.memory_space<hbm>>) dst(%dma_wait3A : memref<640xf32, #tpu.memory_space<vmem_shared>>)
      tpu.yield
    }) : () -> ()
    %broadcast_in_dim3A = arith.constant 1.000000e+00 : f32
    %broadcast_in_dim3A_7 = vector.broadcast %broadcast_in_dim3A : f32 to vector<16xf32>
    %swap3A = arith.constant 0 : index
    %swap3A_8 = tpu.vector_load %arg16[%swap3A] {strides = array<i32>} : memref<128xf32, #tpu.memory_space<vmem>>, vector<16xf32>,
    %swap3A_9 = vector.shape_cast %swap3A_8 : vector<16xf32> to vector<16xf32>
    %swap3A_10 = vector.shape_cast %broadcast_in_dim3A_7 : vector<16xf32> to vector<16xf32>
    tpu.vector_store %arg16[%swap3A], %swap3A_10 {strides = array<i32>} : memref<128xf32, #tpu.memory_space<vmem>>, vector<16xf32>,
    %broadcast_in_dim3A_11 = arith.constant 1.000000e+00 : f32
    %broadcast_in_dim3A_12 = vector.broadcast %broadcast_in_dim3A_11 : f32 to vector<16xf32>
    %swap3A_13 = arith.constant 16 : index
    %swap3A_14 = tpu.vector_load %arg16[%swap3A_13] {strides = array<i32>} : memref<128xf32, #tpu.memory_space<vmem>>, vector<16xf32>,
    %swap3A_15 = vector.shape_cast %swap3A_14 : vector<16xf32> to vector<16xf32>
    %swap3A_16 = vector.shape_cast %broadcast_in_dim3A_12 : vector<16xf32> to vector<16xf32>
    tpu.vector_store %arg16[%swap3A_13], %swap3A_16 {strides = array<i32>} : memref<128xf32, #tpu.memory_space<vmem>>, vector<16xf32>,
    %broadcast_in_dim3A_17 = arith.constant 1.000000e+00 : f32
    %broadcast_in_dim3A_18 = vector.broadcast %broadcast_in_dim3A_17 : f32 to vector<16xf32>
    %swap3A_19 = arith.constant 32 : index
    %swap3A_20 = tpu.vector_load %arg16[%swap3A_19] {strides = array<i32>} : memref<128xf32, #tpu.memory_space<vmem>>, vector<16xf32>,
    %swap3A_21 = vector.shape_cast %swap3A_20 : vector<16xf32> to vector<16xf32>
    %swap3A_22 = vector.shape_cast %broadcast_in_dim3A_18 : vector<16xf32> to vector<16xf32>
    tpu.vector_store %arg16[%swap3A_19], %swap3A_22 {strides = array<i32>} : memref<128xf32, #tpu.memory_space<vmem>>, vector<16xf32>,
    %broadcast_in_dim3A_23 = arith.constant 1.000000e+00 : f32
    %broadcast_in_dim3A_24 = vector.broadcast %broadcast_in_dim3A_23 : f32 to vector<16xf32>
    %swap3A_25 = arith.constant 48 : index
    %swap3A_26 = tpu.vector_load %arg16[%swap3A_25] {strides = array<i32>} : memref<128xf32, #tpu.memory_space<vmem>>, vector<16xf32>,
    %swap3A_27 = vector.shape_cast %swap3A_26 : vector<16xf32> to vector<16xf32>
    %swap3A_28 = vector.shape_cast %broadcast_in_dim3A_24 : vector<16xf32> to vector<16xf32>
    tpu.vector_store %arg16[%swap3A_25], %swap3A_28 {strides = array<i32>} : memref<128xf32, #tpu.memory_space<vmem>>, vector<16xf32>,
    %broadcast_in_dim3A_29 = arith.constant 1.000000e+00 : f32
    %broadcast_in_dim3A_30 = vector.broadcast %broadcast_in_dim3A_29 : f32 to vector<16xf32>
    %swap3A_31 = arith.constant 64 : index
    %swap3A_32 = tpu.vector_load %arg16[%swap3A_31] {strides = array<i32>} : memref<128xf32, #tpu.memory_space<vmem>>, vector<16xf32>,
    %swap3A_33 = vector.shape_cast %swap3A_32 : vector<16xf32> to vector<16xf32>
    %swap3A_34 = vector.shape_cast %broadcast_in_dim3A_30 : vector<16xf32> to vector<16xf32>
    tpu.vector_store %arg16[%swap3A_31], %swap3A_34 {strides = array<i32>} : memref<128xf32, #tpu.memory_space<vmem>>, vector<16xf32>,
    %broadcast_in_dim3A_35 = arith.constant 1.000000e+00 : f32
    %broadcast_in_dim3A_36 = vector.broadcast %broadcast_in_dim3A_35 : f32 to vector<16xf32>
    %swap3A_37 = arith.constant 80 : index
    %swap3A_38 = tpu.vector_load %arg16[%swap3A_37] {strides = array<i32>} : memref<128xf32, #tpu.memory_space<vmem>>, vector<16xf32>,
    %swap3A_39 = vector.shape_cast %swap3A_38 : vector<16xf32> to vector<16xf32>
    %swap3A_40 = vector.shape_cast %broadcast_in_dim3A_36 : vector<16xf32> to vector<16xf32>
    tpu.vector_store %arg16[%swap3A_37], %swap3A_40 {strides = array<i32>} : memref<128xf32, #tpu.memory_space<vmem>>, vector<16xf32>,
    %broadcast_in_dim3A_41 = arith.constant 1.000000e+00 : f32
    %broadcast_in_dim3A_42 = vector.broadcast %broadcast_in_dim3A_41 : f32 to vector<16xf32>
    %swap3A_43 = arith.constant 96 : index
    %swap3A_44 = tpu.vector_load %arg16[%swap3A_43] {strides = array<i32>} : memref<128xf32, #tpu.memory_space<vmem>>, vector<16xf32>,
    %swap3A_45 = vector.shape_cast %swap3A_44 : vector<16xf32> to vector<16xf32>
    %swap3A_46 = vector.shape_cast %broadcast_in_dim3A_42 : vector<16xf32> to vector<16xf32>
    tpu.vector_store %arg16[%swap3A_43], %swap3A_46 {strides = array<i32>} : memref<128xf32, #tpu.memory_space<vmem>>, vector<16xf32>,
    %broadcast_in_dim3A_47 = arith.constant 1.000000e+00 : f32
    %broadcast_in_dim3A_48 = vector.broadcast %broadcast_in_dim3A_47 : f32 to vector<16xf32>
    %swap3A_49 = arith.constant 112 : index
    %swap3A_50 = tpu.vector_load %arg16[%swap3A_49] {strides = array<i32>} : memref<128xf32, #tpu.memory_space<vmem>>, vector<16xf32>,
    %swap3A_51 = vector.shape_cast %swap3A_50 : vector<16xf32> to vector<16xf32>
    %swap3A_52 = vector.shape_cast %broadcast_in_dim3A_48 : vector<16xf32> to vector<16xf32>
    tpu.vector_store %arg16[%swap3A_49], %swap3A_52 {strides = array<i32>} : memref<128xf32, #tpu.memory_space<vmem>>, vector<16xf32>,
    %mul3A_53 = arith.constant 16 : i32
    %mul3A_54 = arith.muli %arg0, %mul3A_53 : i32
    %add3A = arith.addi %mul3A_54, %arg1 : i32
    %mul3A_55 = arith.constant 80 : i32
    %mul3A_56 = arith.muli %add3A, %mul3A_55 : i32
    %barrier3A = arith.constant 0 : index
    tpu.barrier barrier_id(%barrier3A)
    %scan3A = arith.constant 0 : i32
    %scan3A_57 = arith.constant 0 : i32
    %scan3A_58 = arith.constant 5 : i32
    %scan3A_59 = arith.addi %scan3A_57, %scan3A_58 : i32
    %scan3A_60 = arith.constant 1 : i32
    scf.for %scan3A_79 = %scan3A_57 to %scan3A_59 step %scan3A_60  : i32 {
      %mul3A_80 = arith.constant 16 : i32
      %mul3A_81 = arith.muli %scan3A_79, %mul3A_80 : i32
      %add3A_82 = arith.addi %mul3A_56, %mul3A_81 : i32
      "tpu.region"() ({
        %run_scoped3A = tpu.sem_alloc : memref<!tpu.dma_semaphore, #tpu.memory_space<semaphore_mem>>
        %dma_start3A_102 = arith.constant 0 : i32
        %dma_start3A_103 = tpu.memref_slice %arg3[%add3A_82, %dma_start3A_102] : memref<2560x128xi32, #tpu.memory_space<hbm>> -> memref<16x128xi32, #tpu.memory_space<hbm>>
        %dma_start3A_104 = arith.constant 0 : i32
        %dma_start3A_105 = tpu.memref_slice %arg3[%add3A_82, %dma_start3A_104] : memref<2560x128xi32, #tpu.memory_space<hbm>> -> memref<16x128xi32, #tpu.memory_space<hbm>>
        tpu.enqueue_dma source(%dma_start3A_105 : memref<16x128xi32, #tpu.memory_space<hbm>>) target(%arg12 : memref<16x128xi32, #tpu.memory_space<vmem>>) target_semaphore(%run_scoped3A : memref<!tpu.dma_semaphore, #tpu.memory_space<semaphore_mem>>)
        %dma_wait3A = arith.constant 0 : i32
        %dma_wait3A_106 = tpu.memref_slice %arg3[%add3A_82, %dma_wait3A] : memref<2560x128xi32, #tpu.memory_space<hbm>> -> memref<16x128xi32, #tpu.memory_space<hbm>>
        %dma_wait3A_107 = arith.constant 0 : i32
        %dma_wait3A_108 = tpu.memref_slice %arg3[%add3A_82, %dma_wait3A_107] : memref<2560x128xi32, #tpu.memory_space<hbm>> -> memref<16x128xi32, #tpu.memory_space<hbm>>
        tpu.wait_dma2 semaphore(%run_scoped3A : memref<!tpu.dma_semaphore, #tpu.memory_space<semaphore_mem>>) src(%dma_wait3A_108 : memref<16x128xi32, #tpu.memory_space<hbm>>) dst(%arg12 : memref<16x128xi32, #tpu.memory_space<vmem>>)
        tpu.yield
      }) : () -> ()
      %mul3A_83 = arith.constant 16 : i32
      %mul3A_84 = arith.muli %scan3A_79, %mul3A_83 : i32
      %add3A_85 = arith.addi %mul3A_56, %mul3A_84 : i32
      "tpu.region"() ({
        %run_scoped3A = tpu.sem_alloc : memref<!tpu.dma_semaphore, #tpu.memory_space<semaphore_mem>>
        %dma_start3A_102 = arith.constant 0 : i32
        %dma_start3A_103 = tpu.memref_slice %arg4[%add3A_85, %dma_start3A_102] : memref<2560x128xi32, #tpu.memory_space<hbm>> -> memref<16x128xi32, #tpu.memory_space<hbm>>
        %dma_start3A_104 = arith.constant 0 : i32
        %dma_start3A_105 = tpu.memref_slice %arg4[%add3A_85, %dma_start3A_104] : memref<2560x128xi32, #tpu.memory_space<hbm>> -> memref<16x128xi32, #tpu.memory_space<hbm>>
        tpu.enqueue_dma source(%dma_start3A_105 : memref<16x128xi32, #tpu.memory_space<hbm>>) target(%arg13 : memref<16x128xi32, #tpu.memory_space<vmem>>) target_semaphore(%run_scoped3A : memref<!tpu.dma_semaphore, #tpu.memory_space<semaphore_mem>>)
        %dma_wait3A = arith.constant 0 : i32
        %dma_wait3A_106 = tpu.memref_slice %arg4[%add3A_85, %dma_wait3A] : memref<2560x128xi32, #tpu.memory_space<hbm>> -> memref<16x128xi32, #tpu.memory_space<hbm>>
        %dma_wait3A_107 = arith.constant 0 : i32
        %dma_wait3A_108 = tpu.memref_slice %arg4[%add3A_85, %dma_wait3A_107] : memref<2560x128xi32, #tpu.memory_space<hbm>> -> memref<16x128xi32, #tpu.memory_space<hbm>>
        tpu.wait_dma2 semaphore(%run_scoped3A : memref<!tpu.dma_semaphore, #tpu.memory_space<semaphore_mem>>) src(%dma_wait3A_108 : memref<16x128xi32, #tpu.memory_space<hbm>>) dst(%arg13 : memref<16x128xi32, #tpu.memory_space<vmem>>)
        tpu.yield
      }) : () -> ()
      %dma_start3A = arith.constant 0 : i32
      %dma_start3A_86 = arith.constant 0 : i32
      %dma_start3A_87 = tpu.memref_slice %arg12[%dma_start3A, %dma_start3A_86] : memref<16x128xi32, #tpu.memory_space<vmem>> -> memref<1x128xi32, #tpu.memory_space<vmem>>
      %dma_start3A_88 = tpu.memref_squeeze %dma_start3A_87 : memref<1x128xi32, #tpu.memory_space<vmem>> -> memref<128xi32, #tpu.memory_space<vmem>>
      %dma_start3A_89 = arith.constant 0 : i32
      %dma_start3A_90 = arith.constant 0 : i32
      %dma_start3A_91 = tpu.memref_slice %arg2[%dma_start3A_89, %dma_start3A_90] : memref<10000x128xf32, #tpu.memory_space<hbm>> -> memref<10000x128xf32, #tpu.memory_space<hbm>>
      tpu.enqueue_indirect_dma source(%dma_start3A_91 : memref<10000x128xf32, #tpu.memory_space<hbm>>) target(%arg14 : memref<128x128xf32, #tpu.memory_space<vmem>>) offsets(%dma_start3A_88 : memref<128xi32, #tpu.memory_space<vmem>>) semaphore(%arg17 : memref<!tpu.dma_semaphore, #tpu.memory_space<semaphore_mem>>)
      %scan3A_92 = arith.constant 0 : i32
      %scan3A_93 = arith.constant 8 : i32
      %scan3A_94 = arith.addi %scan3A_92, %scan3A_93 : i32
      %scan3A_95 = arith.constant 1 : i32
      scf.for %scan3A_102 = %scan3A_92 to %scan3A_94 step %scan3A_95  : i32 {
        %mul3A_103 = arith.constant 2 : i32
        %mul3A_104 = arith.muli %mul3A_103, %scan3A_102 : i32
        %add3A_105 = arith.constant 1 : i32
        %add3A_106 = arith.addi %mul3A_104, %add3A_105 : i32
        %dma_start3A_107 = arith.constant 0 : i32
        %dma_start3A_108 = tpu.memref_slice %arg12[%add3A_106, %dma_start3A_107] : memref<16x128xi32, #tpu.memory_space<vmem>> -> memref<1x128xi32, #tpu.memory_space<vmem>>
        %dma_start3A_109 = tpu.memref_squeeze %dma_start3A_108 : memref<1x128xi32, #tpu.memory_space<vmem>> -> memref<128xi32, #tpu.memory_space<vmem>>
        %dma_start3A_110 = arith.constant 0 : i32
        %dma_start3A_111 = arith.constant 0 : i32
        %dma_start3A_112 = tpu.memref_slice %arg2[%dma_start3A_110, %dma_start3A_111] : memref<10000x128xf32, #tpu.memory_space<hbm>> -> memref<10000x128xf32, #tpu.memory_space<hbm>>
        tpu.enqueue_indirect_dma source(%dma_start3A_112 : memref<10000x128xf32, #tpu.memory_space<hbm>>) target(%arg15 : memref<128x128xf32, #tpu.memory_space<vmem>>) offsets(%dma_start3A_109 : memref<128xi32, #tpu.memory_space<vmem>>) semaphore(%arg18 : memref<!tpu.dma_semaphore, #tpu.memory_space<semaphore_mem>>)
        %dma_wait3A = arith.constant 0 : i32
        %dma_wait3A_113 = arith.constant 0 : i32
        %dma_wait3A_114 = tpu.memref_slice %arg12[%dma_wait3A, %dma_wait3A_113] : memref<16x128xi32, #tpu.memory_space<vmem>> -> memref<1x128xi32, #tpu.memory_space<vmem>>
        %dma_wait3A_115 = tpu.memref_squeeze %dma_wait3A_114 : memref<1x128xi32, #tpu.memory_space<vmem>> -> memref<128xi32, #tpu.memory_space<vmem>>
        %dma_wait3A_116 = arith.constant 0 : i32
        %dma_wait3A_117 = arith.constant 0 : i32
        %dma_wait3A_118 = tpu.memref_slice %arg2[%dma_wait3A_116, %dma_wait3A_117] : memref<10000x128xf32, #tpu.memory_space<hbm>> -> memref<10000x128xf32, #tpu.memory_space<hbm>>
        tpu.wait_indirect_dma semaphore(%arg17 : memref<!tpu.dma_semaphore, #tpu.memory_space<semaphore_mem>>) src(%dma_wait3A_118 : memref<10000x128xf32, #tpu.memory_space<hbm>>) dst(%arg14 : memref<128x128xf32, #tpu.memory_space<vmem>>)
        "tpu.region"() ({
          %run_scoped3A = tpu.sem_alloc : memref<!tpu.dma_semaphore, #tpu.memory_space<semaphore_mem>>
          %dma_start3A_147 = arith.constant 0 : i32
          %dma_start3A_148 = tpu.memref_slice %arg13[%mul3A_104, %dma_start3A_147] : memref<16x128xi32, #tpu.memory_space<vmem>> -> memref<1x128xi32, #tpu.memory_space<vmem>>
          %dma_start3A_149 = tpu.memref_squeeze %dma_start3A_148 : memref<1x128xi32, #tpu.memory_space<vmem>> -> memref<128xi32, #tpu.memory_space<vmem>>
          %dma_start3A_150 = arith.constant 0 : i32
          %dma_start3A_151 = arith.constant 0 : i32
          %dma_start3A_152 = tpu.memref_slice %arg10[%dma_start3A_150, %dma_start3A_151] : memref<10240x128xf32, #tpu.memory_space<vmem_shared>> -> memref<10240x128xf32, #tpu.memory_space<vmem_shared>>
          tpu.enqueue_indirect_dma source(%arg14 : memref<128x128xf32, #tpu.memory_space<vmem>>) target(%dma_start3A_152 : memref<10240x128xf32, #tpu.memory_space<vmem_shared>>) offsets(%dma_start3A_149 : memref<128xi32, #tpu.memory_space<vmem>>) semaphore(%run_scoped3A : memref<!tpu.dma_semaphore, #tpu.memory_space<semaphore_mem>>) {add = true}
          %dma_wait3A_153 = arith.constant 0 : i32
          %dma_wait3A_154 = tpu.memref_slice %arg13[%mul3A_104, %dma_wait3A_153] : memref<16x128xi32, #tpu.memory_space<vmem>> -> memref<1x128xi32, #tpu.memory_space<vmem>>
          %dma_wait3A_155 = tpu.memref_squeeze %dma_wait3A_154 : memref<1x128xi32, #tpu.memory_space<vmem>> -> memref<128xi32, #tpu.memory_space<vmem>>
          %dma_wait3A_156 = arith.constant 0 : i32
          %dma_wait3A_157 = arith.constant 0 : i32
          %dma_wait3A_158 = tpu.memref_slice %arg10[%dma_wait3A_156, %dma_wait3A_157] : memref<10240x128xf32, #tpu.memory_space<vmem_shared>> -> memref<10240x128xf32, #tpu.memory_space<vmem_shared>>
          tpu.wait_indirect_dma semaphore(%run_scoped3A : memref<!tpu.dma_semaphore, #tpu.memory_space<semaphore_mem>>) src(%arg14 : memref<128x128xf32, #tpu.memory_space<vmem>>) dst(%dma_wait3A_158 : memref<10240x128xf32, #tpu.memory_space<vmem_shared>>)
          tpu.yield
        }) : () -> ()
        %dma_start3A_119 = arith.constant 0 : i32
        %dma_start3A_120 = tpu.memref_slice %arg13[%mul3A_104, %dma_start3A_119] : memref<16x128xi32, #tpu.memory_space<vmem>> -> memref<1x128xi32, #tpu.memory_space<vmem>>
        %dma_start3A_121 = tpu.memref_squeeze %dma_start3A_120 : memref<1x128xi32, #tpu.memory_space<vmem>> -> memref<128xi32, #tpu.memory_space<vmem>>
        %dma_start3A_122 = arith.constant 0 : i32
        %dma_start3A_123 = tpu.memref_slice %arg11[%dma_start3A_122] : memref<10240xf32, #tpu.memory_space<vmem_shared>> -> memref<10240xf32, #tpu.memory_space<vmem_shared>>
        tpu.enqueue_indirect_dma source(%arg16 : memref<128xf32, #tpu.memory_space<vmem>>) target(%dma_start3A_123 : memref<10240xf32, #tpu.memory_space<vmem_shared>>) offsets(%dma_start3A_121 : memref<128xi32, #tpu.memory_space<vmem>>) semaphore(%arg19 : memref<!tpu.dma_semaphore, #tpu.memory_space<semaphore_mem>>) {add = true}
        %add3A_124 = arith.constant 2 : i32
        %add3A_125 = arith.addi %mul3A_104, %add3A_124 : i32
        %lt3A_126 = arith.constant 16 : i32
        %lt3A_127 = arith.cmpi slt, %add3A_125, %lt3A_126 : i32
        %convert_element_type3A_128 = arith.extui %lt3A_127 : i1 to i32
        %cond3A_129 = arith.constant 0 : i32
        %cond3A_130 = arith.cmpi ne, %convert_element_type3A_128, %cond3A_129 : i32
        scf.if %cond3A_130 {
          %add3A_147 = arith.constant 2 : i32
          %add3A_148 = arith.addi %mul3A_104, %add3A_147 : i32
          %dma_start3A_149 = arith.constant 0 : i32
          %dma_start3A_150 = tpu.memref_slice %arg12[%add3A_148, %dma_start3A_149] : memref<16x128xi32, #tpu.memory_space<vmem>> -> memref<1x128xi32, #tpu.memory_space<vmem>>
          %dma_start3A_151 = tpu.memref_squeeze %dma_start3A_150 : memref<1x128xi32, #tpu.memory_space<vmem>> -> memref<128xi32, #tpu.memory_space<vmem>>
          %dma_start3A_152 = arith.constant 0 : i32
          %dma_start3A_153 = arith.constant 0 : i32
          %dma_start3A_154 = tpu.memref_slice %arg2[%dma_start3A_152, %dma_start3A_153] : memref<10000x128xf32, #tpu.memory_space<hbm>> -> memref<10000x128xf32, #tpu.memory_space<hbm>>
          tpu.enqueue_indirect_dma source(%dma_start3A_154 : memref<10000x128xf32, #tpu.memory_space<hbm>>) target(%arg14 : memref<128x128xf32, #tpu.memory_space<vmem>>) offsets(%dma_start3A_151 : memref<128xi32, #tpu.memory_space<vmem>>) semaphore(%arg17 : memref<!tpu.dma_semaphore, #tpu.memory_space<semaphore_mem>>)
        } else {
        }
        %dma_wait3A_131 = arith.constant 0 : i32
        %dma_wait3A_132 = arith.constant 0 : i32
        %dma_wait3A_133 = tpu.memref_slice %arg12[%dma_wait3A_131, %dma_wait3A_132] : memref<16x128xi32, #tpu.memory_space<vmem>> -> memref<1x128xi32, #tpu.memory_space<vmem>>
        %dma_wait3A_134 = tpu.memref_squeeze %dma_wait3A_133 : memref<1x128xi32, #tpu.memory_space<vmem>> -> memref<128xi32, #tpu.memory_space<vmem>>
        %dma_wait3A_135 = arith.constant 0 : i32
        %dma_wait3A_136 = arith.constant 0 : i32
        %dma_wait3A_137 = tpu.memref_slice %arg2[%dma_wait3A_135, %dma_wait3A_136] : memref<10000x128xf32, #tpu.memory_space<hbm>> -> memref<10000x128xf32, #tpu.memory_space<hbm>>
        tpu.wait_indirect_dma semaphore(%arg18 : memref<!tpu.dma_semaphore, #tpu.memory_space<semaphore_mem>>) src(%dma_wait3A_137 : memref<10000x128xf32, #tpu.memory_space<hbm>>) dst(%arg15 : memref<128x128xf32, #tpu.memory_space<vmem>>)
        %add3A_138 = arith.constant 1 : i32
        %add3A_139 = arith.addi %mul3A_104, %add3A_138 : i32
        "tpu.region"() ({
          %run_scoped3A = tpu.sem_alloc : memref<!tpu.dma_semaphore, #tpu.memory_space<semaphore_mem>>
          %dma_start3A_147 = arith.constant 0 : i32
          %dma_start3A_148 = tpu.memref_slice %arg13[%add3A_139, %dma_start3A_147] : memref<16x128xi32, #tpu.memory_space<vmem>> -> memref<1x128xi32, #tpu.memory_space<vmem>>
          %dma_start3A_149 = tpu.memref_squeeze %dma_start3A_148 : memref<1x128xi32, #tpu.memory_space<vmem>> -> memref<128xi32, #tpu.memory_space<vmem>>
          %dma_start3A_150 = arith.constant 0 : i32
          %dma_start3A_151 = arith.constant 0 : i32
          %dma_start3A_152 = tpu.memref_slice %arg10[%dma_start3A_150, %dma_start3A_151] : memref<10240x128xf32, #tpu.memory_space<vmem_shared>> -> memref<10240x128xf32, #tpu.memory_space<vmem_shared>>
          tpu.enqueue_indirect_dma source(%arg15 : memref<128x128xf32, #tpu.memory_space<vmem>>) target(%dma_start3A_152 : memref<10240x128xf32, #tpu.memory_space<vmem_shared>>) offsets(%dma_start3A_149 : memref<128xi32, #tpu.memory_space<vmem>>) semaphore(%run_scoped3A : memref<!tpu.dma_semaphore, #tpu.memory_space<semaphore_mem>>) {add = true}
          %dma_wait3A_153 = arith.constant 0 : i32
          %dma_wait3A_154 = tpu.memref_slice %arg13[%add3A_139, %dma_wait3A_153] : memref<16x128xi32, #tpu.memory_space<vmem>> -> memref<1x128xi32, #tpu.memory_space<vmem>>
          %dma_wait3A_155 = tpu.memref_squeeze %dma_wait3A_154 : memref<1x128xi32, #tpu.memory_space<vmem>> -> memref<128xi32, #tpu.memory_space<vmem>>
          %dma_wait3A_156 = arith.constant 0 : i32
          %dma_wait3A_157 = arith.constant 0 : i32
          %dma_wait3A_158 = tpu.memref_slice %arg10[%dma_wait3A_156, %dma_wait3A_157] : memref<10240x128xf32, #tpu.memory_space<vmem_shared>> -> memref<10240x128xf32, #tpu.memory_space<vmem_shared>>
          tpu.wait_indirect_dma semaphore(%run_scoped3A : memref<!tpu.dma_semaphore, #tpu.memory_space<semaphore_mem>>) src(%arg15 : memref<128x128xf32, #tpu.memory_space<vmem>>) dst(%dma_wait3A_158 : memref<10240x128xf32, #tpu.memory_space<vmem_shared>>)
          tpu.yield
        }) : () -> ()
        %add3A_140 = arith.constant 1 : i32
        %add3A_141 = arith.addi %mul3A_104, %add3A_140 : i32
        %dma_start3A_142 = arith.constant 0 : i32
        %dma_start3A_143 = tpu.memref_slice %arg13[%add3A_141, %dma_start3A_142] : memref<16x128xi32, #tpu.memory_space<vmem>> -> memref<1x128xi32, #tpu.memory_space<vmem>>
        %dma_start3A_144 = tpu.memref_squeeze %dma_start3A_143 : memref<1x128xi32, #tpu.memory_space<vmem>> -> memref<128xi32, #tpu.memory_space<vmem>>
        %dma_start3A_145 = arith.constant 0 : i32
        %dma_start3A_146 = tpu.memref_slice %arg11[%dma_start3A_145] : memref<10240xf32, #tpu.memory_space<vmem_shared>> -> memref<10240xf32, #tpu.memory_space<vmem_shared>>
        tpu.enqueue_indirect_dma source(%arg16 : memref<128xf32, #tpu.memory_space<vmem>>) target(%dma_start3A_146 : memref<10240xf32, #tpu.memory_space<vmem_shared>>) offsets(%dma_start3A_144 : memref<128xi32, #tpu.memory_space<vmem>>) semaphore(%arg19 : memref<!tpu.dma_semaphore, #tpu.memory_space<semaphore_mem>>) {add = true}
      }
      %scan3A_96 = arith.constant 8 : i32
      %scan3A_97 = arith.constant 0 : i32
      %scan3A_98 = arith.constant 16 : i32
      %scan3A_99 = arith.addi %scan3A_97, %scan3A_98 : i32
      %scan3A_100 = arith.constant 1 : i32
      scf.for %scan3A_102 = %scan3A_97 to %scan3A_99 step %scan3A_100  : i32 {
        %dma_wait3A = arith.constant 0 : i32
        %dma_wait3A_103 = arith.constant 0 : i32
        %dma_wait3A_104 = tpu.memref_slice %arg13[%dma_wait3A, %dma_wait3A_103] : memref<16x128xi32, #tpu.memory_space<vmem>> -> memref<1x128xi32, #tpu.memory_space<vmem>>
        %dma_wait3A_105 = tpu.memref_squeeze %dma_wait3A_104 : memref<1x128xi32, #tpu.memory_space<vmem>> -> memref<128xi32, #tpu.memory_space<vmem>>
        %dma_wait3A_106 = arith.constant 0 : i32
        %dma_wait3A_107 = tpu.memref_slice %arg11[%dma_wait3A_106] : memref<10240xf32, #tpu.memory_space<vmem_shared>> -> memref<10240xf32, #tpu.memory_space<vmem_shared>>
        tpu.wait_indirect_dma semaphore(%arg19 : memref<!tpu.dma_semaphore, #tpu.memory_space<semaphore_mem>>) src(%arg16 : memref<128xf32, #tpu.memory_space<vmem>>) dst(%dma_wait3A_107 : memref<10240xf32, #tpu.memory_space<vmem_shared>>)
      }
      %scan3A_101 = arith.constant 16 : i32
    }
    %scan3A_61 = arith.constant 5 : i32
    %barrier3A_62 = arith.constant 0 : index
    tpu.barrier barrier_id(%barrier3A_62)
    %lt3A = arith.constant 15 : i32
    %lt3A_63 = arith.cmpi slt, %arg1, %lt3A : i32
    %convert_element_type3A = arith.extui %lt3A_63 : i1 to i32
    %cond3A = arith.constant 0 : i32
    %cond3A_64 = arith.cmpi ne, %convert_element_type3A, %cond3A : i32
    scf.if %cond3A_64 {
      %mul3A_79 = arith.constant 640 : i32
      %mul3A_80 = arith.muli %arg1, %mul3A_79 : i32
      %mul3A_81 = arith.constant 640 : i32
      %mul3A_82 = arith.muli %arg1, %mul3A_81 : i32
      "tpu.region"() ({
        %run_scoped3A = tpu.sem_alloc : memref<!tpu.dma_semaphore, #tpu.memory_space<semaphore_mem>>
        %dma_start3A = arith.constant 0 : i32
        %dma_start3A_83 = tpu.memref_slice %arg7[%arg0, %mul3A_82, %dma_start3A] : memref<2x10000x128xf32, #tpu.memory_space<hbm>> -> memref<1x640x128xf32, #tpu.memory_space<hbm>>
        %dma_start3A_84 = tpu.memref_squeeze %dma_start3A_83 : memref<1x640x128xf32, #tpu.memory_space<hbm>> -> memref<640x128xf32, #tpu.memory_space<hbm>>
        %dma_start3A_85 = arith.constant 0 : i32
        %dma_start3A_86 = tpu.memref_slice %arg10[%mul3A_80, %dma_start3A_85] : memref<10240x128xf32, #tpu.memory_space<vmem_shared>> -> memref<640x128xf32, #tpu.memory_space<vmem_shared>>
        tpu.enqueue_dma source(%dma_start3A_86 : memref<640x128xf32, #tpu.memory_space<vmem_shared>>) target(%dma_start3A_84 : memref<640x128xf32, #tpu.memory_space<hbm>>) target_semaphore(%run_scoped3A : memref<!tpu.dma_semaphore, #tpu.memory_space<semaphore_mem>>)
        %dma_wait3A = arith.constant 0 : i32
        %dma_wait3A_87 = tpu.memref_slice %arg7[%arg0, %mul3A_82, %dma_wait3A] : memref<2x10000x128xf32, #tpu.memory_space<hbm>> -> memref<1x640x128xf32, #tpu.memory_space<hbm>>
        %dma_wait3A_88 = tpu.memref_squeeze %dma_wait3A_87 : memref<1x640x128xf32, #tpu.memory_space<hbm>> -> memref<640x128xf32, #tpu.memory_space<hbm>>
        %dma_wait3A_89 = arith.constant 0 : i32
        %dma_wait3A_90 = tpu.memref_slice %arg10[%mul3A_80, %dma_wait3A_89] : memref<10240x128xf32, #tpu.memory_space<vmem_shared>> -> memref<640x128xf32, #tpu.memory_space<vmem_shared>>
        tpu.wait_dma2 semaphore(%run_scoped3A : memref<!tpu.dma_semaphore, #tpu.memory_space<semaphore_mem>>) src(%dma_wait3A_90 : memref<640x128xf32, #tpu.memory_space<vmem_shared>>) dst(%dma_wait3A_88 : memref<640x128xf32, #tpu.memory_space<hbm>>)
        tpu.yield
      }) : () -> ()
    } else {
    }
    %eq3A = arith.constant 15 : i32
    %eq3A_65 = arith.cmpi eq, %arg1, %eq3A : i32
    %convert_element_type3A_66 = arith.extui %eq3A_65 : i1 to i32
    %cond3A_67 = arith.constant 0 : i32
    %cond3A_68 = arith.cmpi ne, %convert_element_type3A_66, %cond3A_67 : i32
    scf.if %cond3A_68 {
      "tpu.region"() ({
        %run_scoped3A = tpu.sem_alloc : memref<!tpu.dma_semaphore, #tpu.memory_space<semaphore_mem>>
        %dma_start3A = arith.constant 9600 : i32
        %dma_start3A_79 = arith.constant 0 : i32
        %dma_start3A_80 = tpu.memref_slice %arg7[%arg0, %dma_start3A, %dma_start3A_79] : memref<2x10000x128xf32, #tpu.memory_space<hbm>> -> memref<1x400x128xf32, #tpu.memory_space<hbm>>
        %dma_start3A_81 = tpu.memref_squeeze %dma_start3A_80 : memref<1x400x128xf32, #tpu.memory_space<hbm>> -> memref<400x128xf32, #tpu.memory_space<hbm>>
        %dma_start3A_82 = arith.constant 9600 : i32
        %dma_start3A_83 = arith.constant 0 : i32
        %dma_start3A_84 = tpu.memref_slice %arg10[%dma_start3A_82, %dma_start3A_83] : memref<10240x128xf32, #tpu.memory_space<vmem_shared>> -> memref<400x128xf32, #tpu.memory_space<vmem_shared>>
        tpu.enqueue_dma source(%dma_start3A_84 : memref<400x128xf32, #tpu.memory_space<vmem_shared>>) target(%dma_start3A_81 : memref<400x128xf32, #tpu.memory_space<hbm>>) target_semaphore(%run_scoped3A : memref<!tpu.dma_semaphore, #tpu.memory_space<semaphore_mem>>)
        %dma_wait3A = arith.constant 9600 : i32
        %dma_wait3A_85 = arith.constant 0 : i32
        %dma_wait3A_86 = tpu.memref_slice %arg7[%arg0, %dma_wait3A, %dma_wait3A_85] : memref<2x10000x128xf32, #tpu.memory_space<hbm>> -> memref<1x400x128xf32, #tpu.memory_space<hbm>>
        %dma_wait3A_87 = tpu.memref_squeeze %dma_wait3A_86 : memref<1x400x128xf32, #tpu.memory_space<hbm>> -> memref<400x128xf32, #tpu.memory_space<hbm>>
        %dma_wait3A_88 = arith.constant 9600 : i32
        %dma_wait3A_89 = arith.constant 0 : i32
        %dma_wait3A_90 = tpu.memref_slice %arg10[%dma_wait3A_88, %dma_wait3A_89] : memref<10240x128xf32, #tpu.memory_space<vmem_shared>> -> memref<400x128xf32, #tpu.memory_space<vmem_shared>>
        tpu.wait_dma2 semaphore(%run_scoped3A : memref<!tpu.dma_semaphore, #tpu.memory_space<semaphore_mem>>) src(%dma_wait3A_90 : memref<400x128xf32, #tpu.memory_space<vmem_shared>>) dst(%dma_wait3A_87 : memref<400x128xf32, #tpu.memory_space<hbm>>)
        tpu.yield
      }) : () -> ()
    } else {
    }
    %eq3A_69 = arith.constant 0 : i32
    %eq3A_70 = arith.cmpi eq, %arg0, %eq3A_69 : i32
    %convert_element_type3A_71 = arith.extui %eq3A_70 : i1 to i32
    %cond3A_72 = arith.constant 0 : i32
    %cond3A_73 = arith.cmpi ne, %convert_element_type3A_71, %cond3A_72 : i32
    scf.if %cond3A_73 {
      %mul3A_79 = arith.constant 640 : i32
      %mul3A_80 = arith.muli %arg1, %mul3A_79 : i32
      %mul3A_81 = arith.constant 640 : i32
      %mul3A_82 = arith.muli %arg1, %mul3A_81 : i32
      "tpu.region"() ({
        %run_scoped3A = tpu.sem_alloc : memref<!tpu.dma_semaphore, #tpu.memory_space<semaphore_mem>>
        %dma_start3A = tpu.memref_slice %arg8[%mul3A_82] : memref<10240xf32, #tpu.memory_space<hbm>> -> memref<640xf32, #tpu.memory_space<hbm>>
        %dma_start3A_83 = tpu.memref_slice %arg11[%mul3A_80] : memref<10240xf32, #tpu.memory_space<vmem_shared>> -> memref<640xf32, #tpu.memory_space<vmem_shared>>
        tpu.enqueue_dma source(%dma_start3A_83 : memref<640xf32, #tpu.memory_space<vmem_shared>>) target(%dma_start3A : memref<640xf32, #tpu.memory_space<hbm>>) target_semaphore(%run_scoped3A : memref<!tpu.dma_semaphore, #tpu.memory_space<semaphore_mem>>)
        %dma_wait3A = tpu.memref_slice %arg8[%mul3A_82] : memref<10240xf32, #tpu.memory_space<hbm>> -> memref<640xf32, #tpu.memory_space<hbm>>
        %dma_wait3A_84 = tpu.memref_slice %arg11[%mul3A_80] : memref<10240xf32, #tpu.memory_space<vmem_shared>> -> memref<640xf32, #tpu.memory_space<vmem_shared>>
        tpu.wait_dma2 semaphore(%run_scoped3A : memref<!tpu.dma_semaphore, #tpu.memory_space<semaphore_mem>>) src(%dma_wait3A_84 : memref<640xf32, #tpu.memory_space<vmem_shared>>) dst(%dma_wait3A : memref<640xf32, #tpu.memory_space<hbm>>)
        tpu.yield
      }) : () -> ()
    } else {
    }
    %eq3A_74 = arith.constant 1 : i32
    %eq3A_75 = arith.cmpi eq, %arg0, %eq3A_74 : i32
    %convert_element_type3A_76 = arith.extui %eq3A_75 : i1 to i32
    %cond3A_77 = arith.constant 0 : i32
    %cond3A_78 = arith.cmpi ne, %convert_element_type3A_76, %cond3A_77 : i32
    scf.if %cond3A_78 {
      %mul3A_79 = arith.constant 640 : i32
      %mul3A_80 = arith.muli %arg1, %mul3A_79 : i32
      %mul3A_81 = arith.constant 640 : i32
      %mul3A_82 = arith.muli %arg1, %mul3A_81 : i32
      "tpu.region"() ({
        %run_scoped3A = tpu.sem_alloc : memref<!tpu.dma_semaphore, #tpu.memory_space<semaphore_mem>>
        %dma_start3A = tpu.memref_slice %arg9[%mul3A_82] : memref<10240xf32, #tpu.memory_space<hbm>> -> memref<640xf32, #tpu.memory_space<hbm>>
        %dma_start3A_83 = tpu.memref_slice %arg11[%mul3A_80] : memref<10240xf32, #tpu.memory_space<vmem_shared>> -> memref<640xf32, #tpu.memory_space<vmem_shared>>
        tpu.enqueue_dma source(%dma_start3A_83 : memref<640xf32, #tpu.memory_space<vmem_shared>>) target(%dma_start3A : memref<640xf32, #tpu.memory_space<hbm>>) target_semaphore(%run_scoped3A : memref<!tpu.dma_semaphore, #tpu.memory_space<semaphore_mem>>)
        %dma_wait3A = tpu.memref_slice %arg9[%mul3A_82] : memref<10240xf32, #tpu.memory_space<hbm>> -> memref<640xf32, #tpu.memory_space<hbm>>
        %dma_wait3A_84 = tpu.memref_slice %arg11[%mul3A_80] : memref<10240xf32, #tpu.memory_space<vmem_shared>> -> memref<640xf32, #tpu.memory_space<vmem_shared>>
        tpu.wait_dma2 semaphore(%run_scoped3A : memref<!tpu.dma_semaphore, #tpu.memory_space<semaphore_mem>>) src(%dma_wait3A_84 : memref<640xf32, #tpu.memory_space<vmem_shared>>) dst(%dma_wait3A : memref<640xf32, #tpu.memory_space<hbm>>)
        tpu.yield
      }) : () -> ()
    } else {
    }
    return
  }
}

#map = affine_map<(d0, d1) -> (0, 0)>
#map1 = affine_map<(d0, d1) -> (0, 0, 0)>
module attributes {stable_mosaic.version = 14 : i64} {
  func.func @_sc_layer2(%arg0: i32, %arg1: i32, %arg2: memref<10000x128xf32, #tpu.memory_space<hbm>>, %arg3: memref<10000x128xf32, #tpu.memory_space<hbm>>, %arg4: memref<2560x128xi32, #tpu.memory_space<hbm>>, %arg5: memref<2560x128xi32, #tpu.memory_space<hbm>>, %arg6: memref<10240x128xf32, #tpu.memory_space<hbm>>, %arg7: memref<2x10000x128xf32, #tpu.memory_space<hbm>>, %arg8: memref<10240x128xf32, #tpu.memory_space<vmem_shared>>, %arg9: memref<16x128xi32, #tpu.memory_space<vmem>>, %arg10: memref<16x128xi32, #tpu.memory_space<vmem>>, %arg11: memref<128x128xf32, #tpu.memory_space<vmem>>, %arg12: memref<128x128xf32, #tpu.memory_space<vmem>>, %arg13: memref<!tpu.dma_semaphore, #tpu.memory_space<semaphore_mem>>, %arg14: memref<!tpu.dma_semaphore, #tpu.memory_space<semaphore_mem>>) attributes {dimension_semantics = [#tpu.dimension_semantics<core_parallel>, #tpu.dimension_semantics<subcore_parallel>], iteration_bounds = array<i64: 2, 16>, scalar_prefetch = 0 : i64, scratch_operands = 7 : i64, tpu.core_type = #tpu.core_type<sc_vector_subcore>, window_params = [{transform_indices = #map}, {transform_indices = #map}, {transform_indices = #map}, {transform_indices = #map}, {transform_indices = #map}, {transform_indices = #map1}]} {
    %mul3A = arith.constant 640 : i32
    %mul3A_0 = arith.muli %arg1, %mul3A : i32
    %mul3A_1 = arith.constant 640 : i32
    %mul3A_2 = arith.muli %arg1, %mul3A_1 : i32
    "tpu.region"() ({
      %run_scoped3A = tpu.sem_alloc : memref<!tpu.dma_semaphore, #tpu.memory_space<semaphore_mem>>
      %dma_start3A = arith.constant 0 : i32
      %dma_start3A_22 = tpu.memref_slice %arg8[%mul3A_2, %dma_start3A] : memref<10240x128xf32, #tpu.memory_space<vmem_shared>> -> memref<640x128xf32, #tpu.memory_space<vmem_shared>>
      %dma_start3A_23 = arith.constant 0 : i32
      %dma_start3A_24 = tpu.memref_slice %arg6[%mul3A_0, %dma_start3A_23] : memref<10240x128xf32, #tpu.memory_space<hbm>> -> memref<640x128xf32, #tpu.memory_space<hbm>>
      tpu.enqueue_dma source(%dma_start3A_24 : memref<640x128xf32, #tpu.memory_space<hbm>>) target(%dma_start3A_22 : memref<640x128xf32, #tpu.memory_space<vmem_shared>>) target_semaphore(%run_scoped3A : memref<!tpu.dma_semaphore, #tpu.memory_space<semaphore_mem>>)
      %dma_wait3A = arith.constant 0 : i32
      %dma_wait3A_25 = tpu.memref_slice %arg8[%mul3A_2, %dma_wait3A] : memref<10240x128xf32, #tpu.memory_space<vmem_shared>> -> memref<640x128xf32, #tpu.memory_space<vmem_shared>>
      %dma_wait3A_26 = arith.constant 0 : i32
      %dma_wait3A_27 = tpu.memref_slice %arg6[%mul3A_0, %dma_wait3A_26] : memref<10240x128xf32, #tpu.memory_space<hbm>> -> memref<640x128xf32, #tpu.memory_space<hbm>>
      tpu.wait_dma2 semaphore(%run_scoped3A : memref<!tpu.dma_semaphore, #tpu.memory_space<semaphore_mem>>) src(%dma_wait3A_27 : memref<640x128xf32, #tpu.memory_space<hbm>>) dst(%dma_wait3A_25 : memref<640x128xf32, #tpu.memory_space<vmem_shared>>)
      tpu.yield
    }) : () -> ()
    %mul3A_3 = arith.constant 160 : i32
    %mul3A_4 = arith.muli %arg1, %mul3A_3 : i32
    %barrier3A = arith.constant 0 : index
    tpu.barrier barrier_id(%barrier3A)
    %eq3A = arith.constant 0 : i32
    %eq3A_5 = arith.cmpi eq, %arg0, %eq3A : i32
    %convert_element_type3A = arith.extui %eq3A_5 : i1 to i32
    %cond3A = arith.constant 0 : i32
    %cond3A_6 = arith.cmpi ne, %convert_element_type3A, %cond3A : i32
    scf.if %cond3A_6 {
      %scan3A = arith.constant 0 : i32
      %scan3A_22 = arith.constant 0 : i32
      %scan3A_23 = arith.constant 10 : i32
      %scan3A_24 = arith.addi %scan3A_22, %scan3A_23 : i32
      %scan3A_25 = arith.constant 1 : i32
      scf.for %scan3A_27 = %scan3A_22 to %scan3A_24 step %scan3A_25  : i32 {
        %mul3A_28 = arith.constant 16 : i32
        %mul3A_29 = arith.muli %scan3A_27, %mul3A_28 : i32
        %add3A = arith.addi %mul3A_4, %mul3A_29 : i32
        "tpu.region"() ({
          %run_scoped3A = tpu.sem_alloc : memref<!tpu.dma_semaphore, #tpu.memory_space<semaphore_mem>>
          %dma_start3A_44 = arith.constant 0 : i32
          %dma_start3A_45 = tpu.memref_slice %arg4[%add3A, %dma_start3A_44] : memref<2560x128xi32, #tpu.memory_space<hbm>> -> memref<16x128xi32, #tpu.memory_space<hbm>>
          %dma_start3A_46 = arith.constant 0 : i32
          %dma_start3A_47 = tpu.memref_slice %arg4[%add3A, %dma_start3A_46] : memref<2560x128xi32, #tpu.memory_space<hbm>> -> memref<16x128xi32, #tpu.memory_space<hbm>>
          tpu.enqueue_dma source(%dma_start3A_47 : memref<16x128xi32, #tpu.memory_space<hbm>>) target(%arg9 : memref<16x128xi32, #tpu.memory_space<vmem>>) target_semaphore(%run_scoped3A : memref<!tpu.dma_semaphore, #tpu.memory_space<semaphore_mem>>)
          %dma_wait3A = arith.constant 0 : i32
          %dma_wait3A_48 = tpu.memref_slice %arg4[%add3A, %dma_wait3A] : memref<2560x128xi32, #tpu.memory_space<hbm>> -> memref<16x128xi32, #tpu.memory_space<hbm>>
          %dma_wait3A_49 = arith.constant 0 : i32
          %dma_wait3A_50 = tpu.memref_slice %arg4[%add3A, %dma_wait3A_49] : memref<2560x128xi32, #tpu.memory_space<hbm>> -> memref<16x128xi32, #tpu.memory_space<hbm>>
          tpu.wait_dma2 semaphore(%run_scoped3A : memref<!tpu.dma_semaphore, #tpu.memory_space<semaphore_mem>>) src(%dma_wait3A_50 : memref<16x128xi32, #tpu.memory_space<hbm>>) dst(%arg9 : memref<16x128xi32, #tpu.memory_space<vmem>>)
          tpu.yield
        }) : () -> ()
        %mul3A_30 = arith.constant 16 : i32
        %mul3A_31 = arith.muli %scan3A_27, %mul3A_30 : i32
        %add3A_32 = arith.addi %mul3A_4, %mul3A_31 : i32
        "tpu.region"() ({
          %run_scoped3A = tpu.sem_alloc : memref<!tpu.dma_semaphore, #tpu.memory_space<semaphore_mem>>
          %dma_start3A_44 = arith.constant 0 : i32
          %dma_start3A_45 = tpu.memref_slice %arg5[%add3A_32, %dma_start3A_44] : memref<2560x128xi32, #tpu.memory_space<hbm>> -> memref<16x128xi32, #tpu.memory_space<hbm>>
          %dma_start3A_46 = arith.constant 0 : i32
          %dma_start3A_47 = tpu.memref_slice %arg5[%add3A_32, %dma_start3A_46] : memref<2560x128xi32, #tpu.memory_space<hbm>> -> memref<16x128xi32, #tpu.memory_space<hbm>>
          tpu.enqueue_dma source(%dma_start3A_47 : memref<16x128xi32, #tpu.memory_space<hbm>>) target(%arg10 : memref<16x128xi32, #tpu.memory_space<vmem>>) target_semaphore(%run_scoped3A : memref<!tpu.dma_semaphore, #tpu.memory_space<semaphore_mem>>)
          %dma_wait3A = arith.constant 0 : i32
          %dma_wait3A_48 = tpu.memref_slice %arg5[%add3A_32, %dma_wait3A] : memref<2560x128xi32, #tpu.memory_space<hbm>> -> memref<16x128xi32, #tpu.memory_space<hbm>>
          %dma_wait3A_49 = arith.constant 0 : i32
          %dma_wait3A_50 = tpu.memref_slice %arg5[%add3A_32, %dma_wait3A_49] : memref<2560x128xi32, #tpu.memory_space<hbm>> -> memref<16x128xi32, #tpu.memory_space<hbm>>
          tpu.wait_dma2 semaphore(%run_scoped3A : memref<!tpu.dma_semaphore, #tpu.memory_space<semaphore_mem>>) src(%dma_wait3A_50 : memref<16x128xi32, #tpu.memory_space<hbm>>) dst(%arg10 : memref<16x128xi32, #tpu.memory_space<vmem>>)
          tpu.yield
        }) : () -> ()
        %dma_start3A = arith.constant 0 : i32
        %dma_start3A_33 = arith.constant 0 : i32
        %dma_start3A_34 = tpu.memref_slice %arg9[%dma_start3A, %dma_start3A_33] : memref<16x128xi32, #tpu.memory_space<vmem>> -> memref<1x128xi32, #tpu.memory_space<vmem>>
        %dma_start3A_35 = tpu.memref_squeeze %dma_start3A_34 : memref<1x128xi32, #tpu.memory_space<vmem>> -> memref<128xi32, #tpu.memory_space<vmem>>
        %dma_start3A_36 = arith.constant 0 : i32
        %dma_start3A_37 = arith.constant 0 : i32
        %dma_start3A_38 = tpu.memref_slice %arg2[%dma_start3A_36, %dma_start3A_37] : memref<10000x128xf32, #tpu.memory_space<hbm>> -> memref<10000x128xf32, #tpu.memory_space<hbm>>
        tpu.enqueue_indirect_dma source(%dma_start3A_38 : memref<10000x128xf32, #tpu.memory_space<hbm>>) target(%arg11 : memref<128x128xf32, #tpu.memory_space<vmem>>) offsets(%dma_start3A_35 : memref<128xi32, #tpu.memory_space<vmem>>) semaphore(%arg13 : memref<!tpu.dma_semaphore, #tpu.memory_space<semaphore_mem>>)
        %scan3A_39 = arith.constant 0 : i32
        %scan3A_40 = arith.constant 8 : i32
        %scan3A_41 = arith.addi %scan3A_39, %scan3A_40 : i32
        %scan3A_42 = arith.constant 1 : i32
        scf.for %scan3A_44 = %scan3A_39 to %scan3A_41 step %scan3A_42  : i32 {
          %mul3A_45 = arith.constant 2 : i32
          %mul3A_46 = arith.muli %mul3A_45, %scan3A_44 : i32
          %add3A_47 = arith.constant 1 : i32
          %add3A_48 = arith.addi %mul3A_46, %add3A_47 : i32
          %dma_start3A_49 = arith.constant 0 : i32
          %dma_start3A_50 = tpu.memref_slice %arg9[%add3A_48, %dma_start3A_49] : memref<16x128xi32, #tpu.memory_space<vmem>> -> memref<1x128xi32, #tpu.memory_space<vmem>>
          %dma_start3A_51 = tpu.memref_squeeze %dma_start3A_50 : memref<1x128xi32, #tpu.memory_space<vmem>> -> memref<128xi32, #tpu.memory_space<vmem>>
          %dma_start3A_52 = arith.constant 0 : i32
          %dma_start3A_53 = arith.constant 0 : i32
          %dma_start3A_54 = tpu.memref_slice %arg2[%dma_start3A_52, %dma_start3A_53] : memref<10000x128xf32, #tpu.memory_space<hbm>> -> memref<10000x128xf32, #tpu.memory_space<hbm>>
          tpu.enqueue_indirect_dma source(%dma_start3A_54 : memref<10000x128xf32, #tpu.memory_space<hbm>>) target(%arg12 : memref<128x128xf32, #tpu.memory_space<vmem>>) offsets(%dma_start3A_51 : memref<128xi32, #tpu.memory_space<vmem>>) semaphore(%arg14 : memref<!tpu.dma_semaphore, #tpu.memory_space<semaphore_mem>>)
          %dma_wait3A = arith.constant 0 : i32
          %dma_wait3A_55 = arith.constant 0 : i32
          %dma_wait3A_56 = tpu.memref_slice %arg9[%dma_wait3A, %dma_wait3A_55] : memref<16x128xi32, #tpu.memory_space<vmem>> -> memref<1x128xi32, #tpu.memory_space<vmem>>
          %dma_wait3A_57 = tpu.memref_squeeze %dma_wait3A_56 : memref<1x128xi32, #tpu.memory_space<vmem>> -> memref<128xi32, #tpu.memory_space<vmem>>
          %dma_wait3A_58 = arith.constant 0 : i32
          %dma_wait3A_59 = arith.constant 0 : i32
          %dma_wait3A_60 = tpu.memref_slice %arg2[%dma_wait3A_58, %dma_wait3A_59] : memref<10000x128xf32, #tpu.memory_space<hbm>> -> memref<10000x128xf32, #tpu.memory_space<hbm>>
          tpu.wait_indirect_dma semaphore(%arg13 : memref<!tpu.dma_semaphore, #tpu.memory_space<semaphore_mem>>) src(%dma_wait3A_60 : memref<10000x128xf32, #tpu.memory_space<hbm>>) dst(%arg11 : memref<128x128xf32, #tpu.memory_space<vmem>>)
          "tpu.region"() ({
            %run_scoped3A = tpu.sem_alloc : memref<!tpu.dma_semaphore, #tpu.memory_space<semaphore_mem>>
            %dma_start3A_77 = arith.constant 0 : i32
            %dma_start3A_78 = tpu.memref_slice %arg10[%mul3A_46, %dma_start3A_77] : memref<16x128xi32, #tpu.memory_space<vmem>> -> memref<1x128xi32, #tpu.memory_space<vmem>>
            %dma_start3A_79 = tpu.memref_squeeze %dma_start3A_78 : memref<1x128xi32, #tpu.memory_space<vmem>> -> memref<128xi32, #tpu.memory_space<vmem>>
            %dma_start3A_80 = arith.constant 0 : i32
            %dma_start3A_81 = arith.constant 0 : i32
            %dma_start3A_82 = tpu.memref_slice %arg8[%dma_start3A_80, %dma_start3A_81] : memref<10240x128xf32, #tpu.memory_space<vmem_shared>> -> memref<10240x128xf32, #tpu.memory_space<vmem_shared>>
            tpu.enqueue_indirect_dma source(%arg11 : memref<128x128xf32, #tpu.memory_space<vmem>>) target(%dma_start3A_82 : memref<10240x128xf32, #tpu.memory_space<vmem_shared>>) offsets(%dma_start3A_79 : memref<128xi32, #tpu.memory_space<vmem>>) semaphore(%run_scoped3A : memref<!tpu.dma_semaphore, #tpu.memory_space<semaphore_mem>>) {add = true}
            %dma_wait3A_83 = arith.constant 0 : i32
            %dma_wait3A_84 = tpu.memref_slice %arg10[%mul3A_46, %dma_wait3A_83] : memref<16x128xi32, #tpu.memory_space<vmem>> -> memref<1x128xi32, #tpu.memory_space<vmem>>
            %dma_wait3A_85 = tpu.memref_squeeze %dma_wait3A_84 : memref<1x128xi32, #tpu.memory_space<vmem>> -> memref<128xi32, #tpu.memory_space<vmem>>
            %dma_wait3A_86 = arith.constant 0 : i32
            %dma_wait3A_87 = arith.constant 0 : i32
            %dma_wait3A_88 = tpu.memref_slice %arg8[%dma_wait3A_86, %dma_wait3A_87] : memref<10240x128xf32, #tpu.memory_space<vmem_shared>> -> memref<10240x128xf32, #tpu.memory_space<vmem_shared>>
            tpu.wait_indirect_dma semaphore(%run_scoped3A : memref<!tpu.dma_semaphore, #tpu.memory_space<semaphore_mem>>) src(%arg11 : memref<128x128xf32, #tpu.memory_space<vmem>>) dst(%dma_wait3A_88 : memref<10240x128xf32, #tpu.memory_space<vmem_shared>>)
            tpu.yield
          }) : () -> ()
          %add3A_61 = arith.constant 2 : i32
          %add3A_62 = arith.addi %mul3A_46, %add3A_61 : i32
          %lt3A_63 = arith.constant 16 : i32
          %lt3A_64 = arith.cmpi slt, %add3A_62, %lt3A_63 : i32
          %convert_element_type3A_65 = arith.extui %lt3A_64 : i1 to i32
          %cond3A_66 = arith.constant 0 : i32
          %cond3A_67 = arith.cmpi ne, %convert_element_type3A_65, %cond3A_66 : i32
          scf.if %cond3A_67 {
            %add3A_77 = arith.constant 2 : i32
            %add3A_78 = arith.addi %mul3A_46, %add3A_77 : i32
            %dma_start3A_79 = arith.constant 0 : i32
            %dma_start3A_80 = tpu.memref_slice %arg9[%add3A_78, %dma_start3A_79] : memref<16x128xi32, #tpu.memory_space<vmem>> -> memref<1x128xi32, #tpu.memory_space<vmem>>
            %dma_start3A_81 = tpu.memref_squeeze %dma_start3A_80 : memref<1x128xi32, #tpu.memory_space<vmem>> -> memref<128xi32, #tpu.memory_space<vmem>>
            %dma_start3A_82 = arith.constant 0 : i32
            %dma_start3A_83 = arith.constant 0 : i32
            %dma_start3A_84 = tpu.memref_slice %arg2[%dma_start3A_82, %dma_start3A_83] : memref<10000x128xf32, #tpu.memory_space<hbm>> -> memref<10000x128xf32, #tpu.memory_space<hbm>>
            tpu.enqueue_indirect_dma source(%dma_start3A_84 : memref<10000x128xf32, #tpu.memory_space<hbm>>) target(%arg11 : memref<128x128xf32, #tpu.memory_space<vmem>>) offsets(%dma_start3A_81 : memref<128xi32, #tpu.memory_space<vmem>>) semaphore(%arg13 : memref<!tpu.dma_semaphore, #tpu.memory_space<semaphore_mem>>)
          } else {
          }
          %dma_wait3A_68 = arith.constant 0 : i32
          %dma_wait3A_69 = arith.constant 0 : i32
          %dma_wait3A_70 = tpu.memref_slice %arg9[%dma_wait3A_68, %dma_wait3A_69] : memref<16x128xi32, #tpu.memory_space<vmem>> -> memref<1x128xi32, #tpu.memory_space<vmem>>
          %dma_wait3A_71 = tpu.memref_squeeze %dma_wait3A_70 : memref<1x128xi32, #tpu.memory_space<vmem>> -> memref<128xi32, #tpu.memory_space<vmem>>
          %dma_wait3A_72 = arith.constant 0 : i32
          %dma_wait3A_73 = arith.constant 0 : i32
          %dma_wait3A_74 = tpu.memref_slice %arg2[%dma_wait3A_72, %dma_wait3A_73] : memref<10000x128xf32, #tpu.memory_space<hbm>> -> memref<10000x128xf32, #tpu.memory_space<hbm>>
          tpu.wait_indirect_dma semaphore(%arg14 : memref<!tpu.dma_semaphore, #tpu.memory_space<semaphore_mem>>) src(%dma_wait3A_74 : memref<10000x128xf32, #tpu.memory_space<hbm>>) dst(%arg12 : memref<128x128xf32, #tpu.memory_space<vmem>>)
          %add3A_75 = arith.constant 1 : i32
          %add3A_76 = arith.addi %mul3A_46, %add3A_75 : i32
          "tpu.region"() ({
            %run_scoped3A = tpu.sem_alloc : memref<!tpu.dma_semaphore, #tpu.memory_space<semaphore_mem>>
            %dma_start3A_77 = arith.constant 0 : i32
            %dma_start3A_78 = tpu.memref_slice %arg10[%add3A_76, %dma_start3A_77] : memref<16x128xi32, #tpu.memory_space<vmem>> -> memref<1x128xi32, #tpu.memory_space<vmem>>
            %dma_start3A_79 = tpu.memref_squeeze %dma_start3A_78 : memref<1x128xi32, #tpu.memory_space<vmem>> -> memref<128xi32, #tpu.memory_space<vmem>>
            %dma_start3A_80 = arith.constant 0 : i32
            %dma_start3A_81 = arith.constant 0 : i32
            %dma_start3A_82 = tpu.memref_slice %arg8[%dma_start3A_80, %dma_start3A_81] : memref<10240x128xf32, #tpu.memory_space<vmem_shared>> -> memref<10240x128xf32, #tpu.memory_space<vmem_shared>>
            tpu.enqueue_indirect_dma source(%arg12 : memref<128x128xf32, #tpu.memory_space<vmem>>) target(%dma_start3A_82 : memref<10240x128xf32, #tpu.memory_space<vmem_shared>>) offsets(%dma_start3A_79 : memref<128xi32, #tpu.memory_space<vmem>>) semaphore(%run_scoped3A : memref<!tpu.dma_semaphore, #tpu.memory_space<semaphore_mem>>) {add = true}
            %dma_wait3A_83 = arith.constant 0 : i32
            %dma_wait3A_84 = tpu.memref_slice %arg10[%add3A_76, %dma_wait3A_83] : memref<16x128xi32, #tpu.memory_space<vmem>> -> memref<1x128xi32, #tpu.memory_space<vmem>>
            %dma_wait3A_85 = tpu.memref_squeeze %dma_wait3A_84 : memref<1x128xi32, #tpu.memory_space<vmem>> -> memref<128xi32, #tpu.memory_space<vmem>>
            %dma_wait3A_86 = arith.constant 0 : i32
            %dma_wait3A_87 = arith.constant 0 : i32
            %dma_wait3A_88 = tpu.memref_slice %arg8[%dma_wait3A_86, %dma_wait3A_87] : memref<10240x128xf32, #tpu.memory_space<vmem_shared>> -> memref<10240x128xf32, #tpu.memory_space<vmem_shared>>
            tpu.wait_indirect_dma semaphore(%run_scoped3A : memref<!tpu.dma_semaphore, #tpu.memory_space<semaphore_mem>>) src(%arg12 : memref<128x128xf32, #tpu.memory_space<vmem>>) dst(%dma_wait3A_88 : memref<10240x128xf32, #tpu.memory_space<vmem_shared>>)
            tpu.yield
          }) : () -> ()
        }
        %scan3A_43 = arith.constant 8 : i32
      }
      %scan3A_26 = arith.constant 10 : i32
    } else {
    }
    %eq3A_7 = arith.constant 1 : i32
    %eq3A_8 = arith.cmpi eq, %arg0, %eq3A_7 : i32
    %convert_element_type3A_9 = arith.extui %eq3A_8 : i1 to i32
    %cond3A_10 = arith.constant 0 : i32
    %cond3A_11 = arith.cmpi ne, %convert_element_type3A_9, %cond3A_10 : i32
    scf.if %cond3A_11 {
      %scan3A = arith.constant 0 : i32
      %scan3A_22 = arith.constant 0 : i32
      %scan3A_23 = arith.constant 10 : i32
      %scan3A_24 = arith.addi %scan3A_22, %scan3A_23 : i32
      %scan3A_25 = arith.constant 1 : i32
      scf.for %scan3A_27 = %scan3A_22 to %scan3A_24 step %scan3A_25  : i32 {
        %mul3A_28 = arith.constant 16 : i32
        %mul3A_29 = arith.muli %scan3A_27, %mul3A_28 : i32
        %add3A = arith.addi %mul3A_4, %mul3A_29 : i32
        "tpu.region"() ({
          %run_scoped3A = tpu.sem_alloc : memref<!tpu.dma_semaphore, #tpu.memory_space<semaphore_mem>>
          %dma_start3A_44 = arith.constant 0 : i32
          %dma_start3A_45 = tpu.memref_slice %arg4[%add3A, %dma_start3A_44] : memref<2560x128xi32, #tpu.memory_space<hbm>> -> memref<16x128xi32, #tpu.memory_space<hbm>>
          %dma_start3A_46 = arith.constant 0 : i32
          %dma_start3A_47 = tpu.memref_slice %arg4[%add3A, %dma_start3A_46] : memref<2560x128xi32, #tpu.memory_space<hbm>> -> memref<16x128xi32, #tpu.memory_space<hbm>>
          tpu.enqueue_dma source(%dma_start3A_47 : memref<16x128xi32, #tpu.memory_space<hbm>>) target(%arg9 : memref<16x128xi32, #tpu.memory_space<vmem>>) target_semaphore(%run_scoped3A : memref<!tpu.dma_semaphore, #tpu.memory_space<semaphore_mem>>)
          %dma_wait3A = arith.constant 0 : i32
          %dma_wait3A_48 = tpu.memref_slice %arg4[%add3A, %dma_wait3A] : memref<2560x128xi32, #tpu.memory_space<hbm>> -> memref<16x128xi32, #tpu.memory_space<hbm>>
          %dma_wait3A_49 = arith.constant 0 : i32
          %dma_wait3A_50 = tpu.memref_slice %arg4[%add3A, %dma_wait3A_49] : memref<2560x128xi32, #tpu.memory_space<hbm>> -> memref<16x128xi32, #tpu.memory_space<hbm>>
          tpu.wait_dma2 semaphore(%run_scoped3A : memref<!tpu.dma_semaphore, #tpu.memory_space<semaphore_mem>>) src(%dma_wait3A_50 : memref<16x128xi32, #tpu.memory_space<hbm>>) dst(%arg9 : memref<16x128xi32, #tpu.memory_space<vmem>>)
          tpu.yield
        }) : () -> ()
        %mul3A_30 = arith.constant 16 : i32
        %mul3A_31 = arith.muli %scan3A_27, %mul3A_30 : i32
        %add3A_32 = arith.addi %mul3A_4, %mul3A_31 : i32
        "tpu.region"() ({
          %run_scoped3A = tpu.sem_alloc : memref<!tpu.dma_semaphore, #tpu.memory_space<semaphore_mem>>
          %dma_start3A_44 = arith.constant 0 : i32
          %dma_start3A_45 = tpu.memref_slice %arg5[%add3A_32, %dma_start3A_44] : memref<2560x128xi32, #tpu.memory_space<hbm>> -> memref<16x128xi32, #tpu.memory_space<hbm>>
          %dma_start3A_46 = arith.constant 0 : i32
          %dma_start3A_47 = tpu.memref_slice %arg5[%add3A_32, %dma_start3A_46] : memref<2560x128xi32, #tpu.memory_space<hbm>> -> memref<16x128xi32, #tpu.memory_space<hbm>>
          tpu.enqueue_dma source(%dma_start3A_47 : memref<16x128xi32, #tpu.memory_space<hbm>>) target(%arg10 : memref<16x128xi32, #tpu.memory_space<vmem>>) target_semaphore(%run_scoped3A : memref<!tpu.dma_semaphore, #tpu.memory_space<semaphore_mem>>)
          %dma_wait3A = arith.constant 0 : i32
          %dma_wait3A_48 = tpu.memref_slice %arg5[%add3A_32, %dma_wait3A] : memref<2560x128xi32, #tpu.memory_space<hbm>> -> memref<16x128xi32, #tpu.memory_space<hbm>>
          %dma_wait3A_49 = arith.constant 0 : i32
          %dma_wait3A_50 = tpu.memref_slice %arg5[%add3A_32, %dma_wait3A_49] : memref<2560x128xi32, #tpu.memory_space<hbm>> -> memref<16x128xi32, #tpu.memory_space<hbm>>
          tpu.wait_dma2 semaphore(%run_scoped3A : memref<!tpu.dma_semaphore, #tpu.memory_space<semaphore_mem>>) src(%dma_wait3A_50 : memref<16x128xi32, #tpu.memory_space<hbm>>) dst(%arg10 : memref<16x128xi32, #tpu.memory_space<vmem>>)
          tpu.yield
        }) : () -> ()
        %dma_start3A = arith.constant 0 : i32
        %dma_start3A_33 = arith.constant 0 : i32
        %dma_start3A_34 = tpu.memref_slice %arg9[%dma_start3A, %dma_start3A_33] : memref<16x128xi32, #tpu.memory_space<vmem>> -> memref<1x128xi32, #tpu.memory_space<vmem>>
        %dma_start3A_35 = tpu.memref_squeeze %dma_start3A_34 : memref<1x128xi32, #tpu.memory_space<vmem>> -> memref<128xi32, #tpu.memory_space<vmem>>
        %dma_start3A_36 = arith.constant 0 : i32
        %dma_start3A_37 = arith.constant 0 : i32
        %dma_start3A_38 = tpu.memref_slice %arg3[%dma_start3A_36, %dma_start3A_37] : memref<10000x128xf32, #tpu.memory_space<hbm>> -> memref<10000x128xf32, #tpu.memory_space<hbm>>
        tpu.enqueue_indirect_dma source(%dma_start3A_38 : memref<10000x128xf32, #tpu.memory_space<hbm>>) target(%arg11 : memref<128x128xf32, #tpu.memory_space<vmem>>) offsets(%dma_start3A_35 : memref<128xi32, #tpu.memory_space<vmem>>) semaphore(%arg13 : memref<!tpu.dma_semaphore, #tpu.memory_space<semaphore_mem>>)
        %scan3A_39 = arith.constant 0 : i32
        %scan3A_40 = arith.constant 8 : i32
        %scan3A_41 = arith.addi %scan3A_39, %scan3A_40 : i32
        %scan3A_42 = arith.constant 1 : i32
        scf.for %scan3A_44 = %scan3A_39 to %scan3A_41 step %scan3A_42  : i32 {
          %mul3A_45 = arith.constant 2 : i32
          %mul3A_46 = arith.muli %mul3A_45, %scan3A_44 : i32
          %add3A_47 = arith.constant 1 : i32
          %add3A_48 = arith.addi %mul3A_46, %add3A_47 : i32
          %dma_start3A_49 = arith.constant 0 : i32
          %dma_start3A_50 = tpu.memref_slice %arg9[%add3A_48, %dma_start3A_49] : memref<16x128xi32, #tpu.memory_space<vmem>> -> memref<1x128xi32, #tpu.memory_space<vmem>>
          %dma_start3A_51 = tpu.memref_squeeze %dma_start3A_50 : memref<1x128xi32, #tpu.memory_space<vmem>> -> memref<128xi32, #tpu.memory_space<vmem>>
          %dma_start3A_52 = arith.constant 0 : i32
          %dma_start3A_53 = arith.constant 0 : i32
          %dma_start3A_54 = tpu.memref_slice %arg3[%dma_start3A_52, %dma_start3A_53] : memref<10000x128xf32, #tpu.memory_space<hbm>> -> memref<10000x128xf32, #tpu.memory_space<hbm>>
          tpu.enqueue_indirect_dma source(%dma_start3A_54 : memref<10000x128xf32, #tpu.memory_space<hbm>>) target(%arg12 : memref<128x128xf32, #tpu.memory_space<vmem>>) offsets(%dma_start3A_51 : memref<128xi32, #tpu.memory_space<vmem>>) semaphore(%arg14 : memref<!tpu.dma_semaphore, #tpu.memory_space<semaphore_mem>>)
          %dma_wait3A = arith.constant 0 : i32
          %dma_wait3A_55 = arith.constant 0 : i32
          %dma_wait3A_56 = tpu.memref_slice %arg9[%dma_wait3A, %dma_wait3A_55] : memref<16x128xi32, #tpu.memory_space<vmem>> -> memref<1x128xi32, #tpu.memory_space<vmem>>
          %dma_wait3A_57 = tpu.memref_squeeze %dma_wait3A_56 : memref<1x128xi32, #tpu.memory_space<vmem>> -> memref<128xi32, #tpu.memory_space<vmem>>
          %dma_wait3A_58 = arith.constant 0 : i32
          %dma_wait3A_59 = arith.constant 0 : i32
          %dma_wait3A_60 = tpu.memref_slice %arg3[%dma_wait3A_58, %dma_wait3A_59] : memref<10000x128xf32, #tpu.memory_space<hbm>> -> memref<10000x128xf32, #tpu.memory_space<hbm>>
          tpu.wait_indirect_dma semaphore(%arg13 : memref<!tpu.dma_semaphore, #tpu.memory_space<semaphore_mem>>) src(%dma_wait3A_60 : memref<10000x128xf32, #tpu.memory_space<hbm>>) dst(%arg11 : memref<128x128xf32, #tpu.memory_space<vmem>>)
          "tpu.region"() ({
            %run_scoped3A = tpu.sem_alloc : memref<!tpu.dma_semaphore, #tpu.memory_space<semaphore_mem>>
            %dma_start3A_77 = arith.constant 0 : i32
            %dma_start3A_78 = tpu.memref_slice %arg10[%mul3A_46, %dma_start3A_77] : memref<16x128xi32, #tpu.memory_space<vmem>> -> memref<1x128xi32, #tpu.memory_space<vmem>>
            %dma_start3A_79 = tpu.memref_squeeze %dma_start3A_78 : memref<1x128xi32, #tpu.memory_space<vmem>> -> memref<128xi32, #tpu.memory_space<vmem>>
            %dma_start3A_80 = arith.constant 0 : i32
            %dma_start3A_81 = arith.constant 0 : i32
            %dma_start3A_82 = tpu.memref_slice %arg8[%dma_start3A_80, %dma_start3A_81] : memref<10240x128xf32, #tpu.memory_space<vmem_shared>> -> memref<10240x128xf32, #tpu.memory_space<vmem_shared>>
            tpu.enqueue_indirect_dma source(%arg11 : memref<128x128xf32, #tpu.memory_space<vmem>>) target(%dma_start3A_82 : memref<10240x128xf32, #tpu.memory_space<vmem_shared>>) offsets(%dma_start3A_79 : memref<128xi32, #tpu.memory_space<vmem>>) semaphore(%run_scoped3A : memref<!tpu.dma_semaphore, #tpu.memory_space<semaphore_mem>>) {add = true}
            %dma_wait3A_83 = arith.constant 0 : i32
            %dma_wait3A_84 = tpu.memref_slice %arg10[%mul3A_46, %dma_wait3A_83] : memref<16x128xi32, #tpu.memory_space<vmem>> -> memref<1x128xi32, #tpu.memory_space<vmem>>
            %dma_wait3A_85 = tpu.memref_squeeze %dma_wait3A_84 : memref<1x128xi32, #tpu.memory_space<vmem>> -> memref<128xi32, #tpu.memory_space<vmem>>
            %dma_wait3A_86 = arith.constant 0 : i32
            %dma_wait3A_87 = arith.constant 0 : i32
            %dma_wait3A_88 = tpu.memref_slice %arg8[%dma_wait3A_86, %dma_wait3A_87] : memref<10240x128xf32, #tpu.memory_space<vmem_shared>> -> memref<10240x128xf32, #tpu.memory_space<vmem_shared>>
            tpu.wait_indirect_dma semaphore(%run_scoped3A : memref<!tpu.dma_semaphore, #tpu.memory_space<semaphore_mem>>) src(%arg11 : memref<128x128xf32, #tpu.memory_space<vmem>>) dst(%dma_wait3A_88 : memref<10240x128xf32, #tpu.memory_space<vmem_shared>>)
            tpu.yield
          }) : () -> ()
          %add3A_61 = arith.constant 2 : i32
          %add3A_62 = arith.addi %mul3A_46, %add3A_61 : i32
          %lt3A_63 = arith.constant 16 : i32
          %lt3A_64 = arith.cmpi slt, %add3A_62, %lt3A_63 : i32
          %convert_element_type3A_65 = arith.extui %lt3A_64 : i1 to i32
          %cond3A_66 = arith.constant 0 : i32
          %cond3A_67 = arith.cmpi ne, %convert_element_type3A_65, %cond3A_66 : i32
          scf.if %cond3A_67 {
            %add3A_77 = arith.constant 2 : i32
            %add3A_78 = arith.addi %mul3A_46, %add3A_77 : i32
            %dma_start3A_79 = arith.constant 0 : i32
            %dma_start3A_80 = tpu.memref_slice %arg9[%add3A_78, %dma_start3A_79] : memref<16x128xi32, #tpu.memory_space<vmem>> -> memref<1x128xi32, #tpu.memory_space<vmem>>
            %dma_start3A_81 = tpu.memref_squeeze %dma_start3A_80 : memref<1x128xi32, #tpu.memory_space<vmem>> -> memref<128xi32, #tpu.memory_space<vmem>>
            %dma_start3A_82 = arith.constant 0 : i32
            %dma_start3A_83 = arith.constant 0 : i32
            %dma_start3A_84 = tpu.memref_slice %arg3[%dma_start3A_82, %dma_start3A_83] : memref<10000x128xf32, #tpu.memory_space<hbm>> -> memref<10000x128xf32, #tpu.memory_space<hbm>>
            tpu.enqueue_indirect_dma source(%dma_start3A_84 : memref<10000x128xf32, #tpu.memory_space<hbm>>) target(%arg11 : memref<128x128xf32, #tpu.memory_space<vmem>>) offsets(%dma_start3A_81 : memref<128xi32, #tpu.memory_space<vmem>>) semaphore(%arg13 : memref<!tpu.dma_semaphore, #tpu.memory_space<semaphore_mem>>)
          } else {
          }
          %dma_wait3A_68 = arith.constant 0 : i32
          %dma_wait3A_69 = arith.constant 0 : i32
          %dma_wait3A_70 = tpu.memref_slice %arg9[%dma_wait3A_68, %dma_wait3A_69] : memref<16x128xi32, #tpu.memory_space<vmem>> -> memref<1x128xi32, #tpu.memory_space<vmem>>
          %dma_wait3A_71 = tpu.memref_squeeze %dma_wait3A_70 : memref<1x128xi32, #tpu.memory_space<vmem>> -> memref<128xi32, #tpu.memory_space<vmem>>
          %dma_wait3A_72 = arith.constant 0 : i32
          %dma_wait3A_73 = arith.constant 0 : i32
          %dma_wait3A_74 = tpu.memref_slice %arg3[%dma_wait3A_72, %dma_wait3A_73] : memref<10000x128xf32, #tpu.memory_space<hbm>> -> memref<10000x128xf32, #tpu.memory_space<hbm>>
          tpu.wait_indirect_dma semaphore(%arg14 : memref<!tpu.dma_semaphore, #tpu.memory_space<semaphore_mem>>) src(%dma_wait3A_74 : memref<10000x128xf32, #tpu.memory_space<hbm>>) dst(%arg12 : memref<128x128xf32, #tpu.memory_space<vmem>>)
          %add3A_75 = arith.constant 1 : i32
          %add3A_76 = arith.addi %mul3A_46, %add3A_75 : i32
          "tpu.region"() ({
            %run_scoped3A = tpu.sem_alloc : memref<!tpu.dma_semaphore, #tpu.memory_space<semaphore_mem>>
            %dma_start3A_77 = arith.constant 0 : i32
            %dma_start3A_78 = tpu.memref_slice %arg10[%add3A_76, %dma_start3A_77] : memref<16x128xi32, #tpu.memory_space<vmem>> -> memref<1x128xi32, #tpu.memory_space<vmem>>
            %dma_start3A_79 = tpu.memref_squeeze %dma_start3A_78 : memref<1x128xi32, #tpu.memory_space<vmem>> -> memref<128xi32, #tpu.memory_space<vmem>>
            %dma_start3A_80 = arith.constant 0 : i32
            %dma_start3A_81 = arith.constant 0 : i32
            %dma_start3A_82 = tpu.memref_slice %arg8[%dma_start3A_80, %dma_start3A_81] : memref<10240x128xf32, #tpu.memory_space<vmem_shared>> -> memref<10240x128xf32, #tpu.memory_space<vmem_shared>>
            tpu.enqueue_indirect_dma source(%arg12 : memref<128x128xf32, #tpu.memory_space<vmem>>) target(%dma_start3A_82 : memref<10240x128xf32, #tpu.memory_space<vmem_shared>>) offsets(%dma_start3A_79 : memref<128xi32, #tpu.memory_space<vmem>>) semaphore(%run_scoped3A : memref<!tpu.dma_semaphore, #tpu.memory_space<semaphore_mem>>) {add = true}
            %dma_wait3A_83 = arith.constant 0 : i32
            %dma_wait3A_84 = tpu.memref_slice %arg10[%add3A_76, %dma_wait3A_83] : memref<16x128xi32, #tpu.memory_space<vmem>> -> memref<1x128xi32, #tpu.memory_space<vmem>>
            %dma_wait3A_85 = tpu.memref_squeeze %dma_wait3A_84 : memref<1x128xi32, #tpu.memory_space<vmem>> -> memref<128xi32, #tpu.memory_space<vmem>>
            %dma_wait3A_86 = arith.constant 0 : i32
            %dma_wait3A_87 = arith.constant 0 : i32
            %dma_wait3A_88 = tpu.memref_slice %arg8[%dma_wait3A_86, %dma_wait3A_87] : memref<10240x128xf32, #tpu.memory_space<vmem_shared>> -> memref<10240x128xf32, #tpu.memory_space<vmem_shared>>
            tpu.wait_indirect_dma semaphore(%run_scoped3A : memref<!tpu.dma_semaphore, #tpu.memory_space<semaphore_mem>>) src(%arg12 : memref<128x128xf32, #tpu.memory_space<vmem>>) dst(%dma_wait3A_88 : memref<10240x128xf32, #tpu.memory_space<vmem_shared>>)
            tpu.yield
          }) : () -> ()
        }
        %scan3A_43 = arith.constant 8 : i32
      }
      %scan3A_26 = arith.constant 10 : i32
    } else {
    }
    %barrier3A_12 = arith.constant 0 : index
    tpu.barrier barrier_id(%barrier3A_12)
    %lt3A = arith.constant 15 : i32
    %lt3A_13 = arith.cmpi slt, %arg1, %lt3A : i32
    %convert_element_type3A_14 = arith.extui %lt3A_13 : i1 to i32
    %cond3A_15 = arith.constant 0 : i32
    %cond3A_16 = arith.cmpi ne, %convert_element_type3A_14, %cond3A_15 : i32
    scf.if %cond3A_16 {
      %mul3A_22 = arith.constant 640 : i32
      %mul3A_23 = arith.muli %arg1, %mul3A_22 : i32
      %mul3A_24 = arith.constant 640 : i32
      %mul3A_25 = arith.muli %arg1, %mul3A_24 : i32
      "tpu.region"() ({
        %run_scoped3A = tpu.sem_alloc : memref<!tpu.dma_semaphore, #tpu.memory_space<semaphore_mem>>
        %dma_start3A = arith.constant 0 : i32
        %dma_start3A_26 = tpu.memref_slice %arg7[%arg0, %mul3A_25, %dma_start3A] : memref<2x10000x128xf32, #tpu.memory_space<hbm>> -> memref<1x640x128xf32, #tpu.memory_space<hbm>>
        %dma_start3A_27 = tpu.memref_squeeze %dma_start3A_26 : memref<1x640x128xf32, #tpu.memory_space<hbm>> -> memref<640x128xf32, #tpu.memory_space<hbm>>
        %dma_start3A_28 = arith.constant 0 : i32
        %dma_start3A_29 = tpu.memref_slice %arg8[%mul3A_23, %dma_start3A_28] : memref<10240x128xf32, #tpu.memory_space<vmem_shared>> -> memref<640x128xf32, #tpu.memory_space<vmem_shared>>
        tpu.enqueue_dma source(%dma_start3A_29 : memref<640x128xf32, #tpu.memory_space<vmem_shared>>) target(%dma_start3A_27 : memref<640x128xf32, #tpu.memory_space<hbm>>) target_semaphore(%run_scoped3A : memref<!tpu.dma_semaphore, #tpu.memory_space<semaphore_mem>>)
        %dma_wait3A = arith.constant 0 : i32
        %dma_wait3A_30 = tpu.memref_slice %arg7[%arg0, %mul3A_25, %dma_wait3A] : memref<2x10000x128xf32, #tpu.memory_space<hbm>> -> memref<1x640x128xf32, #tpu.memory_space<hbm>>
        %dma_wait3A_31 = tpu.memref_squeeze %dma_wait3A_30 : memref<1x640x128xf32, #tpu.memory_space<hbm>> -> memref<640x128xf32, #tpu.memory_space<hbm>>
        %dma_wait3A_32 = arith.constant 0 : i32
        %dma_wait3A_33 = tpu.memref_slice %arg8[%mul3A_23, %dma_wait3A_32] : memref<10240x128xf32, #tpu.memory_space<vmem_shared>> -> memref<640x128xf32, #tpu.memory_space<vmem_shared>>
        tpu.wait_dma2 semaphore(%run_scoped3A : memref<!tpu.dma_semaphore, #tpu.memory_space<semaphore_mem>>) src(%dma_wait3A_33 : memref<640x128xf32, #tpu.memory_space<vmem_shared>>) dst(%dma_wait3A_31 : memref<640x128xf32, #tpu.memory_space<hbm>>)
        tpu.yield
      }) : () -> ()
    } else {
    }
    %eq3A_17 = arith.constant 15 : i32
    %eq3A_18 = arith.cmpi eq, %arg1, %eq3A_17 : i32
    %convert_element_type3A_19 = arith.extui %eq3A_18 : i1 to i32
    %cond3A_20 = arith.constant 0 : i32
    %cond3A_21 = arith.cmpi ne, %convert_element_type3A_19, %cond3A_20 : i32
    scf.if %cond3A_21 {
      "tpu.region"() ({
        %run_scoped3A = tpu.sem_alloc : memref<!tpu.dma_semaphore, #tpu.memory_space<semaphore_mem>>
        %dma_start3A = arith.constant 9600 : i32
        %dma_start3A_22 = arith.constant 0 : i32
        %dma_start3A_23 = tpu.memref_slice %arg7[%arg0, %dma_start3A, %dma_start3A_22] : memref<2x10000x128xf32, #tpu.memory_space<hbm>> -> memref<1x400x128xf32, #tpu.memory_space<hbm>>
        %dma_start3A_24 = tpu.memref_squeeze %dma_start3A_23 : memref<1x400x128xf32, #tpu.memory_space<hbm>> -> memref<400x128xf32, #tpu.memory_space<hbm>>
        %dma_start3A_25 = arith.constant 9600 : i32
        %dma_start3A_26 = arith.constant 0 : i32
        %dma_start3A_27 = tpu.memref_slice %arg8[%dma_start3A_25, %dma_start3A_26] : memref<10240x128xf32, #tpu.memory_space<vmem_shared>> -> memref<400x128xf32, #tpu.memory_space<vmem_shared>>
        tpu.enqueue_dma source(%dma_start3A_27 : memref<400x128xf32, #tpu.memory_space<vmem_shared>>) target(%dma_start3A_24 : memref<400x128xf32, #tpu.memory_space<hbm>>) target_semaphore(%run_scoped3A : memref<!tpu.dma_semaphore, #tpu.memory_space<semaphore_mem>>)
        %dma_wait3A = arith.constant 9600 : i32
        %dma_wait3A_28 = arith.constant 0 : i32
        %dma_wait3A_29 = tpu.memref_slice %arg7[%arg0, %dma_wait3A, %dma_wait3A_28] : memref<2x10000x128xf32, #tpu.memory_space<hbm>> -> memref<1x400x128xf32, #tpu.memory_space<hbm>>
        %dma_wait3A_30 = tpu.memref_squeeze %dma_wait3A_29 : memref<1x400x128xf32, #tpu.memory_space<hbm>> -> memref<400x128xf32, #tpu.memory_space<hbm>>
        %dma_wait3A_31 = arith.constant 9600 : i32
        %dma_wait3A_32 = arith.constant 0 : i32
        %dma_wait3A_33 = tpu.memref_slice %arg8[%dma_wait3A_31, %dma_wait3A_32] : memref<10240x128xf32, #tpu.memory_space<vmem_shared>> -> memref<400x128xf32, #tpu.memory_space<vmem_shared>>
        tpu.wait_dma2 semaphore(%run_scoped3A : memref<!tpu.dma_semaphore, #tpu.memory_space<semaphore_mem>>) src(%dma_wait3A_33 : memref<400x128xf32, #tpu.memory_space<vmem_shared>>) dst(%dma_wait3A_30 : memref<400x128xf32, #tpu.memory_space<hbm>>)
        tpu.yield
      }) : () -> ()
    } else {
    }
    return
  }
}

module attributes {stable_mosaic.version = 14 : i64} {
  func.func @_tc1_body(%arg0: i32, %arg1: memref<2x2000x128xf32, #tpu.memory_space<vmem>>, %arg2: memref<2000x1xf32, #tpu.memory_space<vmem>>, %arg3: memref<2000x1xf32, #tpu.memory_space<vmem>>, %arg4: memref<2000x128xf32, #tpu.memory_space<vmem>>, %arg5: memref<128x256xf32, #tpu.memory_space<vmem>>, %arg6: memref<128x256xf32, #tpu.memory_space<vmem>>, %arg7: memref<1x256xf32, #tpu.memory_space<vmem>>, %arg8: memref<2000x128xf32, #tpu.memory_space<vmem>>, %arg9: memref<2000x128xf32, #tpu.memory_space<vmem>>, %arg10: memref<2000x1xf32, #tpu.memory_space<vmem>>) attributes {dimension_semantics = [#tpu.dimension_semantics<arbitrary>], iteration_bounds = array<i64: 5>, scalar_prefetch = 0 : i64, scratch_operands = 0 : i64, tpu.core_type = #tpu.core_type<tc>, window_params = [{transform_indices = @transform_0, window_bounds = array<i64: 2, 2000, 128>}, {transform_indices = @transform_1, window_bounds = array<i64: 2000, 1>}, {transform_indices = @transform_2, window_bounds = array<i64: 2000, 1>}, {transform_indices = @transform_3, window_bounds = array<i64: 2000, 128>}, {pipeline_mode = #tpu.pipeline_mode<synchronous>, transform_indices = @transform_4, window_bounds = array<i64: 128, 256>}, {pipeline_mode = #tpu.pipeline_mode<synchronous>, transform_indices = @transform_5, window_bounds = array<i64: 128, 256>}, {pipeline_mode = #tpu.pipeline_mode<synchronous>, transform_indices = @transform_6, window_bounds = array<i64: 1, 256>}, {transform_indices = @transform_7, window_bounds = array<i64: 2000, 128>}, {transform_indices = @transform_8, window_bounds = array<i64: 2000, 128>}, {transform_indices = @transform_9, window_bounds = array<i64: 2000, 1>}]} {
    %get3A = arith.constant 0 : index
    %get3A_0 = arith.constant 0 : index
    %get3A_1 = vector.load %arg2[%get3A, %get3A_0] : memref<2000x1xf32, #tpu.memory_space<vmem>>, vector<2000x1xf32>
    %get3A_2 = arith.constant 0 : index
    %get3A_3 = arith.constant 0 : index
    %get3A_4 = vector.load %arg3[%get3A_2, %get3A_3] : memref<2000x1xf32, #tpu.memory_space<vmem>>, vector<2000x1xf32>
    %add3A = arith.addf %get3A_1, %get3A_4 : vector<2000x1xf32>
    %max3A = arith.constant 1.000000e+00 : f32
    %max3A_5 = vector.broadcast %max3A : f32 to vector<2000x1xf32>
    %max3A_6 = arith.maximumf %add3A, %max3A_5 : vector<2000x1xf32>
    %div3A = arith.constant 1.000000e+00 : f32
    %div3A_7 = vector.broadcast %div3A : f32 to vector<2000x1xf32>
    %div3A_8 = arith.divf %div3A_7, %max3A_6 : vector<2000x1xf32>
    %get3A_9 = arith.constant 0 : index
    %get3A_10 = arith.constant 0 : index
    %get3A_11 = arith.constant 0 : index
    %get3A_12 = vector.load %arg1[%get3A_9, %get3A_10, %get3A_11] : memref<2x2000x128xf32, #tpu.memory_space<vmem>>, vector<1x2000x128xf32>
    %get3A_13 = vector.shape_cast %get3A_12 : vector<1x2000x128xf32> to vector<2000x128xf32>
    %get3A_14 = arith.constant 1 : index
    %get3A_15 = arith.constant 0 : index
    %get3A_16 = arith.constant 0 : index
    %get3A_17 = vector.load %arg1[%get3A_14, %get3A_15, %get3A_16] : memref<2x2000x128xf32, #tpu.memory_space<vmem>>, vector<1x2000x128xf32>
    %get3A_18 = vector.shape_cast %get3A_17 : vector<1x2000x128xf32> to vector<2000x128xf32>
    %add3A_19 = arith.addf %get3A_13, %get3A_18 : vector<2000x128xf32>
    %mul3A = vector.broadcast %div3A_8 : vector<2000x1xf32> to vector<2000x128xf32>
    %mul3A_20 = arith.mulf %add3A_19, %mul3A : vector<2000x128xf32>
    %get3A_21 = arith.constant 0 : index
    %get3A_22 = arith.constant 0 : index
    %get3A_23 = vector.load %arg5[%get3A_21, %get3A_22] : memref<128x256xf32, #tpu.memory_space<vmem>>, vector<128x256xf32>
    %dot_general3A = arith.constant dense<0.000000e+00> : vector<2000x256xf32>
    %dot_general3A_24 = tpu.matmul %mul3A_20, %get3A_23, %dot_general3A {dimension_numbers = #tpu.dot_dimension_numbers<[1], [0], [0], [1], [0, 0, 1, 1], [], []>, transpose_lhs_hint = false} : vector<2000x128xf32>, vector<128x256xf32>, vector<2000x256xf32> -> vector<2000x256xf32>
    %get3A_25 = arith.constant 0 : index
    %get3A_26 = arith.constant 0 : index
    %get3A_27 = vector.load %arg4[%get3A_25, %get3A_26] : memref<2000x128xf32, #tpu.memory_space<vmem>>, vector<2000x128xf32>
    %get3A_28 = arith.constant 0 : index
    %get3A_29 = arith.constant 0 : index
    %get3A_30 = vector.load %arg6[%get3A_28, %get3A_29] : memref<128x256xf32, #tpu.memory_space<vmem>>, vector<128x256xf32>
    %dot_general3A_31 = arith.constant dense<0.000000e+00> : vector<2000x256xf32>
    %dot_general3A_32 = tpu.matmul %get3A_27, %get3A_30, %dot_general3A_31 {dimension_numbers = #tpu.dot_dimension_numbers<[1], [0], [0], [1], [0, 0, 1, 1], [], []>, transpose_lhs_hint = false} : vector<2000x128xf32>, vector<128x256xf32>, vector<2000x256xf32> -> vector<2000x256xf32>
    %add3A_33 = arith.addf %dot_general3A_24, %dot_general3A_32 : vector<2000x256xf32>
    %get3A_34 = arith.constant 0 : index
    %get3A_35 = arith.constant 0 : index
    %get3A_36 = vector.load %arg7[%get3A_34, %get3A_35] : memref<1x256xf32, #tpu.memory_space<vmem>>, vector<1x256xf32>
    %add3A_37 = vector.broadcast %get3A_36 : vector<1x256xf32> to vector<2000x256xf32>
    %add3A_38 = arith.addf %add3A_33, %add3A_37 : vector<2000x256xf32>
    %slice3A = vector.extract_strided_slice %add3A_38 {offsets = [0, 0], sizes = [2000, 128], strides = [1, 1]} : vector<2000x256xf32> to vector<2000x128xf32>
    %swap3A = arith.constant 0 : index
    %swap3A_39 = arith.constant 0 : index
    %swap3A_40 = vector.load %arg8[%swap3A, %swap3A_39] : memref<2000x128xf32, #tpu.memory_space<vmem>>, vector<2000x128xf32>
    tpu.vector_store %arg8[%swap3A, %swap3A_39], %slice3A {strides = array<i32>} : memref<2000x128xf32, #tpu.memory_space<vmem>>, vector<2000x128xf32>,
    %slice3A_41 = vector.extract_strided_slice %add3A_38 {offsets = [0, 128], sizes = [2000, 128], strides = [1, 1]} : vector<2000x256xf32> to vector<2000x128xf32>
    %swap3A_42 = arith.constant 0 : index
    %swap3A_43 = arith.constant 0 : index
    %swap3A_44 = vector.load %arg9[%swap3A_42, %swap3A_43] : memref<2000x128xf32, #tpu.memory_space<vmem>>, vector<2000x128xf32>
    tpu.vector_store %arg9[%swap3A_42, %swap3A_43], %slice3A_41 {strides = array<i32>} : memref<2000x128xf32, #tpu.memory_space<vmem>>, vector<2000x128xf32>,
    %swap3A_45 = arith.constant 0 : index
    %swap3A_46 = arith.constant 0 : index
    %swap3A_47 = vector.load %arg10[%swap3A_45, %swap3A_46] : memref<2000x1xf32, #tpu.memory_space<vmem>>, vector<2000x1xf32>
    tpu.vector_store %arg10[%swap3A_45, %swap3A_46], %div3A_8 {strides = array<i32>} : memref<2000x1xf32, #tpu.memory_space<vmem>>, vector<2000x1xf32>,
    return
  }
  func.func @transform_0(%arg0: i32) -> (i32, i32, i32) {
    %c0_i32 = arith.constant 0 : i32
    %c0_i32_0 = arith.constant 0 : i32
    %c0_i32_1 = arith.constant 0 : i32
    return %c0_i32, %arg0, %c0_i32_0 : i32, i32, i32
  }
  func.func @transform_1(%arg0: i32) -> (i32, i32) {
    %c0_i32 = arith.constant 0 : i32
    %c0_i32_0 = arith.constant 0 : i32
    return %arg0, %c0_i32 : i32, i32
  }
  func.func @transform_2(%arg0: i32) -> (i32, i32) {
    %c0_i32 = arith.constant 0 : i32
    %c0_i32_0 = arith.constant 0 : i32
    return %arg0, %c0_i32 : i32, i32
  }
  func.func @transform_3(%arg0: i32) -> (i32, i32) {
    %c0_i32 = arith.constant 0 : i32
    %c0_i32_0 = arith.constant 0 : i32
    return %arg0, %c0_i32 : i32, i32
  }
  func.func @transform_4(%arg0: i32) -> (i32, i32) {
    %c0_i32 = arith.constant 0 : i32
    %c0_i32_0 = arith.constant 0 : i32
    %c0_i32_1 = arith.constant 0 : i32
    return %c0_i32, %c0_i32_0 : i32, i32
  }
  func.func @transform_5(%arg0: i32) -> (i32, i32) {
    %c0_i32 = arith.constant 0 : i32
    %c0_i32_0 = arith.constant 0 : i32
    %c0_i32_1 = arith.constant 0 : i32
    return %c0_i32, %c0_i32_0 : i32, i32
  }
  func.func @transform_6(%arg0: i32) -> (i32, i32) {
    %c0_i32 = arith.constant 0 : i32
    %c0_i32_0 = arith.constant 0 : i32
    %c0_i32_1 = arith.constant 0 : i32
    return %c0_i32, %c0_i32_0 : i32, i32
  }
  func.func @transform_7(%arg0: i32) -> (i32, i32) {
    %c0_i32 = arith.constant 0 : i32
    %c0_i32_0 = arith.constant 0 : i32
    return %arg0, %c0_i32 : i32, i32
  }
  func.func @transform_8(%arg0: i32) -> (i32, i32) {
    %c0_i32 = arith.constant 0 : i32
    %c0_i32_0 = arith.constant 0 : i32
    return %arg0, %c0_i32 : i32, i32
  }
  func.func @transform_9(%arg0: i32) -> (i32, i32) {
    %c0_i32 = arith.constant 0 : i32
    %c0_i32_0 = arith.constant 0 : i32
    return %arg0, %c0_i32 : i32, i32
  }
}

module attributes {stable_mosaic.version = 14 : i64} {
  func.func @_tc2_body(%arg0: i32, %arg1: memref<2x2000x128xf32, #tpu.memory_space<vmem>>, %arg2: memref<2000x1xf32, #tpu.memory_space<vmem>>, %arg3: memref<2000x128xf32, #tpu.memory_space<vmem>>, %arg4: memref<2000x128xf32, #tpu.memory_space<vmem>>, %arg5: memref<128x256xf32, #tpu.memory_space<vmem>>, %arg6: memref<128x256xf32, #tpu.memory_space<vmem>>, %arg7: memref<128x256xf32, #tpu.memory_space<vmem>>, %arg8: memref<128x256xf32, #tpu.memory_space<vmem>>, %arg9: memref<1x256xf32, #tpu.memory_space<vmem>>, %arg10: memref<2000x256xf32, #tpu.memory_space<vmem>>) attributes {dimension_semantics = [#tpu.dimension_semantics<arbitrary>], iteration_bounds = array<i64: 5>, scalar_prefetch = 0 : i64, scratch_operands = 0 : i64, tpu.core_type = #tpu.core_type<tc>, window_params = [{transform_indices = @transform_0, window_bounds = array<i64: 2, 2000, 128>}, {transform_indices = @transform_1, window_bounds = array<i64: 2000, 1>}, {transform_indices = @transform_2, window_bounds = array<i64: 2000, 128>}, {transform_indices = @transform_3, window_bounds = array<i64: 2000, 128>}, {pipeline_mode = #tpu.pipeline_mode<synchronous>, transform_indices = @transform_4, window_bounds = array<i64: 128, 256>}, {pipeline_mode = #tpu.pipeline_mode<synchronous>, transform_indices = @transform_5, window_bounds = array<i64: 128, 256>}, {pipeline_mode = #tpu.pipeline_mode<synchronous>, transform_indices = @transform_6, window_bounds = array<i64: 128, 256>}, {pipeline_mode = #tpu.pipeline_mode<synchronous>, transform_indices = @transform_7, window_bounds = array<i64: 128, 256>}, {pipeline_mode = #tpu.pipeline_mode<synchronous>, transform_indices = @transform_8, window_bounds = array<i64: 1, 256>}, {transform_indices = @transform_9, window_bounds = array<i64: 2000, 256>}]} {
    %get3A = arith.constant 0 : index
    %get3A_0 = arith.constant 0 : index
    %get3A_1 = vector.load %arg2[%get3A, %get3A_0] : memref<2000x1xf32, #tpu.memory_space<vmem>>, vector<2000x1xf32>
    %get3A_2 = arith.constant 0 : index
    %get3A_3 = arith.constant 0 : index
    %get3A_4 = arith.constant 0 : index
    %get3A_5 = vector.load %arg1[%get3A_2, %get3A_3, %get3A_4] : memref<2x2000x128xf32, #tpu.memory_space<vmem>>, vector<1x2000x128xf32>
    %get3A_6 = vector.shape_cast %get3A_5 : vector<1x2000x128xf32> to vector<2000x128xf32>
    %mul3A = vector.broadcast %get3A_1 : vector<2000x1xf32> to vector<2000x128xf32>
    %mul3A_7 = arith.mulf %get3A_6, %mul3A : vector<2000x128xf32>
    %get3A_8 = arith.constant 0 : index
    %get3A_9 = arith.constant 0 : index
    %get3A_10 = vector.load %arg5[%get3A_8, %get3A_9] : memref<128x256xf32, #tpu.memory_space<vmem>>, vector<128x256xf32>
    %dot_general3A = arith.constant dense<0.000000e+00> : vector<2000x256xf32>
    %dot_general3A_11 = tpu.matmul %mul3A_7, %get3A_10, %dot_general3A {dimension_numbers = #tpu.dot_dimension_numbers<[1], [0], [0], [1], [0, 0, 1, 1], [], []>, transpose_lhs_hint = false} : vector<2000x128xf32>, vector<128x256xf32>, vector<2000x256xf32> -> vector<2000x256xf32>
    %get3A_12 = arith.constant 1 : index
    %get3A_13 = arith.constant 0 : index
    %get3A_14 = arith.constant 0 : index
    %get3A_15 = vector.load %arg1[%get3A_12, %get3A_13, %get3A_14] : memref<2x2000x128xf32, #tpu.memory_space<vmem>>, vector<1x2000x128xf32>
    %get3A_16 = vector.shape_cast %get3A_15 : vector<1x2000x128xf32> to vector<2000x128xf32>
    %mul3A_17 = vector.broadcast %get3A_1 : vector<2000x1xf32> to vector<2000x128xf32>
    %mul3A_18 = arith.mulf %get3A_16, %mul3A_17 : vector<2000x128xf32>
    %get3A_19 = arith.constant 0 : index
    %get3A_20 = arith.constant 0 : index
    %get3A_21 = vector.load %arg6[%get3A_19, %get3A_20] : memref<128x256xf32, #tpu.memory_space<vmem>>, vector<128x256xf32>
    %dot_general3A_22 = arith.constant dense<0.000000e+00> : vector<2000x256xf32>
    %dot_general3A_23 = tpu.matmul %mul3A_18, %get3A_21, %dot_general3A_22 {dimension_numbers = #tpu.dot_dimension_numbers<[1], [0], [0], [1], [0, 0, 1, 1], [], []>, transpose_lhs_hint = false} : vector<2000x128xf32>, vector<128x256xf32>, vector<2000x256xf32> -> vector<2000x256xf32>
    %add3A = arith.addf %dot_general3A_11, %dot_general3A_23 : vector<2000x256xf32>
    %get3A_24 = arith.constant 0 : index
    %get3A_25 = arith.constant 0 : index
    %get3A_26 = vector.load %arg3[%get3A_24, %get3A_25] : memref<2000x128xf32, #tpu.memory_space<vmem>>, vector<2000x128xf32>
    %get3A_27 = arith.constant 0 : index
    %get3A_28 = arith.constant 0 : index
    %get3A_29 = vector.load %arg7[%get3A_27, %get3A_28] : memref<128x256xf32, #tpu.memory_space<vmem>>, vector<128x256xf32>
    %dot_general3A_30 = arith.constant dense<0.000000e+00> : vector<2000x256xf32>
    %dot_general3A_31 = tpu.matmul %get3A_26, %get3A_29, %dot_general3A_30 {dimension_numbers = #tpu.dot_dimension_numbers<[1], [0], [0], [1], [0, 0, 1, 1], [], []>, transpose_lhs_hint = false} : vector<2000x128xf32>, vector<128x256xf32>, vector<2000x256xf32> -> vector<2000x256xf32>
    %add3A_32 = arith.addf %add3A, %dot_general3A_31 : vector<2000x256xf32>
    %get3A_33 = arith.constant 0 : index
    %get3A_34 = arith.constant 0 : index
    %get3A_35 = vector.load %arg4[%get3A_33, %get3A_34] : memref<2000x128xf32, #tpu.memory_space<vmem>>, vector<2000x128xf32>
    %get3A_36 = arith.constant 0 : index
    %get3A_37 = arith.constant 0 : index
    %get3A_38 = vector.load %arg8[%get3A_36, %get3A_37] : memref<128x256xf32, #tpu.memory_space<vmem>>, vector<128x256xf32>
    %dot_general3A_39 = arith.constant dense<0.000000e+00> : vector<2000x256xf32>
    %dot_general3A_40 = tpu.matmul %get3A_35, %get3A_38, %dot_general3A_39 {dimension_numbers = #tpu.dot_dimension_numbers<[1], [0], [0], [1], [0, 0, 1, 1], [], []>, transpose_lhs_hint = false} : vector<2000x128xf32>, vector<128x256xf32>, vector<2000x256xf32> -> vector<2000x256xf32>
    %add3A_41 = arith.addf %add3A_32, %dot_general3A_40 : vector<2000x256xf32>
    %get3A_42 = arith.constant 0 : index
    %get3A_43 = arith.constant 0 : index
    %get3A_44 = vector.load %arg9[%get3A_42, %get3A_43] : memref<1x256xf32, #tpu.memory_space<vmem>>, vector<1x256xf32>
    %add3A_45 = vector.broadcast %get3A_44 : vector<1x256xf32> to vector<2000x256xf32>
    %add3A_46 = arith.addf %add3A_41, %add3A_45 : vector<2000x256xf32>
    %max3A = arith.constant 0.000000e+00 : f32
    %max3A_47 = vector.broadcast %max3A : f32 to vector<2000x256xf32>
    %max3A_48 = arith.maximumf %add3A_46, %max3A_47 : vector<2000x256xf32>
    %swap3A = arith.constant 0 : index
    %swap3A_49 = arith.constant 0 : index
    %swap3A_50 = vector.load %arg10[%swap3A, %swap3A_49] : memref<2000x256xf32, #tpu.memory_space<vmem>>, vector<2000x256xf32>
    tpu.vector_store %arg10[%swap3A, %swap3A_49], %max3A_48 {strides = array<i32>} : memref<2000x256xf32, #tpu.memory_space<vmem>>, vector<2000x256xf32>,
    return
  }
  func.func @transform_0(%arg0: i32) -> (i32, i32, i32) {
    %c0_i32 = arith.constant 0 : i32
    %c0_i32_0 = arith.constant 0 : i32
    %c0_i32_1 = arith.constant 0 : i32
    return %c0_i32, %arg0, %c0_i32_0 : i32, i32, i32
  }
  func.func @transform_1(%arg0: i32) -> (i32, i32) {
    %c0_i32 = arith.constant 0 : i32
    %c0_i32_0 = arith.constant 0 : i32
    return %arg0, %c0_i32 : i32, i32
  }
  func.func @transform_2(%arg0: i32) -> (i32, i32) {
    %c0_i32 = arith.constant 0 : i32
    %c0_i32_0 = arith.constant 0 : i32
    return %arg0, %c0_i32 : i32, i32
  }
  func.func @transform_3(%arg0: i32) -> (i32, i32) {
    %c0_i32 = arith.constant 0 : i32
    %c0_i32_0 = arith.constant 0 : i32
    return %arg0, %c0_i32 : i32, i32
  }
  func.func @transform_4(%arg0: i32) -> (i32, i32) {
    %c0_i32 = arith.constant 0 : i32
    %c0_i32_0 = arith.constant 0 : i32
    %c0_i32_1 = arith.constant 0 : i32
    return %c0_i32, %c0_i32_0 : i32, i32
  }
  func.func @transform_5(%arg0: i32) -> (i32, i32) {
    %c0_i32 = arith.constant 0 : i32
    %c0_i32_0 = arith.constant 0 : i32
    %c0_i32_1 = arith.constant 0 : i32
    return %c0_i32, %c0_i32_0 : i32, i32
  }
  func.func @transform_6(%arg0: i32) -> (i32, i32) {
    %c0_i32 = arith.constant 0 : i32
    %c0_i32_0 = arith.constant 0 : i32
    %c0_i32_1 = arith.constant 0 : i32
    return %c0_i32, %c0_i32_0 : i32, i32
  }
  func.func @transform_7(%arg0: i32) -> (i32, i32) {
    %c0_i32 = arith.constant 0 : i32
    %c0_i32_0 = arith.constant 0 : i32
    %c0_i32_1 = arith.constant 0 : i32
    return %c0_i32, %c0_i32_0 : i32, i32
  }
  func.func @transform_8(%arg0: i32) -> (i32, i32) {
    %c0_i32 = arith.constant 0 : i32
    %c0_i32_0 = arith.constant 0 : i32
    %c0_i32_1 = arith.constant 0 : i32
    return %c0_i32, %c0_i32_0 : i32, i32
  }
  func.func @transform_9(%arg0: i32) -> (i32, i32) {
    %c0_i32 = arith.constant 0 : i32
    %c0_i32_0 = arith.constant 0 : i32
    return %arg0, %c0_i32 : i32, i32
  }
}

</mosaic_0001>

<sc_bundles>
// kernel: kernel.6.cloned.1.call-start
scs
__scs_entry_jumppad:
0x0: {  	(pc) =	sbr.rel $0x88, $3  }
0x1: {  	(tag) =	ssettag $0x0;
	lr =	simm.s32 $0x1  }
0x2: {  	[smem:$0x3F99] =	sst lr;
	_ =	strace $0xD0000000  }
0x3: {  	_ = 	snop  }
0x4: {  	_ = 	snop  }
0x5: {  	_ = 	snop  }
0x6: {  	_ = 	snop  }
0x7: {  	_ = 	snop  }
__scs_overlays_trampoline_lowered:
0x8: {  	[smem:$0x3FA8] =	sst s0  }
0x9: {  	[smem:$0x3FA9] =	sst s1  }
0xa: {  	[smem:$0x3FAA] =	sst s2  }
0xb: {  	[smem:$0x3FAB] =	sst s3  }
0xc: {  	[smem:$0x3FAC] =	sst s4  }
0xd: {  	[smem:$0x3FAD] =	sst s5  }
0xe: {  	[smem:$0x3FAE] =	sst s6  }
0xf: {  	[smem:$0x3FAF] =	sst s7  }
0x10: {  	[smem:$0x3FB0] =	sst s8  }
0x11: {  	[smem:$0x3FB1] =	sst s9;
	s0 =	simm.s32 @!p0 $0x0  }
0x12: {  	s1 =	sld [smem:$0x3F97];
	s0 =	simm.s32 @p0 $0x1  }
0x13: {  	[smem:$0x3FB2] =	sst s0;
	s0 =	simm.s32 @!p1 $0x0  }
0x14: {  	s2 =	sld [smem:$0x3F96];
	s0 =	simm.s32 @p1 $0x1  }
0x15: {  	[smem:$0x3FB3] =	sst s0;
	s0 =	simm.s32 @!p2 $0x0  }
0x16: {  	s3 =	sld [smem:$0x3FDB];
	s0 =	simm.s32 @p2 $0x1  }
0x17: {  	s4 =	simm.s32 $0x1BF5;
	[smem:$0x3FB5] =	sst s0  }
0x18: {  	s0 =	sld [smem:$0x3F98];
	_ =	swait.ge [sflag:s4], $0x0  }
0x19: {  	s7 =	sld [smem:$0x3F99]  }
0x1a: {  	s8 =	sadd.s32 $0xFFFFE003, lr  }
0x1b: {  	s9 =	sadd.s32 $0xFFFFFEF7, lr;
	s5 =	simm.s32 $0xFFFFFFFF;
	p2 =	slt.u32 s8, $0xFFFFF086  }
0x1c: {  	p1 =	slt.u32 s9, $0xF7A;
	s5 =	simm.s32 @!p2 $0x0  }
0x1d: {  	s5 =	simm.s32 @p1 $0x1;
	p0 =	seq.s32 s7, s2  }
0x1e: {  	s7 =	smul.u32 @!p0 $0xF7A, s2;
	p2 =	seq.s32 @!p0 s5, $0x0  }
0x1f: {  	s9 =	smul.u32 $0xF7A, s1;
	s8 =	simm.s32 @!p0 $0x1BF5;
	p2 =	por !p2, p0  }
0x20: {  	[sflag:s8] =	ssyncset.s32 @!p0 $0xFFFFF086;
	s6 =	sadd.s32 @!p0 s3, s7;
	s7 =	simm.s32 @!p0 $0x108  }
0x21: {  	s3 =	sadd.s32 s3, s9;
	s6 =	sadd.s32 @!p0 $0x88, s6;
	s7 =	simm.s32 @p2 $0x1082  }
0x22: {  	[simem:s7], [sflag:s8] =	dma.local @!p0 [hbm:s6], $0xF7A  }
0x23: {  	s9 =	sor.u32 $0xD0000000, s2;
	s6 =	simm.s32 $0x108;
	_ =	swait.ge @!p0 [sflag:s8], $0x0  }
0x24: {  	s3 =	sadd.s32 $0x88, s3;
	s6 =	simm.s32 @!p1 $0x1082;
	[sflag:s4] =	ssyncset.s32 $0xFFFFF086  }
0x25: {  	[simem:s6], [sflag:s4] =	dma.local [hbm:s3], $0xF7A  }
0x26: {  	[smem:$0x3F99] =	sst s1;
	(tag) =	ssettag s2;
	_ =	strace s9  }
0x27: {  	s1 =	sld [smem:$0x3FA9]  }
0x28: {  	s2 =	sld [smem:$0x3FAA]  }
0x29: {  	s4 =	sld [smem:$0x3FAC]  }
0x2a: {  	p0 =	seq.s32 s5, $0x0;
	s5 =	sld [smem:$0x3FAD]  }
0x2b: {  	s6 =	sld [smem:$0x3FAE]  }
0x2c: {  	s7 =	sld [smem:$0x3FAF]  }
0x2d: {  	s3 =	simm.s32 $0x108;
	s8 =	sld [smem:$0x3FB0]  }
0x2e: {  	s3 =	simm.s32 @!p0 $0x1082;
	s9 =	sld [smem:$0x3FB1]  }
0x2f: {  	lr =	sadd.s32 s0, s3;
	s0 =	sld [smem:$0x3FA8]  }
0x30: {  	s3 =	sld [smem:$0x3FAB]  }
0x31: {  	[smem:$0x3FB4] =	sst s10  }
0x32: {  	s10 =	sld [smem:$0x3FB2];
	_ =	sdelay $0x3  }
0x33: {  	p0 =	seq.s32 s10, $0x1;
	s10 =	sld [smem:$0x3FB4];
	_ =	sdelay $0x3  }
0x34: {  	[smem:$0x3FB4] =	sst s10  }
0x35: {  	s10 =	sld [smem:$0x3FB3];
	_ =	sdelay $0x3  }
0x36: {  	p1 =	seq.s32 s10, $0x1;
	s10 =	sld [smem:$0x3FB4];
	_ =	sdelay $0x3  }
0x37: {  	[smem:$0x3FB4] =	sst s10  }
0x38: {  	s10 =	sld [smem:$0x3FB5]  }
0x39: {  	_ = 	snop;
	(pc) =	sbr.ind lr, $3  }
0x3a: {  	_ = 	snop  }
0x3b: {  	_ = 	snop  }
0x3c: {  	p2 =	seq.s32 s10, $0x1;
	s10 =	sld [smem:$0x3FB4]  }
0x3d: {  	_ =	shalt  }
0x3e: {  	_ =	shalt  }
0x3f: {  	_ =	shalt  }
0x40: {  	_ =	shalt  }
0x41: {  	_ =	shalt  }
0x42: {  	_ =	shalt  }
0x43: {  	_ =	shalt  }
0x44: {  	_ =	shalt  }
0x45: {  	_ =	shalt  }
0x46: {  	_ =	shalt  }
0x47: {  	_ =	shalt  }
0x48: {  	_ =	shalt  }
0x49: {  	_ =	shalt  }
0x4a: {  	_ =	shalt  }
0x4b: {  	_ =	shalt  }
0x4c: {  	_ =	shalt  }
0x4d: {  	_ =	shalt  }
0x4e: {  	_ =	shalt  }
0x4f: {  	_ =	shalt  }
0x50: {  	_ =	shalt  }
0x51: {  	_ =	shalt  }
0x52: {  	_ =	shalt  }
0x53: {  	_ =	shalt  }
0x54: {  	_ =	shalt  }
0x55: {  	_ =	shalt  }
0x56: {  	_ =	shalt  }
0x57: {  	_ =	shalt  }
0x58: {  	_ =	shalt  }
0x59: {  	_ =	shalt  }
0x5a: {  	_ =	shalt  }
0x5b: {  	_ =	shalt  }
0x5c: {  	_ =	shalt  }
0x5d: {  	_ =	shalt  }
0x5e: {  	_ =	shalt  }
0x5f: {  	_ =	shalt  }
0x60: {  	_ =	shalt  }
0x61: {  	_ =	shalt  }
0x62: {  	_ =	shalt  }
0x63: {  	_ =	shalt  }
0x64: {  	_ =	shalt  }
0x65: {  	_ =	shalt  }
0x66: {  	_ =	shalt  }
0x67: {  	_ =	shalt  }
0x68: {  	_ =	shalt  }
0x69: {  	_ =	shalt  }
0x6a: {  	_ =	shalt  }
0x6b: {  	_ =	shalt  }
0x6c: {  	_ =	shalt  }
0x6d: {  	_ =	shalt  }
0x6e: {  	_ =	shalt  }
0x6f: {  	_ =	shalt  }
0x70: {  	_ =	shalt  }
0x71: {  	_ =	shalt  }
0x72: {  	_ =	shalt  }
0x73: {  	_ =	shalt  }
0x74: {  	_ =	shalt  }
0x75: {  	_ =	shalt  }
0x76: {  	_ =	shalt  }
0x77: {  	_ =	shalt  }
0x78: {  	_ =	shalt  }
0x79: {  	_ =	shalt  }
0x7a: {  	_ =	shalt  }
0x7b: {  	_ =	shalt  }
0x7c: {  	_ =	shalt  }
0x7d: {  	_ =	shalt  }
0x7e: {  	_ =	shalt  }
0x7f: {  	_ =	shalt  }
0x80: {  	_ =	shalt  }
0x81: {  	_ =	shalt  }
0x82: {  	_ =	shalt  }
0x83: {  	_ =	shalt  }
0x84: {  	_ =	shalt  }
0x85: {  	_ =	shalt  }
0x86: {  	_ =	shalt  }
0x87: {  	_ =	shalt  }
.Lfunc_end0:
.L_simem_size_0:
called_computation_lowered:
.L_overlay_start_0:
0x88: {  	s2 =	sld [smem:$0x3FD9]  }
0x89: {  	s3 =	sld [smem:$0x3FFE];
	_ =	sdelay $0x1  }
0x8a: {  	s1 =	srdreg.scid  }
0x8b: {  	s0 =	sand.u32 $0x1, s1  }
0x8c: {  	s17 =	sshll.u32 s0, $0xA;
	s2 =	sadd.s32 s3, s2  }
0x8d: {  	s2 =	sadd.s32 s2, s17  }
0x8e: {  	[smem:$0x3FC0] =	sst s2  }
0x8f: {  	_ = 	snop  }
0x90: {  	s2 =	sld [smem:$0x3FC9]  }
0x91: {  	s18 =	sld [smem:$0x3FD0];
	(tm) =	ssettm $0x1  }
0x92: {  	s4 =	sld [smem:$0x3FFB];
	_ =	sdelay $0x3  }
0x93: {  	_ =	strace s4  }
0x94: {  	s4 =	sld [smem:$0x3FFC];
	_ =	sdelay $0x3  }
0x95: {  	_ =	strace s4  }
0x96: {  	s4 =	sld [smem:$0x3FFD];
	_ =	sdelay $0x3  }
0x97: {  	_ =	strace s4  }
0x98: {  	_ =	strace $0x8FFFFFFF  }
0x99: {  	s19 =	sld [smem:$0x3FDB];
	_ =	sdelay $0x1  }
0x9a: {  	s5 =	simm.s32 $_scs_section_size  }
0x9b: {  	s6 =	simm.s32 $_size__tile_overlayer_lowered;
	s7 =	simm.s32 $_tile_overlayer_lowered  }
0x9c: {  	s22 =	simm.s32 $0x1BFF;
	s21 =	sshll.u32 s7, $0x1;
	s4 =	sadd.s32 s5, s19  }
0x9d: {  	s8 =	simm.s32 $0x0;
	s20 =	sshll.u32 s6, $0x1;
	s6 =	sadd.s32 s21, s4  }
0x9e: {  	[timem:s8], [sflag:s22] =	dma.local [hbm:s6], s20  }
0x9f: {  	_ =	swait.ge [sflag:s22], s20  }
0xa0: {  	s5 =	ssub.s32 $0x0, s20;
	[sflag:s22] =	ssyncset.done $0x0  }
0xa1: {  	[sflag:s22] =	ssyncadd.s32 s5;
	_ =	sdelay $0x1  }
0xa2: {  	s23 =	simm.s32 $0x1B8B  }
0xa3: {  	_ =	swait.ge [sflag:s23], $0x1  }
0xa4: {  	[sflag:s23] =	ssyncset.done $0x0  }
0xa5: {  	s25 =	simm.s32 $0x1B8E;
	s24 =	sld [smem:$0x3FFE];
	[sflag:s23] =	ssyncadd.s32 $0xFFFFFFFF  }
0xa6: {  	s26 =	simm.s32 $execute0_lowered;
	[smem:$0x3FD2] =	sst s25  }
0xa7: {  	s6 =	sshll.u32 s26, $0x1;
	_ =	strace $0x80000046;
	[dreg:$0x1] =	wrdreg $0xFFFFFFFF  }
0xa8: {  	s28 =	simm.s32 $_size_execute0_lowered;
	s4 =	sadd.s32 s4, s6;
	[dreg:$0x0] =	wrdreg $0x0  }
0xa9: {  	s6 =	sshll.u32 s28, $0x1;
	[dreg:$0x2] =	wrdreg s4  }
0xaa: {  	[dreg:$0x3] =	wrdreg s6  }
0xab: {  	[dreg:$0x4] =	wrdreg $0xC0  }
0xac: {  	_ =	task [dreg:s8], $0x5FFFF  }
0xad: {  	[dreg:$0x1] =	wrdreg $0xFFFFFFFF  }
0xae: {  	[dreg:$0x0] =	wrdreg $0x60  }
0xaf: {  	[dreg:$0x2] =	wrdreg s2  }
0xb0: {  	[dreg:$0x3] =	wrdreg s24  }
0xb1: {  	[dreg:$0x4] =	wrdreg s18  }
0xb2: {  	[dreg:$0x5] =	wrdreg $0x0  }
0xb3: {  	[dreg:$0x6] =	wrdreg $0x140000  }
0xb4: {  	[dreg:$0x7] =	wrdreg $0x9  }
0xb5: {  	_ =	task.clear_ibuf [dreg:s8], $0x8FFFF;
	_ =	strace $0x90000046  }
0xb6: {  	s29 =	simm.s32 $0x9;
	_ =	strace $0x80000048  }
0xb7: {  	_ =	swait.ge [sflag:s29], $0x1  }
0xb8: {  	[sflag:s29] =	ssyncadd.s32 $0xFFFFFFFF  }
0xb9: {  	_ =	strace $0x90000048  }
0xba: {  	_ =	sfence  }
0xbb: {  	s30 =	sld [smem:$0x0];
	_ =	sdelay $0x2  }
0xbc: {  	s31 =	sshll.u32 s1, $0xD;
	s1 =	sshrl.u32 s1, $0x2  }
0xbd: {  	s3 =	sand.u32 $0x4000, s31;
	s1 =	sadd.s32 s1, s30  }
0xbe: {  	s0 =	sor.u32 s3, s0;
	s1 =	sshll.u32 s1, $0x11  }
0xbf: {  	s0 =	sor.u32 s1, s0  }
0xc0: {  	s0 =	sadd.s32 $0x8F2B, s0  }
0xc1: {  	[sflag:s0] =	ssyncadd.remote.s32 $0x1  }
0xc2: {  	_ =	sfence.sel $0xFFFF  }
0xc3: {  	[dreg:$0x0] =	wrdreg $0xFFFFFFFF;
	(pc) =	sbr.abs _section_cstart, $3  }
0xc4: {  	[dreg:$0x1] =	wrdreg $0xFFFFFFFF  }
0xc5: {  	_ =	task.clear_ibuf [dreg:s8], $0x2FFFF;
	_ =	strace $0x9FFFFFFF  }
0xc6: {  	(tm) =	ssettm $0x7FFFFFFF  }
0xc7: {  	_ =	shalt  }
tec
execute0_lowered:
.L_overlay_start_1:
0x0: {  	(tag) =	ssettag $0x1  }
0x1: {  	s0 =	rddreg [dreg:$0x0]  }
0x2: {  	s1 =	rddreg [dreg:$0x1]  }
0x3: {  	s2 =	rddreg [dreg:$0x2];
	s4 =	srdreg.scid  }
0x4: {  	s3 =	rddreg [dreg:$0x3];
	s5 =	stileid.u32;
	s16 =	simm.s32 $0x0  }
0x5: {  	s23 =	simm.s32 $0x14300;
	s29 =	simm.s32 $0x14B80;
	s8 =	smul.u32 $0x2800, s5  }
0x6: {  	s30 =	simm.s32 $0x14C00;
	s31 =	simm.s32 $0x14C80;
	s25 =	smul.u32 $0x14000, s5  }
0x7: {  	s6 =	sand.u32 $0x1, s4;
	s4 =	rddreg [dreg:$0x4];
	s9 =	smul.u32 $0x280, s5  }
0x8: {  	s28 =	simm.s32 $0x14280;
	[smem:$0x7FF] =	sst s16;
	s14 =	smul.u32 $0x50000, s5  }
0x9: {  	s15 =	sshll.u32 s5, $0x6;
	s7 =	smul.u32 $0x28000, s6;
	_ =	strace $0x80000047  }
0xa: {  	s11 =	ssub.s32 $0x2, s6;
	s17 =	smul.u32 $0x138800, s6;
	s26 =	sor.u32 $0x1C04, s15  }
0xb: {  	p0 =	seq.s32 s6, $0x1;
	[dreg:$0x8] =	wrdreg s23;
	s6 =	simm.s32 $0x3FA00  }
0xc: {  	s15 =	simm.s32 $0x4;
	s23 =	simm.s32 $0x14900;
	s10 =	sshrl.u32 s25, $0x3  }
0xd: {  	s12 =	sshrl.u32 s9, $0x3;
	s13 =	sshrl.u32 s11, $0x1;
	[dreg:$0x14] =	wrdreg s23  }
0xe: {  	s9 =	sadd.s32 s9, s4;
	[dreg:$0x19] =	wrdreg s26;
	s7 =	sadd.s32 s8, s7  }
0xf: {  	s10 =	sadd.s32 s10, s1;
	s8 =	sadd.s32 s25, s17;
	s25 =	simm.s32 $0x14380  }
0x10: {  	s11 =	ssub.s32 s11, s13;
	s13 =	simm.s32 $0x14580;
	[dreg:$0x9] =	wrdreg s25  }
0x11: {  	s18 =	sshrl.u32 s17, $0x3;
	s17 =	sshrl.u32 s9, $0x3;
	[dreg:$0xd] =	wrdreg s13  }
0x12: {  	s14 =	sshrl.u32 s14, $0x2;
	s10 =	sadd.s32 $0x16E00, s10;
	[smem:$0x7FD] =	sst s17  }
0x13: {  	s7 =	sshrl.u32 s7, $0x3;
	s24 =	smax.u32 s11, $0x1;
	[dreg:$0x18] =	wrdreg s10  }
0x14: {  	s8 =	sshrl.u32 s8, $0x3;
	s11 =	simm.s32 $0x14500;
	[dreg:$0x1d] =	wrdreg s24  }
0x15: {  	s25 =	simm.s32 $0x14A00;
	s7 =	sadd.s32 s7, s1;
	[dreg:$0xc] =	wrdreg s11  }
0x16: {  	s10 =	sadd.s32 s2, s18;
	s2 =	sadd.s32 s2, s8;
	[dreg:$0x16] =	wrdreg s25  }
0x17: {  	s1 =	sadd.s32 s12, s1;
	s12 =	sadd.s32 s14, s3;
	[dreg:$0x1b] =	wrdreg s2  }
0x18: {  	s6 =	simm.s32 @!p0 $0x3F400;
	s14 =	simm.s32 $0x14600;
	[dreg:$0x17] =	wrdreg s12  }
0x19: {  	s23 =	simm.s32 $0x1D280;
	s18 =	simm.s32 $0x14680;
	[dreg:$0xe] =	wrdreg s14  }
0x1a: {  	p0 =	seq.s32 s5, $0xF;
	s24 =	simm.s32 $0x14980;
	[dreg:$0xf] =	wrdreg s18  }
0x1b: {  	s9 =	simm.s32 $0x14E80;
	s19 =	sadd.s32 $0x3EE00, s1;
	[dreg:$0x15] =	wrdreg s24  }
0x1c: {  	s13 =	simm.s32 $0x15100;
	s20 =	sadd.s32 $0x25800, s10;
	[dreg:$0x1a] =	wrdreg s19  }
0x1d: {  	s8 =	sadd.s32 $0x12C000, s3;
	s21 =	sadd.s32 $0x2E00, s7;
	[dreg:$0x1c] =	wrdreg s20  }
0x1e: {  	s25 =	simm.s32 $0x3;
	s22 =	sadd.s32 $0xCE00, s7;
	[dreg:$0x6] =	wrdreg s21  }
0x1f: {  	s11 =	simm.s32 $0x14F80;
	s7 =	simm.s32 $0x14400;
	[dreg:$0x7] =	wrdreg s22  }
0x20: {  	s10 =	simm.s32 $0x14480;
	s1 =	sadd.s32 s6, s1;
	[dreg:$0xa] =	wrdreg s7  }
0x21: {  	s12 =	sshrl.u32 s12, $0x3;
	s18 =	simm.s32 $0x14A80;
	[dreg:$0x1e] =	wrdreg s1  }
0x22: {  	s24 =	simm.s32 $0x2;
	s2 =	simm.s32 $0x14D00;
	[dreg:$0xb] =	wrdreg s10  }
0x23: {  	s6 =	simm.s32 $0x15080;
	s14 =	simm.s32 $0x15180;
	[dreg:$0x1f] =	wrdreg s12  }
0x24: {  	s19 =	simm.s32 $0x14700;
	s20 =	simm.s32 $0x14780;
	s21 =	simm.s32 $0x14800  }
0x25: {  	s22 =	simm.s32 $0x14880;
	s1 =	sshrl.u32 @p0 s8, $0x3;
	[dreg:$0x10] =	wrdreg s19  }
0x26: {  	s7 =	simm.s32 $0x14E00;
	s10 =	simm.s32 $0x14F00;
	[dreg:$0x11] =	wrdreg s20  }
0x27: {  	s12 =	simm.s32 $0x15000;
	s19 =	simm.s32 $0x80;
	[dreg:$0x12] =	wrdreg s21  }
0x28: {  	s20 =	simm.s32 $0x15280;
	s21 =	simm.s32 $0x19280;
	[dreg:$0x13] =	wrdreg s22  }
0x29: {  	v0 =	vimm.f32 $1.000000000e+00;
	s22 =	simm.s32 $0x1;
	[smem:$0x7FC] =	sst s1;
	s1 =	simm.s32 $0x0  }
.LBB2_1:
0x2a: {  	[smem:$0x7FB] =	sst s1  }
0x2b: {  	s5 =	rddreg [dreg:$0x18]  }
0x2c: {  	s8 =	rddreg [dreg:$0x1f]  }
0x2d: {  	[spmem:s8], [sflag:s26] =	dma.local [hbm:s5], $0x2800  }
0x2e: {  	_ =	swait.ge [sflag:s15], $0x2800  }
0x2f: {  	[sflag:s15] =	ssyncset.done $0x0  }
0x30: {  	s8 =	rddreg [dreg:$0x1a];
	[sflag:s15] =	ssyncadd.s32 $0xFFFFD800  }
0x31: {  	[spmem:s17], [sflag:s26] =	dma.local [hbm:s8], $0x50  }
0x32: {  	_ =	swait.ge [sflag:s15], $0x50  }
0x33: {  	[sflag:s15] =	ssyncset.done $0x0  }
0x34: {  	[sflag:s15] =	ssyncadd.s32 $0xFFFFFFB0  }
0x35: {  	[tilespmem:$0x1D280] =	vst v0  }
0x36: {  	[tilespmem:$0x1D290] =	vst v0  }
0x37: {  	[tilespmem:$0x1D2A0] =	vst v0  }
0x38: {  	[tilespmem:$0x1D2B0] =	vst v0  }
0x39: {  	[tilespmem:$0x1D2C0] =	vst v0  }
0x3a: {  	[tilespmem:$0x1D2D0] =	vst v0  }
0x3b: {  	[tilespmem:$0x1D2E0] =	vst v0  }
0x3c: {  	[tilespmem:$0x1D2F0] =	vst v0  }
0x3d: {  	[bflag:$0x0] =	sbarrier.arrive $0xFFFF  }
0x3e: {  	s17 =	rddreg [dreg:$0x7]  }
0x3f: {  	s26 =	simm.s32 $0x14280;
	s8 =	sadd.s32 $0x0, s17  }
0x40: {  	[tilespmem:s26], [sflag:$0x4] =	stream.linear.gather [hbm4b:s8+s16], $0x800, $0x38;
	[tilespmem:$0x1D300] =	vst v63  }
0x41: {  	_ =	swait.ge [sflag:s15], $0x800  }
0x42: {  	s5 =	rddreg [dreg:$0x6];
	[sflag:s15] =	ssyncset.done $0x0  }
0x43: {  	[sflag:s15] =	ssyncadd.s32 $0xFFFFF800;
	s8 =	sadd.s32 $0x0, s5  }
0x44: {  	[tilespmem:s18], [sflag:$0x4] =	stream.linear.gather [hbm4b:s8+s16], $0x800, $0x38;
	[tilespmem:$0x1D300] =	vst v63  }
0x45: {  	_ =	swait.ge [sflag:s15], $0x800  }
0x46: {  	[sflag:s15] =	ssyncset.done $0x0  }
0x47: {  	[sflag:s15] =	ssyncadd.s32 $0xFFFFF800  }
0x48: {  	[tilespmem:s20], [sflag:$0x1] =	stream.indirect.gather [hbm4b:s0+s19], $0x80, s26, s19, $0xb8;
	[tilespmem:$0x1D300] =	vst v63  }
0x49: {  	s16 =	rddreg [dreg:$0x8]  }
0x4a: {  	[tilespmem:s21], [sflag:$0x2] =	stream.indirect.gather [hbm4b:s0+s19], $0x80, s16, s19, $0xb8;
	[tilespmem:$0x1D300] =	vst v63  }
0x4b: {  	_ =	swait.ge [sflag:s22], $0x4000  }
0x4c: {  	[sflag:s22] =	ssyncset.done $0x0  }
0x4d: {  	[sflag:s22] =	ssyncadd.s32 $0xFFFFC000  }
0x4e: {  	[spmem:s3] =	stream.indirect.scatter.add.f32 [tilespmem:s20], [sflag:$0x4], $0x80, s18, s19, $0xb8;
	[tilespmem:$0x1D300] =	vst v63  }
0x4f: {  	_ =	swait.ge [sflag:s15], $0x4000  }
0x50: {  	[sflag:s15] =	ssyncset.done $0x0  }
0x51: {  	[sflag:s15] =	ssyncadd.s32 $0xFFFFC000  }
0x52: {  	[spmem:s4] =	stream.indirect.scatter.add.f32 [tilespmem:s23], [sflag:$0x3], $0x1, s18, s19, $0xb8;
	[tilespmem:$0x1D300] =	vst v63  }
0x53: {  	s17 =	rddreg [dreg:$0x9]  }
0x54: {  	[tilespmem:s20], [sflag:$0x1] =	stream.indirect.gather [hbm4b:s0+s19], $0x80, s17, s19, $0xb8;
	[tilespmem:$0x1D300] =	vst v63  }
0x55: {  	_ =	swait.ge [sflag:s24], $0x4000  }
0x56: {  	[sflag:s24] =	ssyncset.done $0x0  }
0x57: {  	s26 =	simm.s32 $0x14B00;
	[sflag:s24] =	ssyncadd.s32 $0xFFFFC000  }
0x58: {  	[spmem:s3] =	stream.indirect.scatter.add.f32 [tilespmem:s21], [sflag:$0x4], $0x80, s26, s19, $0xb8;
	[tilespmem:$0x1D300] =	vst v63  }
0x59: {  	_ =	swait.ge [sflag:s15], $0x4000  }
0x5a: {  	[sflag:s15] =	ssyncset.done $0x0  }
0x5b: {  	[sflag:s15] =	ssyncadd.s32 $0xFFFFC000  }
0x5c: {  	[spmem:s4] =	stream.indirect.scatter.add.f32 [tilespmem:s23], [sflag:$0x3], $0x1, s26, s19, $0xb8;
	[tilespmem:$0x1D300] =	vst v63  }
0x5d: {  	s5 =	rddreg [dreg:$0xa]  }
0x5e: {  	[tilespmem:s21], [sflag:$0x2] =	stream.indirect.gather [hbm4b:s0+s19], $0x80, s5, s19, $0xb8;
	[tilespmem:$0x1D300] =	vst v63  }
0x5f: {  	_ =	swait.ge [sflag:s22], $0x4000  }
0x60: {  	[sflag:s22] =	ssyncset.done $0x0  }
0x61: {  	[sflag:s22] =	ssyncadd.s32 $0xFFFFC000  }
0x62: {  	[spmem:s3] =	stream.indirect.scatter.add.f32 [tilespmem:s20], [sflag:$0x4], $0x80, s29, s19, $0xb8;
	[tilespmem:$0x1D300] =	vst v63  }
0x63: {  	_ =	swait.ge [sflag:s15], $0x4000  }
0x64: {  	[sflag:s15] =	ssyncset.done $0x0  }
0x65: {  	[sflag:s15] =	ssyncadd.s32 $0xFFFFC000  }
0x66: {  	[spmem:s4] =	stream.indirect.scatter.add.f32 [tilespmem:s23], [sflag:$0x3], $0x1, s29, s19, $0xb8;
	[tilespmem:$0x1D300] =	vst v63  }
0x67: {  	s16 =	rddreg [dreg:$0xb]  }
0x68: {  	[tilespmem:s20], [sflag:$0x1] =	stream.indirect.gather [hbm4b:s0+s19], $0x80, s16, s19, $0xb8;
	[tilespmem:$0x1D300] =	vst v63  }
0x69: {  	_ =	swait.ge [sflag:s24], $0x4000  }
0x6a: {  	[sflag:s24] =	ssyncset.done $0x0  }
0x6b: {  	[sflag:s24] =	ssyncadd.s32 $0xFFFFC000  }
0x6c: {  	[spmem:s3] =	stream.indirect.scatter.add.f32 [tilespmem:s21], [sflag:$0x4], $0x80, s30, s19, $0xb8;
	[tilespmem:$0x1D300] =	vst v63  }
0x6d: {  	_ =	swait.ge [sflag:s15], $0x4000  }
0x6e: {  	[sflag:s15] =	ssyncset.done $0x0  }
0x6f: {  	[sflag:s15] =	ssyncadd.s32 $0xFFFFC000  }
0x70: {  	[spmem:s4] =	stream.indirect.scatter.add.f32 [tilespmem:s23], [sflag:$0x3], $0x1, s30, s19, $0xb8;
	[tilespmem:$0x1D300] =	vst v63  }
0x71: {  	s17 =	rddreg [dreg:$0xc]  }
0x72: {  	[tilespmem:s21], [sflag:$0x2] =	stream.indirect.gather [hbm4b:s0+s19], $0x80, s17, s19, $0xb8;
	[tilespmem:$0x1D300] =	vst v63  }
0x73: {  	_ =	swait.ge [sflag:s22], $0x4000  }
0x74: {  	[sflag:s22] =	ssyncset.done $0x0  }
0x75: {  	[sflag:s22] =	ssyncadd.s32 $0xFFFFC000  }
0x76: {  	[spmem:s3] =	stream.indirect.scatter.add.f32 [tilespmem:s20], [sflag:$0x4], $0x80, s31, s19, $0xb8;
	[tilespmem:$0x1D300] =	vst v63  }
0x77: {  	_ =	swait.ge [sflag:s15], $0x4000  }
0x78: {  	[sflag:s15] =	ssyncset.done $0x0  }
0x79: {  	[sflag:s15] =	ssyncadd.s32 $0xFFFFC000  }
0x7a: {  	[spmem:s4] =	stream.indirect.scatter.add.f32 [tilespmem:s23], [sflag:$0x3], $0x1, s31, s19, $0xb8;
	[tilespmem:$0x1D300] =	vst v63  }
0x7b: {  	s26 =	rddreg [dreg:$0xd]  }
0x7c: {  	[tilespmem:s20], [sflag:$0x1] =	stream.indirect.gather [hbm4b:s0+s19], $0x80, s26, s19, $0xb8;
	[tilespmem:$0x1D300] =	vst v63  }
0x7d: {  	_ =	swait.ge [sflag:s24], $0x4000  }
0x7e: {  	[sflag:s24] =	ssyncset.done $0x0  }
0x7f: {  	[sflag:s24] =	ssyncadd.s32 $0xFFFFC000  }
0x80: {  	[spmem:s3] =	stream.indirect.scatter.add.f32 [tilespmem:s21], [sflag:$0x4], $0x80, s2, s19, $0xb8;
	[tilespmem:$0x1D300] =	vst v63  }
0x81: {  	_ =	swait.ge [sflag:s15], $0x4000  }
0x82: {  	[sflag:s15] =	ssyncset.done $0x0  }
0x83: {  	[sflag:s15] =	ssyncadd.s32 $0xFFFFC000  }
0x84: {  	[spmem:s4] =	stream.indirect.scatter.add.f32 [tilespmem:s23], [sflag:$0x3], $0x1, s2, s19, $0xb8;
	[tilespmem:$0x1D300] =	vst v63  }
0x85: {  	s1 =	rddreg [dreg:$0xe]  }
0x86: {  	[tilespmem:s21], [sflag:$0x2] =	stream.indirect.gather [hbm4b:s0+s19], $0x80, s1, s19, $0xb8;
	[tilespmem:$0x1D300] =	vst v63  }
0x87: {  	_ =	swait.ge [sflag:s22], $0x4000  }
0x88: {  	[sflag:s22] =	ssyncset.done $0x0  }
0x89: {  	s1 =	simm.s32 $0x14D80;
	[sflag:s22] =	ssyncadd.s32 $0xFFFFC000  }
0x8a: {  	[spmem:s3] =	stream.indirect.scatter.add.f32 [tilespmem:s20], [sflag:$0x4], $0x80, s1, s19, $0xb8;
	[tilespmem:$0x1D300] =	vst v63  }
0x8b: {  	_ =	swait.ge [sflag:s15], $0x4000  }
0x8c: {  	[sflag:s15] =	ssyncset.done $0x0  }
0x8d: {  	[sflag:s15] =	ssyncadd.s32 $0xFFFFC000  }
0x8e: {  	[spmem:s4] =	stream.indirect.scatter.add.f32 [tilespmem:s23], [sflag:$0x3], $0x1, s1, s19, $0xb8;
	[tilespmem:$0x1D300] =	vst v63  }
0x8f: {  	s5 =	rddreg [dreg:$0xf]  }
0x90: {  	[tilespmem:s20], [sflag:$0x1] =	stream.indirect.gather [hbm4b:s0+s19], $0x80, s5, s19, $0xb8;
	[tilespmem:$0x1D300] =	vst v63  }
0x91: {  	_ =	swait.ge [sflag:s24], $0x4000  }
0x92: {  	[sflag:s24] =	ssyncset.done $0x0  }
0x93: {  	[sflag:s24] =	ssyncadd.s32 $0xFFFFC000  }
0x94: {  	[spmem:s3] =	stream.indirect.scatter.add.f32 [tilespmem:s21], [sflag:$0x4], $0x80, s7, s19, $0xb8;
	[tilespmem:$0x1D300] =	vst v63  }
0x95: {  	_ =	swait.ge [sflag:s15], $0x4000  }
0x96: {  	[sflag:s15] =	ssyncset.done $0x0  }
0x97: {  	[sflag:s15] =	ssyncadd.s32 $0xFFFFC000  }
0x98: {  	[spmem:s4] =	stream.indirect.scatter.add.f32 [tilespmem:s23], [sflag:$0x3], $0x1, s7, s19, $0xb8;
	[tilespmem:$0x1D300] =	vst v63  }
0x99: {  	s16 =	rddreg [dreg:$0x10]  }
0x9a: {  	[tilespmem:s21], [sflag:$0x2] =	stream.indirect.gather [hbm4b:s0+s19], $0x80, s16, s19, $0xb8;
	[tilespmem:$0x1D300] =	vst v63  }
0x9b: {  	_ =	swait.ge [sflag:s22], $0x4000  }
0x9c: {  	[sflag:s22] =	ssyncset.done $0x0  }
0x9d: {  	[sflag:s22] =	ssyncadd.s32 $0xFFFFC000  }
0x9e: {  	[spmem:s3] =	stream.indirect.scatter.add.f32 [tilespmem:s20], [sflag:$0x4], $0x80, s9, s19, $0xb8;
	[tilespmem:$0x1D300] =	vst v63  }
0x9f: {  	_ =	swait.ge [sflag:s15], $0x4000  }
0xa0: {  	[sflag:s15] =	ssyncset.done $0x0  }
0xa1: {  	[sflag:s15] =	ssyncadd.s32 $0xFFFFC000  }
0xa2: {  	[spmem:s4] =	stream.indirect.scatter.add.f32 [tilespmem:s23], [sflag:$0x3], $0x1, s9, s19, $0xb8;
	[tilespmem:$0x1D300] =	vst v63  }
0xa3: {  	s17 =	rddreg [dreg:$0x11]  }
0xa4: {  	[tilespmem:s20], [sflag:$0x1] =	stream.indirect.gather [hbm4b:s0+s19], $0x80, s17, s19, $0xb8;
	[tilespmem:$0x1D300] =	vst v63  }
0xa5: {  	_ =	swait.ge [sflag:s24], $0x4000  }
0xa6: {  	[sflag:s24] =	ssyncset.done $0x0  }
0xa7: {  	[sflag:s24] =	ssyncadd.s32 $0xFFFFC000  }
0xa8: {  	[spmem:s3] =	stream.indirect.scatter.add.f32 [tilespmem:s21], [sflag:$0x4], $0x80, s10, s19, $0xb8;
	[tilespmem:$0x1D300] =	vst v63  }
0xa9: {  	_ =	swait.ge [sflag:s15], $0x4000  }
0xaa: {  	[sflag:s15] =	ssyncset.done $0x0  }
0xab: {  	[sflag:s15] =	ssyncadd.s32 $0xFFFFC000  }
0xac: {  	[spmem:s4] =	stream.indirect.scatter.add.f32 [tilespmem:s23], [sflag:$0x3], $0x1, s10, s19, $0xb8;
	[tilespmem:$0x1D300] =	vst v63  }
0xad: {  	s26 =	rddreg [dreg:$0x12]  }
0xae: {  	[tilespmem:s21], [sflag:$0x2] =	stream.indirect.gather [hbm4b:s0+s19], $0x80, s26, s19, $0xb8;
	[tilespmem:$0x1D300] =	vst v63  }
0xaf: {  	_ =	swait.ge [sflag:s22], $0x4000  }
0xb0: {  	[sflag:s22] =	ssyncset.done $0x0  }
0xb1: {  	[sflag:s22] =	ssyncadd.s32 $0xFFFFC000  }
0xb2: {  	[spmem:s3] =	stream.indirect.scatter.add.f32 [tilespmem:s20], [sflag:$0x4], $0x80, s11, s19, $0xb8;
	[tilespmem:$0x1D300] =	vst v63  }
0xb3: {  	_ =	swait.ge [sflag:s15], $0x4000  }
0xb4: {  	[sflag:s15] =	ssyncset.done $0x0  }
0xb5: {  	[sflag:s15] =	ssyncadd.s32 $0xFFFFC000  }
0xb6: {  	[spmem:s4] =	stream.indirect.scatter.add.f32 [tilespmem:s23], [sflag:$0x3], $0x1, s11, s19, $0xb8;
	[tilespmem:$0x1D300] =	vst v63  }
0xb7: {  	s5 =	rddreg [dreg:$0x13]  }
0xb8: {  	[tilespmem:s20], [sflag:$0x1] =	stream.indirect.gather [hbm4b:s0+s19], $0x80, s5, s19, $0xb8;
	[tilespmem:$0x1D300] =	vst v63  }
0xb9: {  	_ =	swait.ge [sflag:s24], $0x4000  }
0xba: {  	[sflag:s24] =	ssyncset.done $0x0  }
0xbb: {  	[sflag:s24] =	ssyncadd.s32 $0xFFFFC000  }
0xbc: {  	[spmem:s3] =	stream.indirect.scatter.add.f32 [tilespmem:s21], [sflag:$0x4], $0x80, s12, s19, $0xb8;
	[tilespmem:$0x1D300] =	vst v63  }
0xbd: {  	_ =	swait.ge [sflag:s15], $0x4000  }
0xbe: {  	[sflag:s15] =	ssyncset.done $0x0  }
0xbf: {  	[sflag:s15] =	ssyncadd.s32 $0xFFFFC000  }
0xc0: {  	[spmem:s4] =	stream.indirect.scatter.add.f32 [tilespmem:s23], [sflag:$0x3], $0x1, s12, s19, $0xb8;
	[tilespmem:$0x1D300] =	vst v63  }
0xc1: {  	s16 =	rddreg [dreg:$0x14]  }
0xc2: {  	[tilespmem:s21], [sflag:$0x2] =	stream.indirect.gather [hbm4b:s0+s19], $0x80, s16, s19, $0xb8;
	[tilespmem:$0x1D300] =	vst v63  }
0xc3: {  	_ =	swait.ge [sflag:s22], $0x4000  }
0xc4: {  	[sflag:s22] =	ssyncset.done $0x0  }
0xc5: {  	[sflag:s22] =	ssyncadd.s32 $0xFFFFC000  }
0xc6: {  	[spmem:s3] =	stream.indirect.scatter.add.f32 [tilespmem:s20], [sflag:$0x4], $0x80, s6, s19, $0xb8;
	[tilespmem:$0x1D300] =	vst v63  }
0xc7: {  	_ =	swait.ge [sflag:s15], $0x4000  }
0xc8: {  	[sflag:s15] =	ssyncset.done $0x0  }
0xc9: {  	[sflag:s15] =	ssyncadd.s32 $0xFFFFC000  }
0xca: {  	[spmem:s4] =	stream.indirect.scatter.add.f32 [tilespmem:s23], [sflag:$0x3], $0x1, s6, s19, $0xb8;
	[tilespmem:$0x1D300] =	vst v63  }
0xcb: {  	s17 =	rddreg [dreg:$0x15]  }
0xcc: {  	[tilespmem:s20], [sflag:$0x1] =	stream.indirect.gather [hbm4b:s0+s19], $0x80, s17, s19, $0xb8;
	[tilespmem:$0x1D300] =	vst v63  }
0xcd: {  	_ =	swait.ge [sflag:s24], $0x4000  }
0xce: {  	[sflag:s24] =	ssyncset.done $0x0  }
0xcf: {  	[sflag:s24] =	ssyncadd.s32 $0xFFFFC000  }
0xd0: {  	[spmem:s3] =	stream.indirect.scatter.add.f32 [tilespmem:s21], [sflag:$0x4], $0x80, s13, s19, $0xb8;
	[tilespmem:$0x1D300] =	vst v63  }
0xd1: {  	_ =	swait.ge [sflag:s15], $0x4000  }
0xd2: {  	[sflag:s15] =	ssyncset.done $0x0  }
0xd3: {  	[sflag:s15] =	ssyncadd.s32 $0xFFFFC000  }
0xd4: {  	[spmem:s4] =	stream.indirect.scatter.add.f32 [tilespmem:s23], [sflag:$0x3], $0x1, s13, s19, $0xb8;
	[tilespmem:$0x1D300] =	vst v63  }
0xd5: {  	s26 =	rddreg [dreg:$0x16]  }
0xd6: {  	[tilespmem:s21], [sflag:$0x2] =	stream.indirect.gather [hbm4b:s0+s19], $0x80, s26, s19, $0xb8;
	[tilespmem:$0x1D300] =	vst v63  }
0xd7: {  	_ =	swait.ge [sflag:s22], $0x4000  }
0xd8: {  	[sflag:s22] =	ssyncset.done $0x0  }
0xd9: {  	[sflag:s22] =	ssyncadd.s32 $0xFFFFC000  }
0xda: {  	[spmem:s3] =	stream.indirect.scatter.add.f32 [tilespmem:s20], [sflag:$0x4], $0x80, s14, s19, $0xb8;
	[tilespmem:$0x1D300] =	vst v63  }
0xdb: {  	_ =	swait.ge [sflag:s15], $0x4000  }
0xdc: {  	[sflag:s15] =	ssyncset.done $0x0  }
0xdd: {  	[sflag:s15] =	ssyncadd.s32 $0xFFFFC000  }
0xde: {  	[spmem:s4] =	stream.indirect.scatter.add.f32 [tilespmem:s23], [sflag:$0x3], $0x1, s14, s19, $0xb8;
	[tilespmem:$0x1D300] =	vst v63  }
0xdf: {  	_ =	swait.ge [sflag:s24], $0x4000  }
0xe0: {  	[sflag:s24] =	ssyncset.done $0x0  }
0xe1: {  	s26 =	simm.s32 $0x15200;
	[sflag:s24] =	ssyncadd.s32 $0xFFFFC000  }
0xe2: {  	[spmem:s3] =	stream.indirect.scatter.add.f32 [tilespmem:s21], [sflag:$0x4], $0x80, s26, s19, $0xb8;
	[tilespmem:$0x1D300] =	vst v63  }
0xe3: {  	_ =	swait.ge [sflag:s15], $0x4000  }
0xe4: {  	[sflag:s15] =	ssyncset.done $0x0  }
0xe5: {  	[sflag:s15] =	ssyncadd.s32 $0xFFFFC000  }
0xe6: {  	[spmem:s4] =	stream.indirect.scatter.add.f32 [tilespmem:s23], [sflag:$0x3], $0x1, s26, s19, $0xb8;
	[tilespmem:$0x1D300] =	vst v63  }
0xe7: {  	_ =	swait.ge [sflag:s25], $0x80  }
0xe8: {  	[sflag:s25] =	ssyncset.done $0x0  }
0xe9: {  	[sflag:s25] =	ssyncadd.s32 $0xFFFFFF80  }
0xea: {  	_ =	swait.ge [sflag:s25], $0x80  }
0xeb: {  	[sflag:s25] =	ssyncset.done $0x0  }
0xec: {  	[sflag:s25] =	ssyncadd.s32 $0xFFFFFF80  }
0xed: {  	_ =	swait.ge [sflag:s25], $0x80  }
0xee: {  	[sflag:s25] =	ssyncset.done $0x0  }
0xef: {  	[sflag:s25] =	ssyncadd.s32 $0xFFFFFF80  }
0xf0: {  	_ =	swait.ge [sflag:s25], $0x80  }
0xf1: {  	[sflag:s25] =	ssyncset.done $0x0  }
0xf2: {  	[sflag:s25] =	ssyncadd.s32 $0xFFFFFF80  }
0xf3: {  	_ =	swait.ge [sflag:s25], $0x80  }
0xf4: {  	[sflag:s25] =	ssyncset.done $0x0  }
0xf5: {  	[sflag:s25] =	ssyncadd.s32 $0xFFFFFF80  }
0xf6: {  	_ =	swait.ge [sflag:s25], $0x80  }
0xf7: {  	[sflag:s25] =	ssyncset.done $0x0  }
0xf8: {  	[sflag:s25] =	ssyncadd.s32 $0xFFFFFF80  }
0xf9: {  	_ =	swait.ge [sflag:s25], $0x80  }
0xfa: {  	[sflag:s25] =	ssyncset.done $0x0  }
0xfb: {  	[sflag:s25] =	ssyncadd.s32 $0xFFFFFF80  }
0xfc: {  	_ =	swait.ge [sflag:s25], $0x80  }
0xfd: {  	[sflag:s25] =	ssyncset.done $0x0  }
0xfe: {  	[sflag:s25] =	ssyncadd.s32 $0xFFFFFF80  }
0xff: {  	_ =	swait.ge [sflag:s25], $0x80  }
0x100: {  	[sflag:s25] =	ssyncset.done $0x0  }
0x101: {  	[sflag:s25] =	ssyncadd.s32 $0xFFFFFF80  }
0x102: {  	_ =	swait.ge [sflag:s25], $0x80  }
0x103: {  	[sflag:s25] =	ssyncset.done $0x0  }
0x104: {  	[sflag:s25] =	ssyncadd.s32 $0xFFFFFF80  }
0x105: {  	_ =	swait.ge [sflag:s25], $0x80  }
0x106: {  	[sflag:s25] =	ssyncset.done $0x0  }
0x107: {  	[sflag:s25] =	ssyncadd.s32 $0xFFFFFF80  }
0x108: {  	_ =	swait.ge [sflag:s25], $0x80  }
0x109: {  	[sflag:s25] =	ssyncset.done $0x0  }
0x10a: {  	[sflag:s25] =	ssyncadd.s32 $0xFFFFFF80  }
0x10b: {  	_ =	swait.ge [sflag:s25], $0x80  }
0x10c: {  	[sflag:s25] =	ssyncset.done $0x0  }
0x10d: {  	[sflag:s25] =	ssyncadd.s32 $0xFFFFFF80  }
0x10e: {  	_ =	swait.ge [sflag:s25], $0x80  }
0x10f: {  	[sflag:s25] =	ssyncset.done $0x0  }
0x110: {  	[sflag:s25] =	ssyncadd.s32 $0xFFFFFF80  }
0x111: {  	_ =	swait.ge [sflag:s25], $0x80  }
0x112: {  	[sflag:s25] =	ssyncset.done $0x0  }
0x113: {  	[sflag:s25] =	ssyncadd.s32 $0xFFFFFF80  }
0x114: {  	s8 =	simm.s32 $0x100;
	_ =	swait.ge [sflag:s25], $0x80  }
.LBB2_2:
0x115: {  	s16 =	rddreg [dreg:$0x7];
	s5 =	smov.u32 s8;
	[sflag:s25] =	ssyncset.done $0x0  }
0x116: {  	s17 =	simm.s32 $0x0;
	s16 =	sadd.s32 s5, s16;
	[sflag:s25] =	ssyncadd.s32 $0xFFFFFF80  }
0x117: {  	[tilespmem:s28], [sflag:$0x4] =	stream.linear.gather [hbm4b:s16+s17], $0x800, $0x38;
	[tilespmem:$0x1D300] =	vst v63  }
0x118: {  	_ =	swait.ge [sflag:s15], $0x800  }
0x119: {  	s17 =	rddreg [dreg:$0x6];
	[sflag:s15] =	ssyncset.done $0x0  }
0x11a: {  	s16 =	simm.s32 $0x0;
	[sflag:s15] =	ssyncadd.s32 $0xFFFFF800;
	s5 =	sadd.s32 s5, s17  }
0x11b: {  	[tilespmem:s18], [sflag:$0x4] =	stream.linear.gather [hbm4b:s5+s16], $0x800, $0x38;
	[tilespmem:$0x1D300] =	vst v63  }
0x11c: {  	_ =	swait.ge [sflag:s15], $0x800  }
0x11d: {  	[sflag:s15] =	ssyncset.done $0x0  }
0x11e: {  	[sflag:s15] =	ssyncadd.s32 $0xFFFFF800  }
0x11f: {  	[tilespmem:s20], [sflag:$0x1] =	stream.indirect.gather [hbm4b:s0+s19], $0x80, s28, s19, $0xb8;
	[tilespmem:$0x1D300] =	vst v63  }
0x120: {  	s17 =	rddreg [dreg:$0x8]  }
0x121: {  	[tilespmem:s21], [sflag:$0x2] =	stream.indirect.gather [hbm4b:s0+s19], $0x80, s17, s19, $0xb8;
	[tilespmem:$0x1D300] =	vst v63  }
0x122: {  	_ =	swait.ge [sflag:s22], $0x4000  }
0x123: {  	[sflag:s22] =	ssyncset.done $0x0  }
0x124: {  	[sflag:s22] =	ssyncadd.s32 $0xFFFFC000  }
0x125: {  	[spmem:s3] =	stream.indirect.scatter.add.f32 [tilespmem:s20], [sflag:$0x4], $0x80, s18, s19, $0xb8;
	[tilespmem:$0x1D300] =	vst v63  }
0x126: {  	_ =	swait.ge [sflag:s15], $0x4000  }
0x127: {  	[sflag:s15] =	ssyncset.done $0x0  }
0x128: {  	[sflag:s15] =	ssyncadd.s32 $0xFFFFC000  }
0x129: {  	[spmem:s4] =	stream.indirect.scatter.add.f32 [tilespmem:s23], [sflag:$0x3], $0x1, s18, s19, $0xb8;
	[tilespmem:$0x1D300] =	vst v63  }
0x12a: {  	s17 =	rddreg [dreg:$0x9]  }
0x12b: {  	[tilespmem:s20], [sflag:$0x1] =	stream.indirect.gather [hbm4b:s0+s19], $0x80, s17, s19, $0xb8;
	[tilespmem:$0x1D300] =	vst v63  }
0x12c: {  	_ =	swait.ge [sflag:s24], $0x4000  }
0x12d: {  	[sflag:s24] =	ssyncset.done $0x0  }
0x12e: {  	s17 =	simm.s32 $0x14B00;
	[sflag:s24] =	ssyncadd.s32 $0xFFFFC000  }
0x12f: {  	[spmem:s3] =	stream.indirect.scatter.add.f32 [tilespmem:s21], [sflag:$0x4], $0x80, s17, s19, $0xb8;
	[tilespmem:$0x1D300] =	vst v63  }
0x130: {  	_ =	swait.ge [sflag:s15], $0x4000  }
0x131: {  	[sflag:s15] =	ssyncset.done $0x0  }
0x132: {  	[sflag:s15] =	ssyncadd.s32 $0xFFFFC000  }
0x133: {  	[spmem:s4] =	stream.indirect.scatter.add.f32 [tilespmem:s23], [sflag:$0x3], $0x1, s17, s19, $0xb8;
	[tilespmem:$0x1D300] =	vst v63  }
0x134: {  	s5 =	rddreg [dreg:$0xa]  }
0x135: {  	[tilespmem:s21], [sflag:$0x2] =	stream.indirect.gather [hbm4b:s0+s19], $0x80, s5, s19, $0xb8;
	[tilespmem:$0x1D300] =	vst v63  }
0x136: {  	_ =	swait.ge [sflag:s22], $0x4000  }
0x137: {  	[sflag:s22] =	ssyncset.done $0x0  }
0x138: {  	[sflag:s22] =	ssyncadd.s32 $0xFFFFC000  }
0x139: {  	[spmem:s3] =	stream.indirect.scatter.add.f32 [tilespmem:s20], [sflag:$0x4], $0x80, s29, s19, $0xb8;
	[tilespmem:$0x1D300] =	vst v63  }
0x13a: {  	_ =	swait.ge [sflag:s15], $0x4000  }
0x13b: {  	[sflag:s15] =	ssyncset.done $0x0  }
0x13c: {  	[sflag:s15] =	ssyncadd.s32 $0xFFFFC000  }
0x13d: {  	[spmem:s4] =	stream.indirect.scatter.add.f32 [tilespmem:s23], [sflag:$0x3], $0x1, s29, s19, $0xb8;
	[tilespmem:$0x1D300] =	vst v63  }
0x13e: {  	s17 =	rddreg [dreg:$0xb]  }
0x13f: {  	[tilespmem:s20], [sflag:$0x1] =	stream.indirect.gather [hbm4b:s0+s19], $0x80, s17, s19, $0xb8;
	[tilespmem:$0x1D300] =	vst v63  }
0x140: {  	_ =	swait.ge [sflag:s24], $0x4000  }
0x141: {  	[sflag:s24] =	ssyncset.done $0x0  }
0x142: {  	[sflag:s24] =	ssyncadd.s32 $0xFFFFC000  }
0x143: {  	[spmem:s3] =	stream.indirect.scatter.add.f32 [tilespmem:s21], [sflag:$0x4], $0x80, s30, s19, $0xb8;
	[tilespmem:$0x1D300] =	vst v63  }
0x144: {  	_ =	swait.ge [sflag:s15], $0x4000  }
0x145: {  	[sflag:s15] =	ssyncset.done $0x0  }
0x146: {  	[sflag:s15] =	ssyncadd.s32 $0xFFFFC000  }
0x147: {  	[spmem:s4] =	stream.indirect.scatter.add.f32 [tilespmem:s23], [sflag:$0x3], $0x1, s30, s19, $0xb8;
	[tilespmem:$0x1D300] =	vst v63  }
0x148: {  	s17 =	rddreg [dreg:$0xc]  }
0x149: {  	[tilespmem:s21], [sflag:$0x2] =	stream.indirect.gather [hbm4b:s0+s19], $0x80, s17, s19, $0xb8;
	[tilespmem:$0x1D300] =	vst v63  }
0x14a: {  	_ =	swait.ge [sflag:s22], $0x4000  }
0x14b: {  	[sflag:s22] =	ssyncset.done $0x0  }
0x14c: {  	[sflag:s22] =	ssyncadd.s32 $0xFFFFC000  }
0x14d: {  	[spmem:s3] =	stream.indirect.scatter.add.f32 [tilespmem:s20], [sflag:$0x4], $0x80, s31, s19, $0xb8;
	[tilespmem:$0x1D300] =	vst v63  }
0x14e: {  	_ =	swait.ge [sflag:s15], $0x4000  }
0x14f: {  	[sflag:s15] =	ssyncset.done $0x0  }
0x150: {  	[sflag:s15] =	ssyncadd.s32 $0xFFFFC000  }
0x151: {  	[spmem:s4] =	stream.indirect.scatter.add.f32 [tilespmem:s23], [sflag:$0x3], $0x1, s31, s19, $0xb8;
	[tilespmem:$0x1D300] =	vst v63  }
0x152: {  	s17 =	rddreg [dreg:$0xd]  }
0x153: {  	[tilespmem:s20], [sflag:$0x1] =	stream.indirect.gather [hbm4b:s0+s19], $0x80, s17, s19, $0xb8;
	[tilespmem:$0x1D300] =	vst v63  }
0x154: {  	_ =	swait.ge [sflag:s24], $0x4000  }
0x155: {  	[sflag:s24] =	ssyncset.done $0x0  }
0x156: {  	[sflag:s24] =	ssyncadd.s32 $0xFFFFC000  }
0x157: {  	[spmem:s3] =	stream.indirect.scatter.add.f32 [tilespmem:s21], [sflag:$0x4], $0x80, s2, s19, $0xb8;
	[tilespmem:$0x1D300] =	vst v63  }
0x158: {  	_ =	swait.ge [sflag:s15], $0x4000  }
0x159: {  	[sflag:s15] =	ssyncset.done $0x0  }
0x15a: {  	[sflag:s15] =	ssyncadd.s32 $0xFFFFC000  }
0x15b: {  	[spmem:s4] =	stream.indirect.scatter.add.f32 [tilespmem:s23], [sflag:$0x3], $0x1, s2, s19, $0xb8;
	[tilespmem:$0x1D300] =	vst v63  }
0x15c: {  	s17 =	rddreg [dreg:$0xe]  }
0x15d: {  	[tilespmem:s21], [sflag:$0x2] =	stream.indirect.gather [hbm4b:s0+s19], $0x80, s17, s19, $0xb8;
	[tilespmem:$0x1D300] =	vst v63  }
0x15e: {  	_ =	swait.ge [sflag:s22], $0x4000  }
0x15f: {  	[sflag:s22] =	ssyncset.done $0x0  }
0x160: {  	[sflag:s22] =	ssyncadd.s32 $0xFFFFC000  }
0x161: {  	[spmem:s3] =	stream.indirect.scatter.add.f32 [tilespmem:s20], [sflag:$0x4], $0x80, s1, s19, $0xb8;
	[tilespmem:$0x1D300] =	vst v63  }
0x162: {  	_ =	swait.ge [sflag:s15], $0x4000  }
0x163: {  	[sflag:s15] =	ssyncset.done $0x0  }
0x164: {  	[sflag:s15] =	ssyncadd.s32 $0xFFFFC000  }
0x165: {  	[spmem:s4] =	stream.indirect.scatter.add.f32 [tilespmem:s23], [sflag:$0x3], $0x1, s1, s19, $0xb8;
	[tilespmem:$0x1D300] =	vst v63  }
0x166: {  	s17 =	rddreg [dreg:$0xf]  }
0x167: {  	[tilespmem:s20], [sflag:$0x1] =	stream.indirect.gather [hbm4b:s0+s19], $0x80, s17, s19, $0xb8;
	[tilespmem:$0x1D300] =	vst v63  }
0x168: {  	_ =	swait.ge [sflag:s24], $0x4000  }
0x169: {  	[sflag:s24] =	ssyncset.done $0x0  }
0x16a: {  	[sflag:s24] =	ssyncadd.s32 $0xFFFFC000  }
0x16b: {  	[spmem:s3] =	stream.indirect.scatter.add.f32 [tilespmem:s21], [sflag:$0x4], $0x80, s7, s19, $0xb8;
	[tilespmem:$0x1D300] =	vst v63  }
0x16c: {  	_ =	swait.ge [sflag:s15], $0x4000  }
0x16d: {  	[sflag:s15] =	ssyncset.done $0x0  }
0x16e: {  	[sflag:s15] =	ssyncadd.s32 $0xFFFFC000  }
0x16f: {  	[spmem:s4] =	stream.indirect.scatter.add.f32 [tilespmem:s23], [sflag:$0x3], $0x1, s7, s19, $0xb8;
	[tilespmem:$0x1D300] =	vst v63  }
0x170: {  	s17 =	rddreg [dreg:$0x10]  }
0x171: {  	[tilespmem:s21], [sflag:$0x2] =	stream.indirect.gather [hbm4b:s0+s19], $0x80, s17, s19, $0xb8;
	[tilespmem:$0x1D300] =	vst v63  }
0x172: {  	_ =	swait.ge [sflag:s22], $0x4000  }
0x173: {  	[sflag:s22] =	ssyncset.done $0x0  }
0x174: {  	[sflag:s22] =	ssyncadd.s32 $0xFFFFC000  }
0x175: {  	[spmem:s3] =	stream.indirect.scatter.add.f32 [tilespmem:s20], [sflag:$0x4], $0x80, s9, s19, $0xb8;
	[tilespmem:$0x1D300] =	vst v63  }
0x176: {  	_ =	swait.ge [sflag:s15], $0x4000  }
0x177: {  	[sflag:s15] =	ssyncset.done $0x0  }
0x178: {  	[sflag:s15] =	ssyncadd.s32 $0xFFFFC000  }
0x179: {  	[spmem:s4] =	stream.indirect.scatter.add.f32 [tilespmem:s23], [sflag:$0x3], $0x1, s9, s19, $0xb8;
	[tilespmem:$0x1D300] =	vst v63  }
0x17a: {  	s17 =	rddreg [dreg:$0x11]  }
0x17b: {  	[tilespmem:s20], [sflag:$0x1] =	stream.indirect.gather [hbm4b:s0+s19], $0x80, s17, s19, $0xb8;
	[tilespmem:$0x1D300] =	vst v63  }
0x17c: {  	_ =	swait.ge [sflag:s24], $0x4000  }
0x17d: {  	[sflag:s24] =	ssyncset.done $0x0  }
0x17e: {  	[sflag:s24] =	ssyncadd.s32 $0xFFFFC000  }
0x17f: {  	[spmem:s3] =	stream.indirect.scatter.add.f32 [tilespmem:s21], [sflag:$0x4], $0x80, s10, s19, $0xb8;
	[tilespmem:$0x1D300] =	vst v63  }
0x180: {  	_ =	swait.ge [sflag:s15], $0x4000  }
0x181: {  	[sflag:s15] =	ssyncset.done $0x0  }
0x182: {  	[sflag:s15] =	ssyncadd.s32 $0xFFFFC000  }
0x183: {  	[spmem:s4] =	stream.indirect.scatter.add.f32 [tilespmem:s23], [sflag:$0x3], $0x1, s10, s19, $0xb8;
	[tilespmem:$0x1D300] =	vst v63  }
0x184: {  	s17 =	rddreg [dreg:$0x12]  }
0x185: {  	[tilespmem:s21], [sflag:$0x2] =	stream.indirect.gather [hbm4b:s0+s19], $0x80, s17, s19, $0xb8;
	[tilespmem:$0x1D300] =	vst v63  }
0x186: {  	_ =	swait.ge [sflag:s22], $0x4000  }
0x187: {  	[sflag:s22] =	ssyncset.done $0x0  }
0x188: {  	[sflag:s22] =	ssyncadd.s32 $0xFFFFC000  }
0x189: {  	[spmem:s3] =	stream.indirect.scatter.add.f32 [tilespmem:s20], [sflag:$0x4], $0x80, s11, s19, $0xb8;
	[tilespmem:$0x1D300] =	vst v63  }
0x18a: {  	_ =	swait.ge [sflag:s15], $0x4000  }
0x18b: {  	[sflag:s15] =	ssyncset.done $0x0  }
0x18c: {  	[sflag:s15] =	ssyncadd.s32 $0xFFFFC000  }
0x18d: {  	[spmem:s4] =	stream.indirect.scatter.add.f32 [tilespmem:s23], [sflag:$0x3], $0x1, s11, s19, $0xb8;
	[tilespmem:$0x1D300] =	vst v63  }
0x18e: {  	s17 =	rddreg [dreg:$0x13]  }
0x18f: {  	[tilespmem:s20], [sflag:$0x1] =	stream.indirect.gather [hbm4b:s0+s19], $0x80, s17, s19, $0xb8;
	[tilespmem:$0x1D300] =	vst v63  }
0x190: {  	_ =	swait.ge [sflag:s24], $0x4000  }
0x191: {  	[sflag:s24] =	ssyncset.done $0x0  }
0x192: {  	[sflag:s24] =	ssyncadd.s32 $0xFFFFC000  }
0x193: {  	[spmem:s3] =	stream.indirect.scatter.add.f32 [tilespmem:s21], [sflag:$0x4], $0x80, s12, s19, $0xb8;
	[tilespmem:$0x1D300] =	vst v63  }
0x194: {  	_ =	swait.ge [sflag:s15], $0x4000  }
0x195: {  	[sflag:s15] =	ssyncset.done $0x0  }
0x196: {  	[sflag:s15] =	ssyncadd.s32 $0xFFFFC000  }
0x197: {  	[spmem:s4] =	stream.indirect.scatter.add.f32 [tilespmem:s23], [sflag:$0x3], $0x1, s12, s19, $0xb8;
	[tilespmem:$0x1D300] =	vst v63  }
0x198: {  	s17 =	rddreg [dreg:$0x14]  }
0x199: {  	[tilespmem:s21], [sflag:$0x2] =	stream.indirect.gather [hbm4b:s0+s19], $0x80, s17, s19, $0xb8;
	[tilespmem:$0x1D300] =	vst v63  }
0x19a: {  	_ =	swait.ge [sflag:s22], $0x4000  }
0x19b: {  	[sflag:s22] =	ssyncset.done $0x0  }
0x19c: {  	[sflag:s22] =	ssyncadd.s32 $0xFFFFC000  }
0x19d: {  	[spmem:s3] =	stream.indirect.scatter.add.f32 [tilespmem:s20], [sflag:$0x4], $0x80, s6, s19, $0xb8;
	[tilespmem:$0x1D300] =	vst v63  }
0x19e: {  	_ =	swait.ge [sflag:s15], $0x4000  }
0x19f: {  	[sflag:s15] =	ssyncset.done $0x0  }
0x1a0: {  	[sflag:s15] =	ssyncadd.s32 $0xFFFFC000  }
0x1a1: {  	[spmem:s4] =	stream.indirect.scatter.add.f32 [tilespmem:s23], [sflag:$0x3], $0x1, s6, s19, $0xb8;
	[tilespmem:$0x1D300] =	vst v63  }
0x1a2: {  	s17 =	rddreg [dreg:$0x15]  }
0x1a3: {  	[tilespmem:s20], [sflag:$0x1] =	stream.indirect.gather [hbm4b:s0+s19], $0x80, s17, s19, $0xb8;
	[tilespmem:$0x1D300] =	vst v63  }
0x1a4: {  	_ =	swait.ge [sflag:s24], $0x4000  }
0x1a5: {  	[sflag:s24] =	ssyncset.done $0x0  }
0x1a6: {  	[sflag:s24] =	ssyncadd.s32 $0xFFFFC000  }
0x1a7: {  	[spmem:s3] =	stream.indirect.scatter.add.f32 [tilespmem:s21], [sflag:$0x4], $0x80, s13, s19, $0xb8;
	[tilespmem:$0x1D300] =	vst v63  }
0x1a8: {  	_ =	swait.ge [sflag:s15], $0x4000  }
0x1a9: {  	[sflag:s15] =	ssyncset.done $0x0  }
0x1aa: {  	[sflag:s15] =	ssyncadd.s32 $0xFFFFC000  }
0x1ab: {  	[spmem:s4] =	stream.indirect.scatter.add.f32 [tilespmem:s23], [sflag:$0x3], $0x1, s13, s19, $0xb8;
	[tilespmem:$0x1D300] =	vst v63  }
0x1ac: {  	s17 =	rddreg [dreg:$0x16]  }
0x1ad: {  	[tilespmem:s21], [sflag:$0x2] =	stream.indirect.gather [hbm4b:s0+s19], $0x80, s17, s19, $0xb8;
	[tilespmem:$0x1D300] =	vst v63  }
0x1ae: {  	_ =	swait.ge [sflag:s22], $0x4000  }
0x1af: {  	[sflag:s22] =	ssyncset.done $0x0  }
0x1b0: {  	[sflag:s22] =	ssyncadd.s32 $0xFFFFC000  }
0x1b1: {  	[spmem:s3] =	stream.indirect.scatter.add.f32 [tilespmem:s20], [sflag:$0x4], $0x80, s14, s19, $0xb8;
	[tilespmem:$0x1D300] =	vst v63  }
0x1b2: {  	_ =	swait.ge [sflag:s15], $0x4000  }
0x1b3: {  	[sflag:s15] =	ssyncset.done $0x0  }
0x1b4: {  	[sflag:s15] =	ssyncadd.s32 $0xFFFFC000  }
0x1b5: {  	[spmem:s4] =	stream.indirect.scatter.add.f32 [tilespmem:s23], [sflag:$0x3], $0x1, s14, s19, $0xb8;
	[tilespmem:$0x1D300] =	vst v63  }
0x1b6: {  	_ =	swait.ge [sflag:s24], $0x4000  }
0x1b7: {  	[sflag:s24] =	ssyncset.done $0x0  }
0x1b8: {  	[sflag:s24] =	ssyncadd.s32 $0xFFFFC000  }
0x1b9: {  	[spmem:s3] =	stream.indirect.scatter.add.f32 [tilespmem:s21], [sflag:$0x4], $0x80, s26, s19, $0xb8;
	[tilespmem:$0x1D300] =	vst v63  }
0x1ba: {  	_ =	swait.ge [sflag:s15], $0x4000  }
0x1bb: {  	[sflag:s15] =	ssyncset.done $0x0  }
0x1bc: {  	[sflag:s15] =	ssyncadd.s32 $0xFFFFC000  }
0x1bd: {  	[spmem:s4] =	stream.indirect.scatter.add.f32 [tilespmem:s23], [sflag:$0x3], $0x1, s26, s19, $0xb8;
	[tilespmem:$0x1D300] =	vst v63  }
0x1be: {  	_ =	swait.ge [sflag:s25], $0x80  }
0x1bf: {  	[sflag:s25] =	ssyncset.done $0x0  }
0x1c0: {  	[sflag:s25] =	ssyncadd.s32 $0xFFFFFF80  }
0x1c1: {  	_ =	swait.ge [sflag:s25], $0x80  }
0x1c2: {  	[sflag:s25] =	ssyncset.done $0x0  }
0x1c3: {  	[sflag:s25] =	ssyncadd.s32 $0xFFFFFF80  }
0x1c4: {  	_ =	swait.ge [sflag:s25], $0x80  }
0x1c5: {  	[sflag:s25] =	ssyncset.done $0x0  }
0x1c6: {  	[sflag:s25] =	ssyncadd.s32 $0xFFFFFF80  }
0x1c7: {  	_ =	swait.ge [sflag:s25], $0x80  }
0x1c8: {  	[sflag:s25] =	ssyncset.done $0x0  }
0x1c9: {  	[sflag:s25] =	ssyncadd.s32 $0xFFFFFF80  }
0x1ca: {  	_ =	swait.ge [sflag:s25], $0x80  }
0x1cb: {  	[sflag:s25] =	ssyncset.done $0x0  }
0x1cc: {  	[sflag:s25] =	ssyncadd.s32 $0xFFFFFF80  }
0x1cd: {  	_ =	swait.ge [sflag:s25], $0x80  }
0x1ce: {  	[sflag:s25] =	ssyncset.done $0x0  }
0x1cf: {  	[sflag:s25] =	ssyncadd.s32 $0xFFFFFF80  }
0x1d0: {  	_ =	swait.ge [sflag:s25], $0x80  }
0x1d1: {  	[sflag:s25] =	ssyncset.done $0x0  }
0x1d2: {  	[sflag:s25] =	ssyncadd.s32 $0xFFFFFF80  }
0x1d3: {  	_ =	swait.ge [sflag:s25], $0x80  }
0x1d4: {  	[sflag:s25] =	ssyncset.done $0x0  }
0x1d5: {  	[sflag:s25] =	ssyncadd.s32 $0xFFFFFF80  }
0x1d6: {  	_ =	swait.ge [sflag:s25], $0x80  }
0x1d7: {  	[sflag:s25] =	ssyncset.done $0x0  }
0x1d8: {  	[sflag:s25] =	ssyncadd.s32 $0xFFFFFF80  }
0x1d9: {  	_ =	swait.ge [sflag:s25], $0x80  }
0x1da: {  	[sflag:s25] =	ssyncset.done $0x0  }
0x1db: {  	[sflag:s25] =	ssyncadd.s32 $0xFFFFFF80  }
0x1dc: {  	_ =	swait.ge [sflag:s25], $0x80  }
0x1dd: {  	[sflag:s25] =	ssyncset.done $0x0  }
0x1de: {  	[sflag:s25] =	ssyncadd.s32 $0xFFFFFF80  }
0x1df: {  	_ =	swait.ge [sflag:s25], $0x80  }
0x1e0: {  	[sflag:s25] =	ssyncset.done $0x0  }
0x1e1: {  	[sflag:s25] =	ssyncadd.s32 $0xFFFFFF80  }
0x1e2: {  	_ =	swait.ge [sflag:s25], $0x80  }
0x1e3: {  	[sflag:s25] =	ssyncset.done $0x0  }
0x1e4: {  	[sflag:s25] =	ssyncadd.s32 $0xFFFFFF80  }
0x1e5: {  	_ =	swait.ge [sflag:s25], $0x80  }
0x1e6: {  	p1 =	sne.s32 s8, $0x400;
	[sflag:s25] =	ssyncset.done $0x0  }
.Ltmp0:
0x1e7: {  	[sflag:s25] =	ssyncadd.s32 $0xFFFFFF80;
	(pc) =	sbr.rel @p1 .LBB2_2-.Ltmp0, $4  }
0x1e8: {  	_ =	swait.ge [sflag:s25], $0x80  }
0x1e9: {  	[sflag:s25] =	ssyncset.done $0x0  }
0x1ea: {  	[sflag:s25] =	ssyncadd.s32 $0xFFFFFF80  }
0x1eb: {  	s8 =	sadd.s32 $0x100, s8;
	_ =	swait.ge [sflag:s25], $0x80  }
0x1ec: {  	[sflag:s25] =	ssyncset.done $0x0  }
0x1ed: {  	[sflag:s25] =	ssyncadd.s32 $0xFFFFFF80  }
0x1ee: {  	[bflag:$0x0] =	sbarrier.arrive $0xFFFF  }
0x1ef: {  	s8 =	sld [smem:$0x7FC]  }
0x1f0: {  	s26 =	rddreg [dreg:$0x19]  }
0x1f1: {  	s5 =	rddreg [dreg:$0x1c]  }
0x1f2: {  	[hbm:s5], [sflag:s26] =	dma.local @p0 [spmem:s8], $0x1900  }
0x1f3: {  	s5 =	simm.s32 @p0 $0x4  }
0x1f4: {  	_ =	swait.ge @p0 [sflag:s5], $0x1900  }
0x1f5: {  	[sflag:s5] =	ssyncset.done @p0 $0x0  }
0x1f6: {  	[sflag:s5] =	ssyncadd.s32 @p0 $0xFFFFE700;
	s5 =	rddreg [dreg:$0x17]  }
0x1f7: {  	s8 =	rddreg [dreg:$0x1b];
	s5 =	sshrl.u32 @!p0 s5, $0x3  }
0x1f8: {  	[hbm:s8], [sflag:s26] =	dma.local @!p0 [spmem:s5], $0x2800  }
0x1f9: {  	s5 =	simm.s32 @!p0 $0x4  }
0x1fa: {  	_ =	swait.ge @!p0 [sflag:s5], $0x2800  }
0x1fb: {  	s17 =	sld [smem:$0x7FD]  }
0x1fc: {  	[sflag:s5] =	ssyncset.done @!p0 $0x0  }
0x1fd: {  	s1 =	rddreg [dreg:$0x1e];
	[sflag:s5] =	ssyncadd.s32 @!p0 $0xFFFFD800  }
0x1fe: {  	[hbm:s1], [sflag:s26] =	dma.local [spmem:s17], $0x50  }
0x1ff: {  	_ =	swait.ge [sflag:s15], $0x50  }
0x200: {  	s1 =	sld [smem:$0x7FB];
	_ =	sdelay $0x2  }
0x201: {  	s8 =	rddreg [dreg:$0x1d];
	s1 =	sadd.s32 $0x1, s1  }
0x202: {  	p1 =	sne.s32 s1, s8  }
.Ltmp1:
0x203: {  	_ = 	snop;
	(pc) =	sbr.rel @p1 .LBB2_1-.Ltmp1, $3  }
0x204: {  	_ =	sdelay $0x1  }
0x205: {  	[sflag:s15] =	ssyncset.done $0x0  }
0x206: {  	[sflag:s15] =	ssyncadd.s32 $0xFFFFFFB0  }
0x207: {  	_ =	sfence.sel $0x180000  }
0x208: {  	[bflag:$0x0] =	sbarrier.arrive $0xFFFF  }
0x209: {  	_ =	strace $0x90000047  }
0x20a: {  	s0 =	stileid.u32;
	[bflag:$0x2] =	sbarrier.arrive $0xFFFF  }
0x20b: {  	p0 =	sne.s32 s0, $0x0;
	s0 =	rddreg [dreg:$0x5]  }
0x20c: {  	s0 =	sadd.s32 @!p0 $0x100000, s0  }
0x20d: {  	[sflag:s0] =	ssyncadd.tile.s32 @!p0 $0x1;
	_ =	shalt  }
.Lfunc_end2:
_tile_overlayer_lowered:
.L_overlay_start_2:
0x20e: {  	(tag) =	ssettag $0x2  }
0x20f: {  	s0 =	rddreg [dreg:$0x0];
	s2 =	stileid.u32  }
0x210: {  	s1 =	rddreg [dreg:$0x1];
	p0 =	sne.s32 s2, $0x0  }
0x211: {  	s3 =	rddreg [dreg:$0x2];
	[bflag:$0x3] =	sbarrier.arrive $0xFFFF;
	s2 =	simm.s32 @!p0 $0x1C04  }
0x212: {  	[timem:s3], [sflag:s2] =	dma.local @!p0 [hbm:s0], s1  }
0x213: {  	s0 =	simm.s32 @!p0 $0x4  }
0x214: {  	_ =	swait.ge @!p0 [sflag:s0], s1  }
0x215: {  	s1 =	ssub.s32 @!p0 $0x0, s1;
	[sflag:s0] =	ssyncset.done @!p0 $0x0  }
0x216: {  	[sflag:s0] =	ssyncadd.s32 @!p0 s1  }
0x217: {  	[bflag:$0x3] =	sbarrier.arrive $0xFFFF  }
0x218: {  	_ =	shalt  }

// kernel: kernel.9.cloned.1.call-start
scs
__scs_entry_jumppad:
0x0: {  	(pc) =	sbr.rel $0x88, $3  }
0x1: {  	(tag) =	ssettag $0x0;
	lr =	simm.s32 $0x1  }
0x2: {  	[smem:$0x3F99] =	sst lr;
	_ =	strace $0xD0000000  }
0x3: {  	_ = 	snop  }
0x4: {  	_ = 	snop  }
0x5: {  	_ = 	snop  }
0x6: {  	_ = 	snop  }
0x7: {  	_ = 	snop  }
__scs_overlays_trampoline_lowered:
0x8: {  	[smem:$0x3FA8] =	sst s0  }
0x9: {  	[smem:$0x3FA9] =	sst s1  }
0xa: {  	[smem:$0x3FAA] =	sst s2  }
0xb: {  	[smem:$0x3FAB] =	sst s3  }
0xc: {  	[smem:$0x3FAC] =	sst s4  }
0xd: {  	[smem:$0x3FAD] =	sst s5  }
0xe: {  	[smem:$0x3FAE] =	sst s6  }
0xf: {  	[smem:$0x3FAF] =	sst s7  }
0x10: {  	[smem:$0x3FB0] =	sst s8  }
0x11: {  	[smem:$0x3FB1] =	sst s9;
	s0 =	simm.s32 @!p0 $0x0  }
0x12: {  	s1 =	sld [smem:$0x3F97];
	s0 =	simm.s32 @p0 $0x1  }
0x13: {  	[smem:$0x3FB2] =	sst s0;
	s0 =	simm.s32 @!p1 $0x0  }
0x14: {  	s2 =	sld [smem:$0x3F96];
	s0 =	simm.s32 @p1 $0x1  }
0x15: {  	[smem:$0x3FB3] =	sst s0;
	s0 =	simm.s32 @!p2 $0x0  }
0x16: {  	s3 =	sld [smem:$0x3FDB];
	s0 =	simm.s32 @p2 $0x1  }
0x17: {  	s4 =	simm.s32 $0x1BF5;
	[smem:$0x3FB5] =	sst s0  }
0x18: {  	s0 =	sld [smem:$0x3F98];
	_ =	swait.ge [sflag:s4], $0x0  }
0x19: {  	s7 =	sld [smem:$0x3F99]  }
0x1a: {  	s8 =	sadd.s32 $0xFFFFE003, lr  }
0x1b: {  	s9 =	sadd.s32 $0xFFFFFEF7, lr;
	s5 =	simm.s32 $0xFFFFFFFF;
	p2 =	slt.u32 s8, $0xFFFFF086  }
0x1c: {  	p1 =	slt.u32 s9, $0xF7A;
	s5 =	simm.s32 @!p2 $0x0  }
0x1d: {  	s5 =	simm.s32 @p1 $0x1;
	p0 =	seq.s32 s7, s2  }
0x1e: {  	s7 =	smul.u32 @!p0 $0xF7A, s2;
	p2 =	seq.s32 @!p0 s5, $0x0  }
0x1f: {  	s9 =	smul.u32 $0xF7A, s1;
	s8 =	simm.s32 @!p0 $0x1BF5;
	p2 =	por !p2, p0  }
0x20: {  	[sflag:s8] =	ssyncset.s32 @!p0 $0xFFFFF086;
	s6 =	sadd.s32 @!p0 s3, s7;
	s7 =	simm.s32 @!p0 $0x108  }
0x21: {  	s3 =	sadd.s32 s3, s9;
	s6 =	sadd.s32 @!p0 $0x88, s6;
	s7 =	simm.s32 @p2 $0x1082  }
0x22: {  	[simem:s7], [sflag:s8] =	dma.local @!p0 [hbm:s6], $0xF7A  }
0x23: {  	s9 =	sor.u32 $0xD0000000, s2;
	s6 =	simm.s32 $0x108;
	_ =	swait.ge @!p0 [sflag:s8], $0x0  }
0x24: {  	s3 =	sadd.s32 $0x88, s3;
	s6 =	simm.s32 @!p1 $0x1082;
	[sflag:s4] =	ssyncset.s32 $0xFFFFF086  }
0x25: {  	[simem:s6], [sflag:s4] =	dma.local [hbm:s3], $0xF7A  }
0x26: {  	[smem:$0x3F99] =	sst s1;
	(tag) =	ssettag s2;
	_ =	strace s9  }
0x27: {  	s1 =	sld [smem:$0x3FA9]  }
0x28: {  	s2 =	sld [smem:$0x3FAA]  }
0x29: {  	s4 =	sld [smem:$0x3FAC]  }
0x2a: {  	p0 =	seq.s32 s5, $0x0;
	s5 =	sld [smem:$0x3FAD]  }
0x2b: {  	s6 =	sld [smem:$0x3FAE]  }
0x2c: {  	s7 =	sld [smem:$0x3FAF]  }
0x2d: {  	s3 =	simm.s32 $0x108;
	s8 =	sld [smem:$0x3FB0]  }
0x2e: {  	s3 =	simm.s32 @!p0 $0x1082;
	s9 =	sld [smem:$0x3FB1]  }
0x2f: {  	lr =	sadd.s32 s0, s3;
	s0 =	sld [smem:$0x3FA8]  }
0x30: {  	s3 =	sld [smem:$0x3FAB]  }
0x31: {  	[smem:$0x3FB4] =	sst s10  }
0x32: {  	s10 =	sld [smem:$0x3FB2];
	_ =	sdelay $0x3  }
0x33: {  	p0 =	seq.s32 s10, $0x1;
	s10 =	sld [smem:$0x3FB4];
	_ =	sdelay $0x3  }
0x34: {  	[smem:$0x3FB4] =	sst s10  }
0x35: {  	s10 =	sld [smem:$0x3FB3];
	_ =	sdelay $0x3  }
0x36: {  	p1 =	seq.s32 s10, $0x1;
	s10 =	sld [smem:$0x3FB4];
	_ =	sdelay $0x3  }
0x37: {  	[smem:$0x3FB4] =	sst s10  }
0x38: {  	s10 =	sld [smem:$0x3FB5]  }
0x39: {  	_ = 	snop;
	(pc) =	sbr.ind lr, $3  }
0x3a: {  	_ = 	snop  }
0x3b: {  	_ = 	snop  }
0x3c: {  	p2 =	seq.s32 s10, $0x1;
	s10 =	sld [smem:$0x3FB4]  }
0x3d: {  	_ =	shalt  }
0x3e: {  	_ =	shalt  }
0x3f: {  	_ =	shalt  }
0x40: {  	_ =	shalt  }
0x41: {  	_ =	shalt  }
0x42: {  	_ =	shalt  }
0x43: {  	_ =	shalt  }
0x44: {  	_ =	shalt  }
0x45: {  	_ =	shalt  }
0x46: {  	_ =	shalt  }
0x47: {  	_ =	shalt  }
0x48: {  	_ =	shalt  }
0x49: {  	_ =	shalt  }
0x4a: {  	_ =	shalt  }
0x4b: {  	_ =	shalt  }
0x4c: {  	_ =	shalt  }
0x4d: {  	_ =	shalt  }
0x4e: {  	_ =	shalt  }
0x4f: {  	_ =	shalt  }
0x50: {  	_ =	shalt  }
0x51: {  	_ =	shalt  }
0x52: {  	_ =	shalt  }
0x53: {  	_ =	shalt  }
0x54: {  	_ =	shalt  }
0x55: {  	_ =	shalt  }
0x56: {  	_ =	shalt  }
0x57: {  	_ =	shalt  }
0x58: {  	_ =	shalt  }
0x59: {  	_ =	shalt  }
0x5a: {  	_ =	shalt  }
0x5b: {  	_ =	shalt  }
0x5c: {  	_ =	shalt  }
0x5d: {  	_ =	shalt  }
0x5e: {  	_ =	shalt  }
0x5f: {  	_ =	shalt  }
0x60: {  	_ =	shalt  }
0x61: {  	_ =	shalt  }
0x62: {  	_ =	shalt  }
0x63: {  	_ =	shalt  }
0x64: {  	_ =	shalt  }
0x65: {  	_ =	shalt  }
0x66: {  	_ =	shalt  }
0x67: {  	_ =	shalt  }
0x68: {  	_ =	shalt  }
0x69: {  	_ =	shalt  }
0x6a: {  	_ =	shalt  }
0x6b: {  	_ =	shalt  }
0x6c: {  	_ =	shalt  }
0x6d: {  	_ =	shalt  }
0x6e: {  	_ =	shalt  }
0x6f: {  	_ =	shalt  }
0x70: {  	_ =	shalt  }
0x71: {  	_ =	shalt  }
0x72: {  	_ =	shalt  }
0x73: {  	_ =	shalt  }
0x74: {  	_ =	shalt  }
0x75: {  	_ =	shalt  }
0x76: {  	_ =	shalt  }
0x77: {  	_ =	shalt  }
0x78: {  	_ =	shalt  }
0x79: {  	_ =	shalt  }
0x7a: {  	_ =	shalt  }
0x7b: {  	_ =	shalt  }
0x7c: {  	_ =	shalt  }
0x7d: {  	_ =	shalt  }
0x7e: {  	_ =	shalt  }
0x7f: {  	_ =	shalt  }
0x80: {  	_ =	shalt  }
0x81: {  	_ =	shalt  }
0x82: {  	_ =	shalt  }
0x83: {  	_ =	shalt  }
0x84: {  	_ =	shalt  }
0x85: {  	_ =	shalt  }
0x86: {  	_ =	shalt  }
0x87: {  	_ =	shalt  }
.Lfunc_end0:
.L_simem_size_0:
called_computation.1_lowered:
.L_overlay_start_0:
0x88: {  	s2 =	sld [smem:$0x3FD9]  }
0x89: {  	s3 =	sld [smem:$0x3FFE];
	_ =	sdelay $0x1  }
0x8a: {  	s1 =	srdreg.scid  }
0x8b: {  	s0 =	sand.u32 $0x1, s1  }
0x8c: {  	s17 =	sshll.u32 s0, $0xA;
	s2 =	sadd.s32 s3, s2  }
0x8d: {  	s2 =	sadd.s32 s2, s17  }
0x8e: {  	[smem:$0x3FC0] =	sst s2  }
0x8f: {  	_ = 	snop  }
0x90: {  	s2 =	sld [smem:$0x3FD0];
	(tm) =	ssettm $0x1  }
0x91: {  	s18 =	sld [smem:$0x3FFB];
	_ =	sdelay $0x3  }
0x92: {  	_ =	strace s18  }
0x93: {  	s3 =	sld [smem:$0x3FFC];
	_ =	sdelay $0x3  }
0x94: {  	_ =	strace s3  }
0x95: {  	s3 =	sld [smem:$0x3FFD];
	_ =	sdelay $0x3  }
0x96: {  	_ =	strace s3  }
0x97: {  	_ =	strace $0x8FFFFFFF  }
0x98: {  	s19 =	sld [smem:$0x3FDB];
	_ =	sdelay $0x1  }
0x99: {  	s4 =	simm.s32 $_scs_section_size  }
0x9a: {  	s5 =	simm.s32 $_size__tile_overlayer_lowered;
	s6 =	simm.s32 $_tile_overlayer_lowered  }
0x9b: {  	s22 =	simm.s32 $0x1BFF;
	s21 =	sshll.u32 s6, $0x1;
	s3 =	sadd.s32 s4, s19  }
0x9c: {  	s7 =	simm.s32 $0x0;
	s20 =	sshll.u32 s5, $0x1;
	s5 =	sadd.s32 s21, s3  }
0x9d: {  	[timem:s7], [sflag:s22] =	dma.local [hbm:s5], s20  }
0x9e: {  	_ =	swait.ge [sflag:s22], s20  }
0x9f: {  	s4 =	ssub.s32 $0x0, s20;
	[sflag:s22] =	ssyncset.done $0x0  }
0xa0: {  	[sflag:s22] =	ssyncadd.s32 s4;
	_ =	sdelay $0x1  }
0xa1: {  	s23 =	simm.s32 $0x1B8B  }
0xa2: {  	_ =	swait.ge [sflag:s23], $0x1  }
0xa3: {  	[sflag:s23] =	ssyncset.done $0x0  }
0xa4: {  	s25 =	simm.s32 $0x1B8E;
	s24 =	sld [smem:$0x3FFE];
	[sflag:s23] =	ssyncadd.s32 $0xFFFFFFFF  }
0xa5: {  	s26 =	simm.s32 $execute0_lowered;
	[smem:$0x3FD2] =	sst s25  }
0xa6: {  	s5 =	sshll.u32 s26, $0x1;
	_ =	strace $0x80000049;
	[dreg:$0x1] =	wrdreg $0xFFFFFFFF  }
0xa7: {  	s28 =	simm.s32 $_size_execute0_lowered;
	s3 =	sadd.s32 s3, s5;
	[dreg:$0x0] =	wrdreg $0x0  }
0xa8: {  	s5 =	sshll.u32 s28, $0x1;
	[dreg:$0x2] =	wrdreg s3  }
0xa9: {  	[dreg:$0x3] =	wrdreg s5  }
0xaa: {  	[dreg:$0x4] =	wrdreg $0xC0  }
0xab: {  	_ =	task [dreg:s7], $0x5FFFF  }
0xac: {  	[dreg:$0x1] =	wrdreg $0xFFFFFFFF  }
0xad: {  	[dreg:$0x0] =	wrdreg $0x60  }
0xae: {  	[dreg:$0x2] =	wrdreg s2  }
0xaf: {  	[dreg:$0x3] =	wrdreg s24  }
0xb0: {  	[dreg:$0x4] =	wrdreg $0x0  }
0xb1: {  	[dreg:$0x5] =	wrdreg $0x9  }
0xb2: {  	_ =	task.clear_ibuf [dreg:s7], $0x6FFFF;
	_ =	strace $0x90000049  }
0xb3: {  	s29 =	simm.s32 $0x9;
	_ =	strace $0x8000004B  }
0xb4: {  	_ =	swait.ge [sflag:s29], $0x1  }
0xb5: {  	[sflag:s29] =	ssyncadd.s32 $0xFFFFFFFF  }
0xb6: {  	_ =	strace $0x9000004B  }
0xb7: {  	_ =	sfence  }
0xb8: {  	s30 =	sld [smem:$0x0];
	_ =	sdelay $0x2  }
0xb9: {  	s31 =	sshll.u32 s1, $0xD;
	s1 =	sshrl.u32 s1, $0x2  }
0xba: {  	s3 =	sand.u32 $0x4000, s31;
	s1 =	sadd.s32 s1, s30  }
0xbb: {  	s0 =	sor.u32 s3, s0;
	s1 =	sshll.u32 s1, $0x11  }
0xbc: {  	s0 =	sor.u32 s1, s0  }
0xbd: {  	s0 =	sadd.s32 $0x8F2B, s0  }
0xbe: {  	[sflag:s0] =	ssyncadd.remote.s32 $0x1  }
0xbf: {  	_ =	sfence.sel $0xFFFF  }
0xc0: {  	[dreg:$0x0] =	wrdreg $0xFFFFFFFF;
	(pc) =	sbr.abs _section_cstart, $3  }
0xc1: {  	[dreg:$0x1] =	wrdreg $0xFFFFFFFF  }
0xc2: {  	_ =	task.clear_ibuf [dreg:s7], $0x2FFFF;
	_ =	strace $0x9FFFFFFF  }
0xc3: {  	(tm) =	ssettm $0x7FFFFFFF  }
tec
execute0_lowered:
.L_overlay_start_1:
0x0: {  	(tag) =	ssettag $0x1  }
0x1: {  	s1 =	rddreg [dreg:$0x0]  }
0x2: {  	s0 =	rddreg [dreg:$0x1]  }
0x3: {  	s3 =	rddreg [dreg:$0x2];
	s4 =	simm.s32 $0x0;
	s14 =	stileid.u32  }
0x4: {  	s7 =	srdreg.scid;
	s15 =	simm.s32 $0x3;
	s16 =	simm.s32 $0x14000  }
0x5: {  	s17 =	simm.s32 $0x14800;
	s18 =	simm.s32 $0x80;
	s28 =	simm.s32 $0x14900  }
0x6: {  	s29 =	simm.s32 $0x14200;
	s30 =	simm.s32 $0x14B00;
	s2 =	smul.u32 $0xA00, s14  }
0x7: {  	s31 =	simm.s32 $0x0;
	[smem:$0x7FF] =	sst s4;
	s6 =	smul.u32 $0x14000, s14  }
0x8: {  	s5 =	sadd.s32 $0x3EE00, s0;
	s7 =	sand.u32 $0x1, s7;
	s10 =	smul.u32 $0x50000, s14  }
0x9: {  	s21 =	sshll.u32 s14, $0x6;
	p1 =	seq.s32 s14, $0xF;
	s14 =	simm.s32 $0x14880  }
0xa: {  	_ =	strace $0x8000004A;
	s9 =	ssub.s32 $0x2, s7;
	s19 =	smul.u32 $0x138800, s7  }
0xb: {  	s20 =	sor.u32 $0x1C03, s21;
	p0 =	seq.s32 s7, $0x1;
	s21 =	simm.s32 $0x19000  }
0xc: {  	s7 =	simm.s32 $0x14A00;
	s2 =	sadd.s32 s2, s0;
	s8 =	sshrl.u32 s6, $0x3  }
0xd: {  	s11 =	sshrl.u32 s9, $0x1;
	s10 =	sshrl.u32 s10, $0x2;
	[dreg:$0x6] =	wrdreg s20  }
0xe: {  	s8 =	sadd.s32 s8, s0;
	s0 =	sadd.s32 $0x66000, s0;
	s9 =	ssub.s32 s9, s11  }
0xf: {  	s10 =	sadd.s32 s10, s3;
	s6 =	sadd.s32 s6, s19;
	s22 =	sshrl.u32 s19, $0x3  }
0x10: {  	s12 =	sadd.s32 $0x2E00, s2;
	s13 =	sadd.s32 $0xCE00, s2;
	s19 =	simm.s32 $0x15000  }
0x11: {  	s2 =	simm.s32 $0x14280;
	s11 =	simm.s32 $0x14380;
	s8 =	sadd.s32 $0x16E00, s8  }
0x12: {  	s6 =	sshrl.u32 s6, $0x3;
	s23 =	sadd.s32 s0, s22;
	s25 =	smax.u32 s9, $0x1  }
0x13: {  	[dreg:$0x4] =	wrdreg s10;
	s26 =	sshrl.u32 s10, $0x3;
	s22 =	simm.s32 $0x1  }
0x14: {  	s9 =	simm.s32 $0x14300;
	s10 =	simm.s32 $0x14A80;
	[dreg:$0x5] =	wrdreg s8  }
.Ltmp0:
0x15: {  	s0 =	sadd.s32 s0, s6;
	[dreg:$0x9] =	wrdreg s25;
	(pc) =	sbr.rel .LBB2_1-.Ltmp0, $4  }
0x16: {  	s24 =	sadd.s32 $0x25800, s23;
	[dreg:$0xa] =	wrdreg s26;
	s23 =	simm.s32 $0x14080  }
0x17: {  	s25 =	simm.s32 $0x14100;
	[dreg:$0x7] =	wrdreg s0;
	s0 =	sadd.s32 $0x12C000, s3  }
0x18: {  	s26 =	simm.s32 $0x14180;
	[dreg:$0x8] =	wrdreg s24;
	s0 =	sshrl.u32 @p1 s0, $0x3  }
0x19: {  	s24 =	simm.s32 $0x2;
	[dreg:$0xb] =	wrdreg s0;
	s0 =	simm.s32 $0x14980  }
.LBB2_7:
0x1a: {  	s6 =	sadd.s32 s14, s13;
	[sflag:s15] =	ssyncadd.s32 $0xFFFFC000  }
0x1b: {  	[tilespmem:s16], [sflag:$0x3] =	stream.linear.gather [hbm4b:s6+s4], $0x800, $0x38;
	[tilespmem:$0x1D000] =	vst v63  }
0x1c: {  	_ =	swait.ge [sflag:s15], $0x800  }
0x1d: {  	[sflag:s15] =	ssyncset.done $0x0  }
0x1e: {  	s25 =	sadd.s32 s14, s12;
	[sflag:s15] =	ssyncadd.s32 $0xFFFFF800  }
0x1f: {  	[tilespmem:s17], [sflag:$0x3] =	stream.linear.gather [hbm4b:s25+s4], $0x800, $0x38;
	[tilespmem:$0x1D000] =	vst v63  }
0x20: {  	_ =	swait.ge [sflag:s15], $0x800  }
0x21: {  	[sflag:s15] =	ssyncset.done $0x0  }
0x22: {  	[sflag:s15] =	ssyncadd.s32 $0xFFFFF800  }
0x23: {  	[tilespmem:s19], [sflag:$0x1] =	stream.indirect.gather [hbm4b:s5+s18], $0x80, s16, s18, $0xb8;
	[tilespmem:$0x1D000] =	vst v63  }
0x24: {  	_ = 	snop  }
0x25: {  	[tilespmem:s21], [sflag:$0x2] =	stream.indirect.gather [hbm4b:s5+s18], $0x80, s23, s18, $0xb8;
	[tilespmem:$0x1D000] =	vst v63  }
0x26: {  	_ =	swait.ge [sflag:s22], $0x4000  }
0x27: {  	[sflag:s22] =	ssyncset.done $0x0  }
0x28: {  	[sflag:s22] =	ssyncadd.s32 $0xFFFFC000  }
0x29: {  	[spmem:s3] =	stream.indirect.scatter.add.f32 [tilespmem:s19], [sflag:$0x3], $0x80, s17, s18, $0xb8;
	[tilespmem:$0x1D000] =	vst v63  }
0x2a: {  	_ =	swait.ge [sflag:s15], $0x4000  }
0x2b: {  	[sflag:s15] =	ssyncset.done $0x0  }
0x2c: {  	[sflag:s15] =	ssyncadd.s32 $0xFFFFC000  }
0x2d: {  	[tilespmem:s19], [sflag:$0x1] =	stream.indirect.gather [hbm4b:s5+s18], $0x80, s26, s18, $0xb8;
	[tilespmem:$0x1D000] =	vst v63  }
0x2e: {  	_ =	swait.ge [sflag:s24], $0x4000  }
0x2f: {  	[sflag:s24] =	ssyncset.done $0x0  }
0x30: {  	[sflag:s24] =	ssyncadd.s32 $0xFFFFC000  }
0x31: {  	[spmem:s3] =	stream.indirect.scatter.add.f32 [tilespmem:s21], [sflag:$0x3], $0x80, s28, s18, $0xb8;
	[tilespmem:$0x1D000] =	vst v63  }
0x32: {  	_ =	swait.ge [sflag:s15], $0x4000  }
0x33: {  	[sflag:s15] =	ssyncset.done $0x0  }
0x34: {  	[sflag:s15] =	ssyncadd.s32 $0xFFFFC000  }
0x35: {  	[tilespmem:s21], [sflag:$0x2] =	stream.indirect.gather [hbm4b:s5+s18], $0x80, s29, s18, $0xb8;
	[tilespmem:$0x1D000] =	vst v63  }
0x36: {  	_ =	swait.ge [sflag:s22], $0x4000  }
0x37: {  	[sflag:s22] =	ssyncset.done $0x0  }
0x38: {  	[sflag:s22] =	ssyncadd.s32 $0xFFFFC000  }
0x39: {  	[spmem:s3] =	stream.indirect.scatter.add.f32 [tilespmem:s19], [sflag:$0x3], $0x80, s30, s18, $0xb8;
	[tilespmem:$0x1D000] =	vst v63  }
0x3a: {  	_ =	swait.ge [sflag:s15], $0x4000  }
0x3b: {  	[sflag:s15] =	ssyncset.done $0x0  }
0x3c: {  	[sflag:s15] =	ssyncadd.s32 $0xFFFFC000  }
0x3d: {  	[tilespmem:s19], [sflag:$0x1] =	stream.indirect.gather [hbm4b:s5+s18], $0x80, s31, s18, $0xb8;
	[tilespmem:$0x1D000] =	vst v63  }
0x3e: {  	_ =	swait.ge [sflag:s24], $0x4000  }
0x3f: {  	[sflag:s24] =	ssyncset.done $0x0  }
0x40: {  	[sflag:s24] =	ssyncadd.s32 $0xFFFFC000  }
0x41: {  	[spmem:s3] =	stream.indirect.scatter.add.f32 [tilespmem:s21], [sflag:$0x3], $0x80, s0, s18, $0xb8;
	[tilespmem:$0x1D000] =	vst v63  }
0x42: {  	_ =	swait.ge [sflag:s15], $0x4000  }
0x43: {  	[sflag:s15] =	ssyncset.done $0x0  }
0x44: {  	[sflag:s15] =	ssyncadd.s32 $0xFFFFC000  }
0x45: {  	[tilespmem:s21], [sflag:$0x2] =	stream.indirect.gather [hbm4b:s5+s18], $0x80, s2, s18, $0xb8;
	[tilespmem:$0x1D000] =	vst v63  }
0x46: {  	_ =	swait.ge [sflag:s22], $0x4000  }
0x47: {  	[sflag:s22] =	ssyncset.done $0x0  }
0x48: {  	[sflag:s22] =	ssyncadd.s32 $0xFFFFC000  }
0x49: {  	[spmem:s3] =	stream.indirect.scatter.add.f32 [tilespmem:s19], [sflag:$0x3], $0x80, s7, s18, $0xb8;
	[tilespmem:$0x1D000] =	vst v63  }
0x4a: {  	_ =	swait.ge [sflag:s15], $0x4000  }
0x4b: {  	[sflag:s15] =	ssyncset.done $0x0  }
0x4c: {  	[sflag:s15] =	ssyncadd.s32 $0xFFFFC000  }
0x4d: {  	[tilespmem:s19], [sflag:$0x1] =	stream.indirect.gather [hbm4b:s5+s18], $0x80, s9, s18, $0xb8;
	[tilespmem:$0x1D000] =	vst v63  }
0x4e: {  	_ =	swait.ge [sflag:s24], $0x4000  }
0x4f: {  	[sflag:s24] =	ssyncset.done $0x0  }
0x50: {  	[sflag:s24] =	ssyncadd.s32 $0xFFFFC000  }
0x51: {  	[spmem:s3] =	stream.indirect.scatter.add.f32 [tilespmem:s21], [sflag:$0x3], $0x80, s10, s18, $0xb8;
	[tilespmem:$0x1D000] =	vst v63  }
0x52: {  	_ =	swait.ge [sflag:s15], $0x4000  }
0x53: {  	[sflag:s15] =	ssyncset.done $0x0  }
0x54: {  	[sflag:s15] =	ssyncadd.s32 $0xFFFFC000  }
0x55: {  	[tilespmem:s21], [sflag:$0x2] =	stream.indirect.gather [hbm4b:s5+s18], $0x80, s11, s18, $0xb8;
	[tilespmem:$0x1D000] =	vst v63  }
0x56: {  	_ =	swait.ge [sflag:s22], $0x4000  }
0x57: {  	[sflag:s22] =	ssyncset.done $0x0  }
0x58: {  	s14 =	simm.s32 $0x14B00;
	[sflag:s22] =	ssyncadd.s32 $0xFFFFC000  }
0x59: {  	[spmem:s3] =	stream.indirect.scatter.add.f32 [tilespmem:s19], [sflag:$0x3], $0x80, s14, s18, $0xb8;
	[tilespmem:$0x1D000] =	vst v63  }
0x5a: {  	_ =	swait.ge [sflag:s15], $0x4000  }
0x5b: {  	[sflag:s15] =	ssyncset.done $0x0  }
0x5c: {  	s23 =	simm.s32 $0x14400;
	[sflag:s15] =	ssyncadd.s32 $0xFFFFC000  }
0x5d: {  	[tilespmem:s19], [sflag:$0x1] =	stream.indirect.gather [hbm4b:s5+s18], $0x80, s23, s18, $0xb8;
	[tilespmem:$0x1D000] =	vst v63  }
0x5e: {  	_ =	swait.ge [sflag:s24], $0x4000  }
0x5f: {  	[sflag:s24] =	ssyncset.done $0x0  }
0x60: {  	[sflag:s24] =	ssyncadd.s32 $0xFFFFC000  }
0x61: {  	[spmem:s3] =	stream.indirect.scatter.add.f32 [tilespmem:s21], [sflag:$0x3], $0x80, s8, s18, $0xb8;
	[tilespmem:$0x1D000] =	vst v63  }
0x62: {  	_ =	swait.ge [sflag:s15], $0x4000  }
0x63: {  	[sflag:s15] =	ssyncset.done $0x0  }
0x64: {  	[sflag:s15] =	ssyncadd.s32 $0xFFFFC000  }
0x65: {  	[tilespmem:s21], [sflag:$0x2] =	stream.indirect.gather [hbm4b:s5+s18], $0x80, s20, s18, $0xb8;
	[tilespmem:$0x1D000] =	vst v63  }
0x66: {  	_ =	swait.ge [sflag:s22], $0x4000  }
0x67: {  	[sflag:s22] =	ssyncset.done $0x0  }
0x68: {  	s25 =	simm.s32 $0x14C00;
	[sflag:s22] =	ssyncadd.s32 $0xFFFFC000  }
0x69: {  	[spmem:s3] =	stream.indirect.scatter.add.f32 [tilespmem:s19], [sflag:$0x3], $0x80, s25, s18, $0xb8;
	[tilespmem:$0x1D000] =	vst v63  }
0x6a: {  	_ =	swait.ge [sflag:s15], $0x4000  }
0x6b: {  	[sflag:s15] =	ssyncset.done $0x0  }
0x6c: {  	s26 =	simm.s32 $0x14500;
	[sflag:s15] =	ssyncadd.s32 $0xFFFFC000  }
0x6d: {  	[tilespmem:s19], [sflag:$0x1] =	stream.indirect.gather [hbm4b:s5+s18], $0x80, s26, s18, $0xb8;
	[tilespmem:$0x1D000] =	vst v63  }
0x6e: {  	_ =	swait.ge [sflag:s24], $0x4000  }
0x6f: {  	[sflag:s24] =	ssyncset.done $0x0  }
0x70: {  	s2 =	simm.s32 $0x14C80;
	[sflag:s24] =	ssyncadd.s32 $0xFFFFC000  }
0x71: {  	[spmem:s3] =	stream.indirect.scatter.add.f32 [tilespmem:s21], [sflag:$0x3], $0x80, s2, s18, $0xb8;
	[tilespmem:$0x1D000] =	vst v63  }
0x72: {  	_ =	swait.ge [sflag:s15], $0x4000  }
0x73: {  	[sflag:s15] =	ssyncset.done $0x0  }
0x74: {  	s6 =	simm.s32 $0x14580;
	[sflag:s15] =	ssyncadd.s32 $0xFFFFC000  }
0x75: {  	[tilespmem:s21], [sflag:$0x2] =	stream.indirect.gather [hbm4b:s5+s18], $0x80, s6, s18, $0xb8;
	[tilespmem:$0x1D000] =	vst v63  }
0x76: {  	_ =	swait.ge [sflag:s22], $0x4000  }
0x77: {  	[sflag:s22] =	ssyncset.done $0x0  }
0x78: {  	s7 =	simm.s32 $0x14D00;
	[sflag:s22] =	ssyncadd.s32 $0xFFFFC000  }
0x79: {  	[spmem:s3] =	stream.indirect.scatter.add.f32 [tilespmem:s19], [sflag:$0x3], $0x80, s7, s18, $0xb8;
	[tilespmem:$0x1D000] =	vst v63  }
0x7a: {  	_ =	swait.ge [sflag:s15], $0x4000  }
0x7b: {  	[sflag:s15] =	ssyncset.done $0x0  }
0x7c: {  	s8 =	simm.s32 $0x14600;
	[sflag:s15] =	ssyncadd.s32 $0xFFFFC000  }
0x7d: {  	[tilespmem:s19], [sflag:$0x1] =	stream.indirect.gather [hbm4b:s5+s18], $0x80, s8, s18, $0xb8;
	[tilespmem:$0x1D000] =	vst v63  }
0x7e: {  	_ =	swait.ge [sflag:s24], $0x4000  }
0x7f: {  	[sflag:s24] =	ssyncset.done $0x0  }
0x80: {  	s9 =	simm.s32 $0x14D80;
	[sflag:s24] =	ssyncadd.s32 $0xFFFFC000  }
0x81: {  	[spmem:s3] =	stream.indirect.scatter.add.f32 [tilespmem:s21], [sflag:$0x3], $0x80, s9, s18, $0xb8;
	[tilespmem:$0x1D000] =	vst v63  }
0x82: {  	_ =	swait.ge [sflag:s15], $0x4000  }
0x83: {  	[sflag:s15] =	ssyncset.done $0x0  }
0x84: {  	s10 =	simm.s32 $0x14680;
	[sflag:s15] =	ssyncadd.s32 $0xFFFFC000  }
0x85: {  	[tilespmem:s21], [sflag:$0x2] =	stream.indirect.gather [hbm4b:s5+s18], $0x80, s10, s18, $0xb8;
	[tilespmem:$0x1D000] =	vst v63  }
0x86: {  	_ =	swait.ge [sflag:s22], $0x4000  }
0x87: {  	[sflag:s22] =	ssyncset.done $0x0  }
0x88: {  	s11 =	simm.s32 $0x14E00;
	[sflag:s22] =	ssyncadd.s32 $0xFFFFC000  }
0x89: {  	[spmem:s3] =	stream.indirect.scatter.add.f32 [tilespmem:s19], [sflag:$0x3], $0x80, s11, s18, $0xb8;
	[tilespmem:$0x1D000] =	vst v63  }
0x8a: {  	_ =	swait.ge [sflag:s15], $0x4000  }
0x8b: {  	[sflag:s15] =	ssyncset.done $0x0  }
0x8c: {  	s14 =	simm.s32 $0x14700;
	[sflag:s15] =	ssyncadd.s32 $0xFFFFC000  }
0x8d: {  	[tilespmem:s19], [sflag:$0x1] =	stream.indirect.gather [hbm4b:s5+s18], $0x80, s14, s18, $0xb8;
	[tilespmem:$0x1D000] =	vst v63  }
0x8e: {  	_ =	swait.ge [sflag:s24], $0x4000  }
0x8f: {  	[sflag:s24] =	ssyncset.done $0x0  }
0x90: {  	s20 =	simm.s32 $0x14E80;
	[sflag:s24] =	ssyncadd.s32 $0xFFFFC000  }
0x91: {  	[spmem:s3] =	stream.indirect.scatter.add.f32 [tilespmem:s21], [sflag:$0x3], $0x80, s20, s18, $0xb8;
	[tilespmem:$0x1D000] =	vst v63  }
0x92: {  	_ =	swait.ge [sflag:s15], $0x4000  }
0x93: {  	[sflag:s15] =	ssyncset.done $0x0  }
0x94: {  	s23 =	simm.s32 $0x14780;
	[sflag:s15] =	ssyncadd.s32 $0xFFFFC000  }
0x95: {  	[tilespmem:s21], [sflag:$0x2] =	stream.indirect.gather [hbm4b:s5+s18], $0x80, s23, s18, $0xb8;
	[tilespmem:$0x1D000] =	vst v63  }
0x96: {  	_ =	swait.ge [sflag:s22], $0x4000  }
0x97: {  	[sflag:s22] =	ssyncset.done $0x0  }
0x98: {  	s25 =	simm.s32 $0x14F00;
	[sflag:s22] =	ssyncadd.s32 $0xFFFFC000  }
0x99: {  	[spmem:s3] =	stream.indirect.scatter.add.f32 [tilespmem:s19], [sflag:$0x3], $0x80, s25, s18, $0xb8;
	[tilespmem:$0x1D000] =	vst v63  }
0x9a: {  	_ =	swait.ge [sflag:s15], $0x4000  }
0x9b: {  	s28 =	simm.s32 $0x14900;
	[sflag:s15] =	ssyncset.done $0x0  }
0x9c: {  	s29 =	simm.s32 $0x14200;
	s30 =	simm.s32 $0x14B00;
	[sflag:s15] =	ssyncadd.s32 $0xFFFFC000  }
0x9d: {  	s0 =	simm.s32 $0x14980;
	s26 =	simm.s32 $0x14F80;
	_ =	swait.ge [sflag:s24], $0x4000  }
0x9e: {  	s2 =	simm.s32 $0x14280;
	s7 =	simm.s32 $0x14A00;
	[sflag:s24] =	ssyncset.done $0x0  }
0x9f: {  	s9 =	simm.s32 $0x14300;
	s10 =	simm.s32 $0x14A80;
	[sflag:s24] =	ssyncadd.s32 $0xFFFFC000  }
0xa0: {  	[spmem:s3] =	stream.indirect.scatter.add.f32 [tilespmem:s21], [sflag:$0x3], $0x80, s26, s18, $0xb8;
	[tilespmem:$0x1D000] =	vst v63  }
0xa1: {  	s11 =	simm.s32 $0x14380;
	s14 =	simm.s32 $0x14880;
	_ =	swait.ge [sflag:s15], $0x4000  }
0xa2: {  	s23 =	simm.s32 $0x14080;
	s25 =	simm.s32 $0x14100;
	[sflag:s15] =	ssyncset.done $0x0  }
0xa3: {  	s26 =	simm.s32 $0x14180;
	s31 =	rddreg [dreg:$0xc];
	[sflag:s15] =	ssyncadd.s32 $0xFFFFC000  }
.LBB2_8:
0xa4: {  	[bflag:$0x0] =	sbarrier.arrive $0xFFFF  }
0xa5: {  	s20 =	rddreg [dreg:$0x6]  }
0xa6: {  	s6 =	rddreg [dreg:$0x8]  }
0xa7: {  	s8 =	rddreg [dreg:$0xb]  }
0xa8: {  	[hbm:s6], [sflag:s20] =	dma.local @p1 [spmem:s8], $0x1900  }
0xa9: {  	s6 =	simm.s32 @p1 $0x3  }
0xaa: {  	_ =	swait.ge @p1 [sflag:s6], $0x1900  }
0xab: {  	[sflag:s6] =	ssyncset.done @p1 $0x0  }
0xac: {  	[sflag:s6] =	ssyncadd.s32 @p1 $0xFFFFE700;
	s6 =	rddreg [dreg:$0x4]  }
0xad: {  	s8 =	rddreg [dreg:$0x7];
	s6 =	sshrl.u32 @!p1 s6, $0x3  }
0xae: {  	[hbm:s8], [sflag:s20] =	dma.local @!p1 [spmem:s6], $0x2800  }
0xaf: {  	s6 =	simm.s32 @!p1 $0x3  }
0xb0: {  	_ =	swait.ge @!p1 [sflag:s6], $0x2800  }
0xb1: {  	s31 =	sadd.s32 $0x1, s31;
	s8 =	rddreg [dreg:$0x9]  }
0xb2: {  	p2 =	sne.s32 s31, s8  }
.Ltmp1:
0xb3: {  	_ = 	snop;
	(pc) =	sbr.rel @!p2 .LBB2_9-.Ltmp1, $3  }
0xb4: {  	_ =	sdelay $0x1  }
0xb5: {  	[sflag:s6] =	ssyncset.done @!p1 $0x0  }
0xb6: {  	[sflag:s6] =	ssyncadd.s32 @!p1 $0xFFFFD800  }
.LBB2_1:
0xb7: {  	[dreg:$0xc] =	wrdreg s31  }
0xb8: {  	s6 =	rddreg [dreg:$0x5]  }
0xb9: {  	s8 =	rddreg [dreg:$0xa]  }
0xba: {  	[spmem:s8], [sflag:s20] =	dma.local [hbm:s6], $0x2800  }
.Ltmp2:
0xbb: {  	_ =	swait.ge [sflag:s15], $0x2800;
	(pc) =	sbr.rel @!p0 .LBB2_2-.Ltmp2, $4  }
0xbc: {  	[sflag:s15] =	ssyncset.done $0x0  }
0xbd: {  	[sflag:s15] =	ssyncadd.s32 $0xFFFFD800  }
0xbe: {  	[bflag:$0x0] =	sbarrier.arrive $0xFFFF  }
0xbf: {  	s6 =	sadd.s32 $0x0, s13  }
0xc0: {  	[tilespmem:s16], [sflag:$0x3] =	stream.linear.gather [hbm4b:s6+s4], $0x800, $0x38;
	[tilespmem:$0x1D000] =	vst v63  }
0xc1: {  	_ =	swait.ge [sflag:s15], $0x800  }
0xc2: {  	[sflag:s15] =	ssyncset.done $0x0  }
0xc3: {  	s8 =	sadd.s32 $0x0, s12;
	[sflag:s15] =	ssyncadd.s32 $0xFFFFF800  }
0xc4: {  	[tilespmem:s17], [sflag:$0x3] =	stream.linear.gather [hbm4b:s8+s4], $0x800, $0x38;
	[tilespmem:$0x1D000] =	vst v63  }
0xc5: {  	_ =	swait.ge [sflag:s15], $0x800  }
0xc6: {  	[sflag:s15] =	ssyncset.done $0x0  }
0xc7: {  	[sflag:s15] =	ssyncadd.s32 $0xFFFFF800  }
0xc8: {  	[tilespmem:s19], [sflag:$0x1] =	stream.indirect.gather [hbm4b:s5+s18], $0x80, s16, s18, $0xb8;
	[tilespmem:$0x1D000] =	vst v63  }
0xc9: {  	_ = 	snop  }
0xca: {  	[tilespmem:s21], [sflag:$0x2] =	stream.indirect.gather [hbm4b:s5+s18], $0x80, s23, s18, $0xb8;
	[tilespmem:$0x1D000] =	vst v63  }
0xcb: {  	_ =	swait.ge [sflag:s22], $0x4000  }
0xcc: {  	[sflag:s22] =	ssyncset.done $0x0  }
0xcd: {  	[sflag:s22] =	ssyncadd.s32 $0xFFFFC000  }
0xce: {  	[spmem:s3] =	stream.indirect.scatter.add.f32 [tilespmem:s19], [sflag:$0x3], $0x80, s17, s18, $0xb8;
	[tilespmem:$0x1D000] =	vst v63  }
0xcf: {  	_ =	swait.ge [sflag:s15], $0x4000  }
0xd0: {  	[sflag:s15] =	ssyncset.done $0x0  }
0xd1: {  	[sflag:s15] =	ssyncadd.s32 $0xFFFFC000  }
0xd2: {  	[tilespmem:s19], [sflag:$0x1] =	stream.indirect.gather [hbm4b:s5+s18], $0x80, s25, s18, $0xb8;
	[tilespmem:$0x1D000] =	vst v63  }
0xd3: {  	_ =	swait.ge [sflag:s24], $0x4000  }
0xd4: {  	[sflag:s24] =	ssyncset.done $0x0  }
0xd5: {  	[sflag:s24] =	ssyncadd.s32 $0xFFFFC000  }
0xd6: {  	[spmem:s3] =	stream.indirect.scatter.add.f32 [tilespmem:s21], [sflag:$0x3], $0x80, s14, s18, $0xb8;
	[tilespmem:$0x1D000] =	vst v63  }
0xd7: {  	_ =	swait.ge [sflag:s15], $0x4000  }
0xd8: {  	[sflag:s15] =	ssyncset.done $0x0  }
0xd9: {  	[sflag:s15] =	ssyncadd.s32 $0xFFFFC000  }
0xda: {  	[tilespmem:s21], [sflag:$0x2] =	stream.indirect.gather [hbm4b:s5+s18], $0x80, s26, s18, $0xb8;
	[tilespmem:$0x1D000] =	vst v63  }
0xdb: {  	_ =	swait.ge [sflag:s22], $0x4000  }
0xdc: {  	[sflag:s22] =	ssyncset.done $0x0  }
0xdd: {  	[sflag:s22] =	ssyncadd.s32 $0xFFFFC000  }
0xde: {  	[spmem:s3] =	stream.indirect.scatter.add.f32 [tilespmem:s19], [sflag:$0x3], $0x80, s28, s18, $0xb8;
	[tilespmem:$0x1D000] =	vst v63  }
0xdf: {  	_ =	swait.ge [sflag:s15], $0x4000  }
0xe0: {  	[sflag:s15] =	ssyncset.done $0x0  }
0xe1: {  	[sflag:s15] =	ssyncadd.s32 $0xFFFFC000  }
0xe2: {  	[tilespmem:s19], [sflag:$0x1] =	stream.indirect.gather [hbm4b:s5+s18], $0x80, s29, s18, $0xb8;
	[tilespmem:$0x1D000] =	vst v63  }
0xe3: {  	_ =	swait.ge [sflag:s24], $0x4000  }
0xe4: {  	[sflag:s24] =	ssyncset.done $0x0  }
0xe5: {  	[sflag:s24] =	ssyncadd.s32 $0xFFFFC000  }
0xe6: {  	[spmem:s3] =	stream.indirect.scatter.add.f32 [tilespmem:s21], [sflag:$0x3], $0x80, s0, s18, $0xb8;
	[tilespmem:$0x1D000] =	vst v63  }
0xe7: {  	_ =	swait.ge [sflag:s15], $0x4000  }
0xe8: {  	[sflag:s15] =	ssyncset.done $0x0  }
0xe9: {  	[sflag:s15] =	ssyncadd.s32 $0xFFFFC000  }
0xea: {  	[tilespmem:s21], [sflag:$0x2] =	stream.indirect.gather [hbm4b:s5+s18], $0x80, s2, s18, $0xb8;
	[tilespmem:$0x1D000] =	vst v63  }
0xeb: {  	_ =	swait.ge [sflag:s22], $0x4000  }
0xec: {  	[sflag:s22] =	ssyncset.done $0x0  }
0xed: {  	[sflag:s22] =	ssyncadd.s32 $0xFFFFC000  }
0xee: {  	[spmem:s3] =	stream.indirect.scatter.add.f32 [tilespmem:s19], [sflag:$0x3], $0x80, s7, s18, $0xb8;
	[tilespmem:$0x1D000] =	vst v63  }
0xef: {  	_ =	swait.ge [sflag:s15], $0x4000  }
0xf0: {  	[sflag:s15] =	ssyncset.done $0x0  }
0xf1: {  	[sflag:s15] =	ssyncadd.s32 $0xFFFFC000  }
0xf2: {  	[tilespmem:s19], [sflag:$0x1] =	stream.indirect.gather [hbm4b:s5+s18], $0x80, s9, s18, $0xb8;
	[tilespmem:$0x1D000] =	vst v63  }
0xf3: {  	_ =	swait.ge [sflag:s24], $0x4000  }
0xf4: {  	[sflag:s24] =	ssyncset.done $0x0  }
0xf5: {  	[sflag:s24] =	ssyncadd.s32 $0xFFFFC000  }
0xf6: {  	[spmem:s3] =	stream.indirect.scatter.add.f32 [tilespmem:s21], [sflag:$0x3], $0x80, s10, s18, $0xb8;
	[tilespmem:$0x1D000] =	vst v63  }
0xf7: {  	_ =	swait.ge [sflag:s15], $0x4000  }
0xf8: {  	[sflag:s15] =	ssyncset.done $0x0  }
0xf9: {  	[sflag:s15] =	ssyncadd.s32 $0xFFFFC000  }
0xfa: {  	[tilespmem:s21], [sflag:$0x2] =	stream.indirect.gather [hbm4b:s5+s18], $0x80, s11, s18, $0xb8;
	[tilespmem:$0x1D000] =	vst v63  }
0xfb: {  	_ =	swait.ge [sflag:s22], $0x4000  }
0xfc: {  	[sflag:s22] =	ssyncset.done $0x0  }
0xfd: {  	[sflag:s22] =	ssyncadd.s32 $0xFFFFC000  }
0xfe: {  	[spmem:s3] =	stream.indirect.scatter.add.f32 [tilespmem:s19], [sflag:$0x3], $0x80, s30, s18, $0xb8;
	[tilespmem:$0x1D000] =	vst v63  }
0xff: {  	_ =	swait.ge [sflag:s15], $0x4000  }
0x100: {  	[sflag:s15] =	ssyncset.done $0x0  }
0x101: {  	s14 =	simm.s32 $0x14400;
	[sflag:s15] =	ssyncadd.s32 $0xFFFFC000  }
0x102: {  	[tilespmem:s19], [sflag:$0x1] =	stream.indirect.gather [hbm4b:s5+s18], $0x80, s14, s18, $0xb8;
	[tilespmem:$0x1D000] =	vst v63  }
0x103: {  	_ =	swait.ge [sflag:s24], $0x4000  }
0x104: {  	[sflag:s24] =	ssyncset.done $0x0  }
0x105: {  	s20 =	simm.s32 $0x14B80;
	[sflag:s24] =	ssyncadd.s32 $0xFFFFC000  }
0x106: {  	[spmem:s3] =	stream.indirect.scatter.add.f32 [tilespmem:s21], [sflag:$0x3], $0x80, s20, s18, $0xb8;
	[tilespmem:$0x1D000] =	vst v63  }
0x107: {  	_ =	swait.ge [sflag:s15], $0x4000  }
0x108: {  	[sflag:s15] =	ssyncset.done $0x0  }
0x109: {  	s23 =	simm.s32 $0x14480;
	[sflag:s15] =	ssyncadd.s32 $0xFFFFC000  }
0x10a: {  	[tilespmem:s21], [sflag:$0x2] =	stream.indirect.gather [hbm4b:s5+s18], $0x80, s23, s18, $0xb8;
	[tilespmem:$0x1D000] =	vst v63  }
0x10b: {  	_ =	swait.ge [sflag:s22], $0x4000  }
0x10c: {  	[sflag:s22] =	ssyncset.done $0x0  }
0x10d: {  	s25 =	simm.s32 $0x14C00;
	[sflag:s22] =	ssyncadd.s32 $0xFFFFC000  }
0x10e: {  	[spmem:s3] =	stream.indirect.scatter.add.f32 [tilespmem:s19], [sflag:$0x3], $0x80, s25, s18, $0xb8;
	[tilespmem:$0x1D000] =	vst v63  }
0x10f: {  	_ =	swait.ge [sflag:s15], $0x4000  }
0x110: {  	[sflag:s15] =	ssyncset.done $0x0  }
0x111: {  	s26 =	simm.s32 $0x14500;
	[sflag:s15] =	ssyncadd.s32 $0xFFFFC000  }
0x112: {  	[tilespmem:s19], [sflag:$0x1] =	stream.indirect.gather [hbm4b:s5+s18], $0x80, s26, s18, $0xb8;
	[tilespmem:$0x1D000] =	vst v63  }
0x113: {  	_ =	swait.ge [sflag:s24], $0x4000  }
0x114: {  	[sflag:s24] =	ssyncset.done $0x0  }
0x115: {  	s2 =	simm.s32 $0x14C80;
	[sflag:s24] =	ssyncadd.s32 $0xFFFFC000  }
0x116: {  	[spmem:s3] =	stream.indirect.scatter.add.f32 [tilespmem:s21], [sflag:$0x3], $0x80, s2, s18, $0xb8;
	[tilespmem:$0x1D000] =	vst v63  }
0x117: {  	_ =	swait.ge [sflag:s15], $0x4000  }
0x118: {  	[sflag:s15] =	ssyncset.done $0x0  }
0x119: {  	s6 =	simm.s32 $0x14580;
	[sflag:s15] =	ssyncadd.s32 $0xFFFFC000  }
0x11a: {  	[tilespmem:s21], [sflag:$0x2] =	stream.indirect.gather [hbm4b:s5+s18], $0x80, s6, s18, $0xb8;
	[tilespmem:$0x1D000] =	vst v63  }
0x11b: {  	_ =	swait.ge [sflag:s22], $0x4000  }
0x11c: {  	[sflag:s22] =	ssyncset.done $0x0  }
0x11d: {  	s7 =	simm.s32 $0x14D00;
	[sflag:s22] =	ssyncadd.s32 $0xFFFFC000  }
0x11e: {  	[spmem:s3] =	stream.indirect.scatter.add.f32 [tilespmem:s19], [sflag:$0x3], $0x80, s7, s18, $0xb8;
	[tilespmem:$0x1D000] =	vst v63  }
0x11f: {  	_ =	swait.ge [sflag:s15], $0x4000  }
0x120: {  	[sflag:s15] =	ssyncset.done $0x0  }
0x121: {  	s8 =	simm.s32 $0x14600;
	[sflag:s15] =	ssyncadd.s32 $0xFFFFC000  }
0x122: {  	[tilespmem:s19], [sflag:$0x1] =	stream.indirect.gather [hbm4b:s5+s18], $0x80, s8, s18, $0xb8;
	[tilespmem:$0x1D000] =	vst v63  }
0x123: {  	_ =	swait.ge [sflag:s24], $0x4000  }
0x124: {  	[sflag:s24] =	ssyncset.done $0x0  }
0x125: {  	s9 =	simm.s32 $0x14D80;
	[sflag:s24] =	ssyncadd.s32 $0xFFFFC000  }
0x126: {  	[spmem:s3] =	stream.indirect.scatter.add.f32 [tilespmem:s21], [sflag:$0x3], $0x80, s9, s18, $0xb8;
	[tilespmem:$0x1D000] =	vst v63  }
0x127: {  	_ =	swait.ge [sflag:s15], $0x4000  }
0x128: {  	[sflag:s15] =	ssyncset.done $0x0  }
0x129: {  	s10 =	simm.s32 $0x14680;
	[sflag:s15] =	ssyncadd.s32 $0xFFFFC000  }
0x12a: {  	[tilespmem:s21], [sflag:$0x2] =	stream.indirect.gather [hbm4b:s5+s18], $0x80, s10, s18, $0xb8;
	[tilespmem:$0x1D000] =	vst v63  }
0x12b: {  	_ =	swait.ge [sflag:s22], $0x4000  }
0x12c: {  	[sflag:s22] =	ssyncset.done $0x0  }
0x12d: {  	s11 =	simm.s32 $0x14E00;
	[sflag:s22] =	ssyncadd.s32 $0xFFFFC000  }
0x12e: {  	[spmem:s3] =	stream.indirect.scatter.add.f32 [tilespmem:s19], [sflag:$0x3], $0x80, s11, s18, $0xb8;
	[tilespmem:$0x1D000] =	vst v63  }
0x12f: {  	_ =	swait.ge [sflag:s15], $0x4000  }
0x130: {  	[sflag:s15] =	ssyncset.done $0x0  }
0x131: {  	s14 =	simm.s32 $0x14700;
	[sflag:s15] =	ssyncadd.s32 $0xFFFFC000  }
0x132: {  	[tilespmem:s19], [sflag:$0x1] =	stream.indirect.gather [hbm4b:s5+s18], $0x80, s14, s18, $0xb8;
	[tilespmem:$0x1D000] =	vst v63  }
0x133: {  	_ =	swait.ge [sflag:s24], $0x4000  }
0x134: {  	[sflag:s24] =	ssyncset.done $0x0  }
0x135: {  	s20 =	simm.s32 $0x14E80;
	[sflag:s24] =	ssyncadd.s32 $0xFFFFC000  }
0x136: {  	[spmem:s3] =	stream.indirect.scatter.add.f32 [tilespmem:s21], [sflag:$0x3], $0x80, s20, s18, $0xb8;
	[tilespmem:$0x1D000] =	vst v63  }
0x137: {  	_ =	swait.ge [sflag:s15], $0x4000  }
0x138: {  	[sflag:s15] =	ssyncset.done $0x0  }
0x139: {  	s23 =	simm.s32 $0x14780;
	[sflag:s15] =	ssyncadd.s32 $0xFFFFC000  }
0x13a: {  	[tilespmem:s21], [sflag:$0x2] =	stream.indirect.gather [hbm4b:s5+s18], $0x80, s23, s18, $0xb8;
	[tilespmem:$0x1D000] =	vst v63  }
0x13b: {  	_ =	swait.ge [sflag:s22], $0x4000  }
0x13c: {  	[sflag:s22] =	ssyncset.done $0x0  }
0x13d: {  	s25 =	simm.s32 $0x14F00;
	[sflag:s22] =	ssyncadd.s32 $0xFFFFC000  }
0x13e: {  	[spmem:s3] =	stream.indirect.scatter.add.f32 [tilespmem:s19], [sflag:$0x3], $0x80, s25, s18, $0xb8;
	[tilespmem:$0x1D000] =	vst v63  }
0x13f: {  	s31 =	simm.s32 $0x14200;
	_ =	swait.ge [sflag:s15], $0x4000  }
0x140: {  	s28 =	simm.s32 $0x14880;
	s29 =	simm.s32 $0x14180;
	[sflag:s15] =	ssyncset.done $0x0  }
0x141: {  	s0 =	simm.s32 $0x14980;
	s30 =	simm.s32 $0x14900;
	[sflag:s15] =	ssyncadd.s32 $0xFFFFC000  }
0x142: {  	s26 =	simm.s32 $0x14F80;
	s2 =	simm.s32 $0x14280;
	_ =	swait.ge [sflag:s24], $0x4000  }
0x143: {  	s6 =	simm.s32 $0x200;
	s7 =	simm.s32 $0x14A00;
	[sflag:s24] =	ssyncset.done $0x0  }
0x144: {  	s9 =	simm.s32 $0x14300;
	s10 =	simm.s32 $0x14A80;
	[sflag:s24] =	ssyncadd.s32 $0xFFFFC000  }
0x145: {  	[spmem:s3] =	stream.indirect.scatter.add.f32 [tilespmem:s21], [sflag:$0x3], $0x80, s26, s18, $0xb8;
	[tilespmem:$0x1D000] =	vst v63  }
0x146: {  	s11 =	simm.s32 $0x14380;
	s14 =	simm.s32 $0x100;
	_ =	swait.ge [sflag:s15], $0x4000  }
0x147: {  	s23 =	simm.s32 $0x14080;
	s26 =	simm.s32 $0x14100;
	[sflag:s15] =	ssyncset.done $0x0  }
.LBB2_6:
0x148: {  	s8 =	sadd.s32 s14, s13  }
0x149: {  	[sflag:s15] =	ssyncadd.s32 $0xFFFFC000;
	s20 =	smov.u32 s6;
	s25 =	sadd.s32 $0x100, s6  }
0x14a: {  	[tilespmem:s16], [sflag:$0x3] =	stream.linear.gather [hbm4b:s8+s4], $0x800, $0x38;
	[tilespmem:$0x1D000] =	vst v63  }
0x14b: {  	s8 =	simm.s32 $0x14B80  }
0x14c: {  	p2 =	sne.s32 s6, $0x900;
	_ =	swait.ge [sflag:s15], $0x800  }
0x14d: {  	s6 =	sadd.s32 s14, s12;
	[sflag:s15] =	ssyncset.done $0x0  }
0x14e: {  	s14 =	smov.u32 s20;
	s20 =	simm.s32 $0x14480;
	[sflag:s15] =	ssyncadd.s32 $0xFFFFF800  }
0x14f: {  	[tilespmem:s17], [sflag:$0x3] =	stream.linear.gather [hbm4b:s6+s4], $0x800, $0x38;
	[tilespmem:$0x1D000] =	vst v63  }
0x150: {  	_ =	swait.ge [sflag:s15], $0x800  }
0x151: {  	[sflag:s15] =	ssyncset.done $0x0  }
0x152: {  	[sflag:s15] =	ssyncadd.s32 $0xFFFFF800  }
0x153: {  	[tilespmem:s19], [sflag:$0x1] =	stream.indirect.gather [hbm4b:s5+s18], $0x80, s16, s18, $0xb8;
	[tilespmem:$0x1D000] =	vst v63  }
0x154: {  	_ = 	snop  }
0x155: {  	[tilespmem:s21], [sflag:$0x2] =	stream.indirect.gather [hbm4b:s5+s18], $0x80, s23, s18, $0xb8;
	[tilespmem:$0x1D000] =	vst v63  }
0x156: {  	_ =	swait.ge [sflag:s22], $0x4000  }
0x157: {  	[sflag:s22] =	ssyncset.done $0x0  }
0x158: {  	[sflag:s22] =	ssyncadd.s32 $0xFFFFC000  }
0x159: {  	[spmem:s3] =	stream.indirect.scatter.add.f32 [tilespmem:s19], [sflag:$0x3], $0x80, s17, s18, $0xb8;
	[tilespmem:$0x1D000] =	vst v63  }
0x15a: {  	_ =	swait.ge [sflag:s15], $0x4000  }
0x15b: {  	[sflag:s15] =	ssyncset.done $0x0  }
0x15c: {  	[sflag:s15] =	ssyncadd.s32 $0xFFFFC000  }
0x15d: {  	[tilespmem:s19], [sflag:$0x1] =	stream.indirect.gather [hbm4b:s5+s18], $0x80, s26, s18, $0xb8;
	[tilespmem:$0x1D000] =	vst v63  }
0x15e: {  	_ =	swait.ge [sflag:s24], $0x4000  }
0x15f: {  	[sflag:s24] =	ssyncset.done $0x0  }
0x160: {  	[sflag:s24] =	ssyncadd.s32 $0xFFFFC000  }
0x161: {  	[spmem:s3] =	stream.indirect.scatter.add.f32 [tilespmem:s21], [sflag:$0x3], $0x80, s28, s18, $0xb8;
	[tilespmem:$0x1D000] =	vst v63  }
0x162: {  	_ =	swait.ge [sflag:s15], $0x4000  }
0x163: {  	[sflag:s15] =	ssyncset.done $0x0  }
0x164: {  	[sflag:s15] =	ssyncadd.s32 $0xFFFFC000  }
0x165: {  	[tilespmem:s21], [sflag:$0x2] =	stream.indirect.gather [hbm4b:s5+s18], $0x80, s29, s18, $0xb8;
	[tilespmem:$0x1D000] =	vst v63  }
0x166: {  	_ =	swait.ge [sflag:s22], $0x4000  }
0x167: {  	[sflag:s22] =	ssyncset.done $0x0  }
0x168: {  	[sflag:s22] =	ssyncadd.s32 $0xFFFFC000  }
0x169: {  	[spmem:s3] =	stream.indirect.scatter.add.f32 [tilespmem:s19], [sflag:$0x3], $0x80, s30, s18, $0xb8;
	[tilespmem:$0x1D000] =	vst v63  }
0x16a: {  	_ =	swait.ge [sflag:s15], $0x4000  }
0x16b: {  	[sflag:s15] =	ssyncset.done $0x0  }
0x16c: {  	[sflag:s15] =	ssyncadd.s32 $0xFFFFC000  }
0x16d: {  	[tilespmem:s19], [sflag:$0x1] =	stream.indirect.gather [hbm4b:s5+s18], $0x80, s31, s18, $0xb8;
	[tilespmem:$0x1D000] =	vst v63  }
0x16e: {  	_ =	swait.ge [sflag:s24], $0x4000  }
0x16f: {  	[sflag:s24] =	ssyncset.done $0x0  }
0x170: {  	[sflag:s24] =	ssyncadd.s32 $0xFFFFC000  }
0x171: {  	[spmem:s3] =	stream.indirect.scatter.add.f32 [tilespmem:s21], [sflag:$0x3], $0x80, s0, s18, $0xb8;
	[tilespmem:$0x1D000] =	vst v63  }
0x172: {  	_ =	swait.ge [sflag:s15], $0x4000  }
0x173: {  	[sflag:s15] =	ssyncset.done $0x0  }
0x174: {  	[sflag:s15] =	ssyncadd.s32 $0xFFFFC000  }
0x175: {  	[tilespmem:s21], [sflag:$0x2] =	stream.indirect.gather [hbm4b:s5+s18], $0x80, s2, s18, $0xb8;
	[tilespmem:$0x1D000] =	vst v63  }
0x176: {  	_ =	swait.ge [sflag:s22], $0x4000  }
0x177: {  	[sflag:s22] =	ssyncset.done $0x0  }
0x178: {  	[sflag:s22] =	ssyncadd.s32 $0xFFFFC000  }
0x179: {  	[spmem:s3] =	stream.indirect.scatter.add.f32 [tilespmem:s19], [sflag:$0x3], $0x80, s7, s18, $0xb8;
	[tilespmem:$0x1D000] =	vst v63  }
0x17a: {  	_ =	swait.ge [sflag:s15], $0x4000  }
0x17b: {  	[sflag:s15] =	ssyncset.done $0x0  }
0x17c: {  	[sflag:s15] =	ssyncadd.s32 $0xFFFFC000  }
0x17d: {  	[tilespmem:s19], [sflag:$0x1] =	stream.indirect.gather [hbm4b:s5+s18], $0x80, s9, s18, $0xb8;
	[tilespmem:$0x1D000] =	vst v63  }
0x17e: {  	_ =	swait.ge [sflag:s24], $0x4000  }
0x17f: {  	[sflag:s24] =	ssyncset.done $0x0  }
0x180: {  	[sflag:s24] =	ssyncadd.s32 $0xFFFFC000  }
0x181: {  	[spmem:s3] =	stream.indirect.scatter.add.f32 [tilespmem:s21], [sflag:$0x3], $0x80, s10, s18, $0xb8;
	[tilespmem:$0x1D000] =	vst v63  }
0x182: {  	_ =	swait.ge [sflag:s15], $0x4000  }
0x183: {  	[sflag:s15] =	ssyncset.done $0x0  }
0x184: {  	[sflag:s15] =	ssyncadd.s32 $0xFFFFC000  }
0x185: {  	[tilespmem:s21], [sflag:$0x2] =	stream.indirect.gather [hbm4b:s5+s18], $0x80, s11, s18, $0xb8;
	[tilespmem:$0x1D000] =	vst v63  }
0x186: {  	_ =	swait.ge [sflag:s22], $0x4000  }
0x187: {  	[sflag:s22] =	ssyncset.done $0x0  }
0x188: {  	s6 =	simm.s32 $0x14B00;
	[sflag:s22] =	ssyncadd.s32 $0xFFFFC000  }
0x189: {  	[spmem:s3] =	stream.indirect.scatter.add.f32 [tilespmem:s19], [sflag:$0x3], $0x80, s6, s18, $0xb8;
	[tilespmem:$0x1D000] =	vst v63  }
0x18a: {  	_ =	swait.ge [sflag:s15], $0x4000  }
0x18b: {  	[sflag:s15] =	ssyncset.done $0x0  }
0x18c: {  	s6 =	simm.s32 $0x14400;
	[sflag:s15] =	ssyncadd.s32 $0xFFFFC000  }
0x18d: {  	[tilespmem:s19], [sflag:$0x1] =	stream.indirect.gather [hbm4b:s5+s18], $0x80, s6, s18, $0xb8;
	[tilespmem:$0x1D000] =	vst v63  }
0x18e: {  	_ =	swait.ge [sflag:s24], $0x4000  }
0x18f: {  	[sflag:s24] =	ssyncset.done $0x0  }
0x190: {  	[sflag:s24] =	ssyncadd.s32 $0xFFFFC000  }
0x191: {  	[spmem:s3] =	stream.indirect.scatter.add.f32 [tilespmem:s21], [sflag:$0x3], $0x80, s8, s18, $0xb8;
	[tilespmem:$0x1D000] =	vst v63  }
0x192: {  	_ =	swait.ge [sflag:s15], $0x4000  }
0x193: {  	[sflag:s15] =	ssyncset.done $0x0  }
0x194: {  	[sflag:s15] =	ssyncadd.s32 $0xFFFFC000  }
0x195: {  	[tilespmem:s21], [sflag:$0x2] =	stream.indirect.gather [hbm4b:s5+s18], $0x80, s20, s18, $0xb8;
	[tilespmem:$0x1D000] =	vst v63  }
0x196: {  	_ =	swait.ge [sflag:s22], $0x4000  }
0x197: {  	[sflag:s22] =	ssyncset.done $0x0  }
0x198: {  	s6 =	simm.s32 $0x14C00;
	[sflag:s22] =	ssyncadd.s32 $0xFFFFC000  }
0x199: {  	[spmem:s3] =	stream.indirect.scatter.add.f32 [tilespmem:s19], [sflag:$0x3], $0x80, s6, s18, $0xb8;
	[tilespmem:$0x1D000] =	vst v63  }
0x19a: {  	_ =	swait.ge [sflag:s15], $0x4000  }
0x19b: {  	[sflag:s15] =	ssyncset.done $0x0  }
0x19c: {  	s6 =	simm.s32 $0x14500;
	[sflag:s15] =	ssyncadd.s32 $0xFFFFC000  }
0x19d: {  	[tilespmem:s19], [sflag:$0x1] =	stream.indirect.gather [hbm4b:s5+s18], $0x80, s6, s18, $0xb8;
	[tilespmem:$0x1D000] =	vst v63  }
0x19e: {  	_ =	swait.ge [sflag:s24], $0x4000  }
0x19f: {  	[sflag:s24] =	ssyncset.done $0x0  }
0x1a0: {  	s6 =	simm.s32 $0x14C80;
	[sflag:s24] =	ssyncadd.s32 $0xFFFFC000  }
0x1a1: {  	[spmem:s3] =	stream.indirect.scatter.add.f32 [tilespmem:s21], [sflag:$0x3], $0x80, s6, s18, $0xb8;
	[tilespmem:$0x1D000] =	vst v63  }
0x1a2: {  	_ =	swait.ge [sflag:s15], $0x4000  }
0x1a3: {  	[sflag:s15] =	ssyncset.done $0x0  }
0x1a4: {  	s6 =	simm.s32 $0x14580;
	[sflag:s15] =	ssyncadd.s32 $0xFFFFC000  }
0x1a5: {  	[tilespmem:s21], [sflag:$0x2] =	stream.indirect.gather [hbm4b:s5+s18], $0x80, s6, s18, $0xb8;
	[tilespmem:$0x1D000] =	vst v63  }
0x1a6: {  	_ =	swait.ge [sflag:s22], $0x4000  }
0x1a7: {  	[sflag:s22] =	ssyncset.done $0x0  }
0x1a8: {  	s6 =	simm.s32 $0x14D00;
	[sflag:s22] =	ssyncadd.s32 $0xFFFFC000  }
0x1a9: {  	[spmem:s3] =	stream.indirect.scatter.add.f32 [tilespmem:s19], [sflag:$0x3], $0x80, s6, s18, $0xb8;
	[tilespmem:$0x1D000] =	vst v63  }
0x1aa: {  	_ =	swait.ge [sflag:s15], $0x4000  }
0x1ab: {  	[sflag:s15] =	ssyncset.done $0x0  }
0x1ac: {  	s6 =	simm.s32 $0x14600;
	[sflag:s15] =	ssyncadd.s32 $0xFFFFC000  }
0x1ad: {  	[tilespmem:s19], [sflag:$0x1] =	stream.indirect.gather [hbm4b:s5+s18], $0x80, s6, s18, $0xb8;
	[tilespmem:$0x1D000] =	vst v63  }
0x1ae: {  	_ =	swait.ge [sflag:s24], $0x4000  }
0x1af: {  	[sflag:s24] =	ssyncset.done $0x0  }
0x1b0: {  	s6 =	simm.s32 $0x14D80;
	[sflag:s24] =	ssyncadd.s32 $0xFFFFC000  }
0x1b1: {  	[spmem:s3] =	stream.indirect.scatter.add.f32 [tilespmem:s21], [sflag:$0x3], $0x80, s6, s18, $0xb8;
	[tilespmem:$0x1D000] =	vst v63  }
0x1b2: {  	_ =	swait.ge [sflag:s15], $0x4000  }
0x1b3: {  	[sflag:s15] =	ssyncset.done $0x0  }
0x1b4: {  	s6 =	simm.s32 $0x14680;
	[sflag:s15] =	ssyncadd.s32 $0xFFFFC000  }
0x1b5: {  	[tilespmem:s21], [sflag:$0x2] =	stream.indirect.gather [hbm4b:s5+s18], $0x80, s6, s18, $0xb8;
	[tilespmem:$0x1D000] =	vst v63  }
0x1b6: {  	_ =	swait.ge [sflag:s22], $0x4000  }
0x1b7: {  	[sflag:s22] =	ssyncset.done $0x0  }
0x1b8: {  	s6 =	simm.s32 $0x14E00;
	[sflag:s22] =	ssyncadd.s32 $0xFFFFC000  }
0x1b9: {  	[spmem:s3] =	stream.indirect.scatter.add.f32 [tilespmem:s19], [sflag:$0x3], $0x80, s6, s18, $0xb8;
	[tilespmem:$0x1D000] =	vst v63  }
0x1ba: {  	_ =	swait.ge [sflag:s15], $0x4000  }
0x1bb: {  	[sflag:s15] =	ssyncset.done $0x0  }
0x1bc: {  	s6 =	simm.s32 $0x14700;
	[sflag:s15] =	ssyncadd.s32 $0xFFFFC000  }
0x1bd: {  	[tilespmem:s19], [sflag:$0x1] =	stream.indirect.gather [hbm4b:s5+s18], $0x80, s6, s18, $0xb8;
	[tilespmem:$0x1D000] =	vst v63  }
0x1be: {  	_ =	swait.ge [sflag:s24], $0x4000  }
0x1bf: {  	[sflag:s24] =	ssyncset.done $0x0  }
0x1c0: {  	s6 =	simm.s32 $0x14E80;
	[sflag:s24] =	ssyncadd.s32 $0xFFFFC000  }
0x1c1: {  	[spmem:s3] =	stream.indirect.scatter.add.f32 [tilespmem:s21], [sflag:$0x3], $0x80, s6, s18, $0xb8;
	[tilespmem:$0x1D000] =	vst v63  }
0x1c2: {  	_ =	swait.ge [sflag:s15], $0x4000  }
0x1c3: {  	[sflag:s15] =	ssyncset.done $0x0  }
0x1c4: {  	s6 =	simm.s32 $0x14780;
	[sflag:s15] =	ssyncadd.s32 $0xFFFFC000  }
0x1c5: {  	[tilespmem:s21], [sflag:$0x2] =	stream.indirect.gather [hbm4b:s5+s18], $0x80, s6, s18, $0xb8;
	[tilespmem:$0x1D000] =	vst v63  }
0x1c6: {  	_ =	swait.ge [sflag:s22], $0x4000  }
0x1c7: {  	[sflag:s22] =	ssyncset.done $0x0  }
0x1c8: {  	s6 =	simm.s32 $0x14F00;
	[sflag:s22] =	ssyncadd.s32 $0xFFFFC000  }
0x1c9: {  	[spmem:s3] =	stream.indirect.scatter.add.f32 [tilespmem:s19], [sflag:$0x3], $0x80, s6, s18, $0xb8;
	[tilespmem:$0x1D000] =	vst v63  }
0x1ca: {  	_ =	swait.ge [sflag:s15], $0x4000  }
0x1cb: {  	[sflag:s15] =	ssyncset.done $0x0  }
0x1cc: {  	[sflag:s15] =	ssyncadd.s32 $0xFFFFC000  }
0x1cd: {  	_ =	swait.ge [sflag:s24], $0x4000  }
.Ltmp3:
0x1ce: {  	[sflag:s24] =	ssyncset.done $0x0;
	(pc) =	sbr.rel @p2 .LBB2_6-.Ltmp3, $4  }
0x1cf: {  	s6 =	simm.s32 $0x14F80;
	[sflag:s24] =	ssyncadd.s32 $0xFFFFC000  }
0x1d0: {  	[spmem:s3] =	stream.indirect.scatter.add.f32 [tilespmem:s21], [sflag:$0x3], $0x80, s6, s18, $0xb8;
	[tilespmem:$0x1D000] =	vst v63  }
0x1d1: {  	_ =	swait.ge [sflag:s15], $0x4000  }
0x1d2: {  	s6 =	smov.u32 s25;
	[sflag:s15] =	ssyncset.done $0x0  }
.Ltmp4:
0x1d3: {  	_ = 	snop;
	(pc) =	sbr.rel .LBB2_7-.Ltmp4, $1  }
0x1d4: {  	_ =	sdelay $0x3  }
.LBB2_2:
0x1d5: {  	[tilespmem:s16], [sflag:$0x3] =	stream.linear.gather [hbm4b:s6+s4], $0x800, $0x38;
	[tilespmem:$0x1D000] =	vst v63  }
0x1d6: {  	_ =	swait.ge [sflag:s15], $0x800  }
0x1d7: {  	[sflag:s15] =	ssyncset.done $0x0  }
0x1d8: {  	s8 =	sadd.s32 $0x0, s12;
	[sflag:s15] =	ssyncadd.s32 $0xFFFFF800  }
0x1d9: {  	[tilespmem:s17], [sflag:$0x3] =	stream.linear.gather [hbm4b:s8+s4], $0x800, $0x38;
	[tilespmem:$0x1D000] =	vst v63  }
0x1da: {  	_ =	swait.ge [sflag:s15], $0x800  }
0x1db: {  	[sflag:s15] =	ssyncset.done $0x0  }
0x1dc: {  	[sflag:s15] =	ssyncadd.s32 $0xFFFFF800  }
0x1dd: {  	[tilespmem:s19], [sflag:$0x1] =	stream.indirect.gather [hbm4b:s1+s18], $0x80, s16, s18, $0xb8;
	[tilespmem:$0x1D000] =	vst v63  }
0x1de: {  	_ = 	snop  }
0x1df: {  	[tilespmem:s21], [sflag:$0x2] =	stream.indirect.gather [hbm4b:s1+s18], $0x80, s23, s18, $0xb8;
	[tilespmem:$0x1D000] =	vst v63  }
0x1e0: {  	_ =	swait.ge [sflag:s22], $0x4000  }
0x1e1: {  	[sflag:s22] =	ssyncset.done $0x0  }
0x1e2: {  	[sflag:s22] =	ssyncadd.s32 $0xFFFFC000  }
0x1e3: {  	[spmem:s3] =	stream.indirect.scatter.add.f32 [tilespmem:s19], [sflag:$0x3], $0x80, s17, s18, $0xb8;
	[tilespmem:$0x1D000] =	vst v63  }
0x1e4: {  	_ =	swait.ge [sflag:s15], $0x4000  }
0x1e5: {  	[sflag:s15] =	ssyncset.done $0x0  }
0x1e6: {  	[sflag:s15] =	ssyncadd.s32 $0xFFFFC000  }
0x1e7: {  	[tilespmem:s19], [sflag:$0x1] =	stream.indirect.gather [hbm4b:s1+s18], $0x80, s25, s18, $0xb8;
	[tilespmem:$0x1D000] =	vst v63  }
0x1e8: {  	_ =	swait.ge [sflag:s24], $0x4000  }
0x1e9: {  	[sflag:s24] =	ssyncset.done $0x0  }
0x1ea: {  	[sflag:s24] =	ssyncadd.s32 $0xFFFFC000  }
0x1eb: {  	[spmem:s3] =	stream.indirect.scatter.add.f32 [tilespmem:s21], [sflag:$0x3], $0x80, s14, s18, $0xb8;
	[tilespmem:$0x1D000] =	vst v63  }
0x1ec: {  	_ =	swait.ge [sflag:s15], $0x4000  }
0x1ed: {  	[sflag:s15] =	ssyncset.done $0x0  }
0x1ee: {  	[sflag:s15] =	ssyncadd.s32 $0xFFFFC000  }
0x1ef: {  	[tilespmem:s21], [sflag:$0x2] =	stream.indirect.gather [hbm4b:s1+s18], $0x80, s26, s18, $0xb8;
	[tilespmem:$0x1D000] =	vst v63  }
0x1f0: {  	_ =	swait.ge [sflag:s22], $0x4000  }
0x1f1: {  	[sflag:s22] =	ssyncset.done $0x0  }
0x1f2: {  	[sflag:s22] =	ssyncadd.s32 $0xFFFFC000  }
0x1f3: {  	[spmem:s3] =	stream.indirect.scatter.add.f32 [tilespmem:s19], [sflag:$0x3], $0x80, s28, s18, $0xb8;
	[tilespmem:$0x1D000] =	vst v63  }
0x1f4: {  	_ =	swait.ge [sflag:s15], $0x4000  }
0x1f5: {  	[sflag:s15] =	ssyncset.done $0x0  }
0x1f6: {  	[sflag:s15] =	ssyncadd.s32 $0xFFFFC000  }
0x1f7: {  	[tilespmem:s19], [sflag:$0x1] =	stream.indirect.gather [hbm4b:s1+s18], $0x80, s29, s18, $0xb8;
	[tilespmem:$0x1D000] =	vst v63  }
0x1f8: {  	_ =	swait.ge [sflag:s24], $0x4000  }
0x1f9: {  	[sflag:s24] =	ssyncset.done $0x0  }
0x1fa: {  	[sflag:s24] =	ssyncadd.s32 $0xFFFFC000  }
0x1fb: {  	[spmem:s3] =	stream.indirect.scatter.add.f32 [tilespmem:s21], [sflag:$0x3], $0x80, s0, s18, $0xb8;
	[tilespmem:$0x1D000] =	vst v63  }
0x1fc: {  	_ =	swait.ge [sflag:s15], $0x4000  }
0x1fd: {  	[sflag:s15] =	ssyncset.done $0x0  }
0x1fe: {  	[sflag:s15] =	ssyncadd.s32 $0xFFFFC000  }
0x1ff: {  	[tilespmem:s21], [sflag:$0x2] =	stream.indirect.gather [hbm4b:s1+s18], $0x80, s2, s18, $0xb8;
	[tilespmem:$0x1D000] =	vst v63  }
0x200: {  	_ =	swait.ge [sflag:s22], $0x4000  }
0x201: {  	[sflag:s22] =	ssyncset.done $0x0  }
0x202: {  	[sflag:s22] =	ssyncadd.s32 $0xFFFFC000  }
0x203: {  	[spmem:s3] =	stream.indirect.scatter.add.f32 [tilespmem:s19], [sflag:$0x3], $0x80, s7, s18, $0xb8;
	[tilespmem:$0x1D000] =	vst v63  }
0x204: {  	_ =	swait.ge [sflag:s15], $0x4000  }
0x205: {  	[sflag:s15] =	ssyncset.done $0x0  }
0x206: {  	[sflag:s15] =	ssyncadd.s32 $0xFFFFC000  }
0x207: {  	[tilespmem:s19], [sflag:$0x1] =	stream.indirect.gather [hbm4b:s1+s18], $0x80, s9, s18, $0xb8;
	[tilespmem:$0x1D000] =	vst v63  }
0x208: {  	_ =	swait.ge [sflag:s24], $0x4000  }
0x209: {  	[sflag:s24] =	ssyncset.done $0x0  }
0x20a: {  	[sflag:s24] =	ssyncadd.s32 $0xFFFFC000  }
0x20b: {  	[spmem:s3] =	stream.indirect.scatter.add.f32 [tilespmem:s21], [sflag:$0x3], $0x80, s10, s18, $0xb8;
	[tilespmem:$0x1D000] =	vst v63  }
0x20c: {  	_ =	swait.ge [sflag:s15], $0x4000  }
0x20d: {  	[sflag:s15] =	ssyncset.done $0x0  }
0x20e: {  	[sflag:s15] =	ssyncadd.s32 $0xFFFFC000  }
0x20f: {  	[tilespmem:s21], [sflag:$0x2] =	stream.indirect.gather [hbm4b:s1+s18], $0x80, s11, s18, $0xb8;
	[tilespmem:$0x1D000] =	vst v63  }
0x210: {  	_ =	swait.ge [sflag:s22], $0x4000  }
0x211: {  	[sflag:s22] =	ssyncset.done $0x0  }
0x212: {  	[sflag:s22] =	ssyncadd.s32 $0xFFFFC000  }
0x213: {  	[spmem:s3] =	stream.indirect.scatter.add.f32 [tilespmem:s19], [sflag:$0x3], $0x80, s30, s18, $0xb8;
	[tilespmem:$0x1D000] =	vst v63  }
0x214: {  	_ =	swait.ge [sflag:s15], $0x4000  }
0x215: {  	[sflag:s15] =	ssyncset.done $0x0  }
0x216: {  	s14 =	simm.s32 $0x14400;
	[sflag:s15] =	ssyncadd.s32 $0xFFFFC000  }
0x217: {  	[tilespmem:s19], [sflag:$0x1] =	stream.indirect.gather [hbm4b:s1+s18], $0x80, s14, s18, $0xb8;
	[tilespmem:$0x1D000] =	vst v63  }
0x218: {  	_ =	swait.ge [sflag:s24], $0x4000  }
0x219: {  	[sflag:s24] =	ssyncset.done $0x0  }
0x21a: {  	s20 =	simm.s32 $0x14B80;
	[sflag:s24] =	ssyncadd.s32 $0xFFFFC000  }
0x21b: {  	[spmem:s3] =	stream.indirect.scatter.add.f32 [tilespmem:s21], [sflag:$0x3], $0x80, s20, s18, $0xb8;
	[tilespmem:$0x1D000] =	vst v63  }
0x21c: {  	_ =	swait.ge [sflag:s15], $0x4000  }
0x21d: {  	[sflag:s15] =	ssyncset.done $0x0  }
0x21e: {  	s23 =	simm.s32 $0x14480;
	[sflag:s15] =	ssyncadd.s32 $0xFFFFC000  }
0x21f: {  	[tilespmem:s21], [sflag:$0x2] =	stream.indirect.gather [hbm4b:s1+s18], $0x80, s23, s18, $0xb8;
	[tilespmem:$0x1D000] =	vst v63  }
0x220: {  	_ =	swait.ge [sflag:s22], $0x4000  }
0x221: {  	[sflag:s22] =	ssyncset.done $0x0  }
0x222: {  	s25 =	simm.s32 $0x14C00;
	[sflag:s22] =	ssyncadd.s32 $0xFFFFC000  }
0x223: {  	[spmem:s3] =	stream.indirect.scatter.add.f32 [tilespmem:s19], [sflag:$0x3], $0x80, s25, s18, $0xb8;
	[tilespmem:$0x1D000] =	vst v63  }
0x224: {  	_ =	swait.ge [sflag:s15], $0x4000  }
0x225: {  	[sflag:s15] =	ssyncset.done $0x0  }
0x226: {  	s26 =	simm.s32 $0x14500;
	[sflag:s15] =	ssyncadd.s32 $0xFFFFC000  }
0x227: {  	[tilespmem:s19], [sflag:$0x1] =	stream.indirect.gather [hbm4b:s1+s18], $0x80, s26, s18, $0xb8;
	[tilespmem:$0x1D000] =	vst v63  }
0x228: {  	_ =	swait.ge [sflag:s24], $0x4000  }
0x229: {  	[sflag:s24] =	ssyncset.done $0x0  }
0x22a: {  	s2 =	simm.s32 $0x14C80;
	[sflag:s24] =	ssyncadd.s32 $0xFFFFC000  }
0x22b: {  	[spmem:s3] =	stream.indirect.scatter.add.f32 [tilespmem:s21], [sflag:$0x3], $0x80, s2, s18, $0xb8;
	[tilespmem:$0x1D000] =	vst v63  }
0x22c: {  	_ =	swait.ge [sflag:s15], $0x4000  }
0x22d: {  	[sflag:s15] =	ssyncset.done $0x0  }
0x22e: {  	s6 =	simm.s32 $0x14580;
	[sflag:s15] =	ssyncadd.s32 $0xFFFFC000  }
0x22f: {  	[tilespmem:s21], [sflag:$0x2] =	stream.indirect.gather [hbm4b:s1+s18], $0x80, s6, s18, $0xb8;
	[tilespmem:$0x1D000] =	vst v63  }
0x230: {  	_ =	swait.ge [sflag:s22], $0x4000  }
0x231: {  	[sflag:s22] =	ssyncset.done $0x0  }
0x232: {  	s7 =	simm.s32 $0x14D00;
	[sflag:s22] =	ssyncadd.s32 $0xFFFFC000  }
0x233: {  	[spmem:s3] =	stream.indirect.scatter.add.f32 [tilespmem:s19], [sflag:$0x3], $0x80, s7, s18, $0xb8;
	[tilespmem:$0x1D000] =	vst v63  }
0x234: {  	_ =	swait.ge [sflag:s15], $0x4000  }
0x235: {  	[sflag:s15] =	ssyncset.done $0x0  }
0x236: {  	s8 =	simm.s32 $0x14600;
	[sflag:s15] =	ssyncadd.s32 $0xFFFFC000  }
0x237: {  	[tilespmem:s19], [sflag:$0x1] =	stream.indirect.gather [hbm4b:s1+s18], $0x80, s8, s18, $0xb8;
	[tilespmem:$0x1D000] =	vst v63  }
0x238: {  	_ =	swait.ge [sflag:s24], $0x4000  }
0x239: {  	[sflag:s24] =	ssyncset.done $0x0  }
0x23a: {  	s9 =	simm.s32 $0x14D80;
	[sflag:s24] =	ssyncadd.s32 $0xFFFFC000  }
0x23b: {  	[spmem:s3] =	stream.indirect.scatter.add.f32 [tilespmem:s21], [sflag:$0x3], $0x80, s9, s18, $0xb8;
	[tilespmem:$0x1D000] =	vst v63  }
0x23c: {  	_ =	swait.ge [sflag:s15], $0x4000  }
0x23d: {  	[sflag:s15] =	ssyncset.done $0x0  }
0x23e: {  	s10 =	simm.s32 $0x14680;
	[sflag:s15] =	ssyncadd.s32 $0xFFFFC000  }
0x23f: {  	[tilespmem:s21], [sflag:$0x2] =	stream.indirect.gather [hbm4b:s1+s18], $0x80, s10, s18, $0xb8;
	[tilespmem:$0x1D000] =	vst v63  }
0x240: {  	_ =	swait.ge [sflag:s22], $0x4000  }
0x241: {  	[sflag:s22] =	ssyncset.done $0x0  }
0x242: {  	s11 =	simm.s32 $0x14E00;
	[sflag:s22] =	ssyncadd.s32 $0xFFFFC000  }
0x243: {  	[spmem:s3] =	stream.indirect.scatter.add.f32 [tilespmem:s19], [sflag:$0x3], $0x80, s11, s18, $0xb8;
	[tilespmem:$0x1D000] =	vst v63  }
0x244: {  	_ =	swait.ge [sflag:s15], $0x4000  }
0x245: {  	[sflag:s15] =	ssyncset.done $0x0  }
0x246: {  	s14 =	simm.s32 $0x14700;
	[sflag:s15] =	ssyncadd.s32 $0xFFFFC000  }
0x247: {  	[tilespmem:s19], [sflag:$0x1] =	stream.indirect.gather [hbm4b:s1+s18], $0x80, s14, s18, $0xb8;
	[tilespmem:$0x1D000] =	vst v63  }
0x248: {  	_ =	swait.ge [sflag:s24], $0x4000  }
0x249: {  	[sflag:s24] =	ssyncset.done $0x0  }
0x24a: {  	s20 =	simm.s32 $0x14E80;
	[sflag:s24] =	ssyncadd.s32 $0xFFFFC000  }
0x24b: {  	[spmem:s3] =	stream.indirect.scatter.add.f32 [tilespmem:s21], [sflag:$0x3], $0x80, s20, s18, $0xb8;
	[tilespmem:$0x1D000] =	vst v63  }
0x24c: {  	_ =	swait.ge [sflag:s15], $0x4000  }
0x24d: {  	[sflag:s15] =	ssyncset.done $0x0  }
0x24e: {  	s23 =	simm.s32 $0x14780;
	[sflag:s15] =	ssyncadd.s32 $0xFFFFC000  }
0x24f: {  	[tilespmem:s21], [sflag:$0x2] =	stream.indirect.gather [hbm4b:s1+s18], $0x80, s23, s18, $0xb8;
	[tilespmem:$0x1D000] =	vst v63  }
0x250: {  	_ =	swait.ge [sflag:s22], $0x4000  }
0x251: {  	[sflag:s22] =	ssyncset.done $0x0  }
0x252: {  	s25 =	simm.s32 $0x14F00;
	[sflag:s22] =	ssyncadd.s32 $0xFFFFC000  }
0x253: {  	[spmem:s3] =	stream.indirect.scatter.add.f32 [tilespmem:s19], [sflag:$0x3], $0x80, s25, s18, $0xb8;
	[tilespmem:$0x1D000] =	vst v63  }
0x254: {  	s31 =	simm.s32 $0x14200;
	_ =	swait.ge [sflag:s15], $0x4000  }
0x255: {  	s28 =	simm.s32 $0x14880;
	s29 =	simm.s32 $0x14180;
	[sflag:s15] =	ssyncset.done $0x0  }
0x256: {  	s0 =	simm.s32 $0x14980;
	s30 =	simm.s32 $0x14900;
	[sflag:s15] =	ssyncadd.s32 $0xFFFFC000  }
0x257: {  	s26 =	simm.s32 $0x14F80;
	s2 =	simm.s32 $0x14280;
	_ =	swait.ge [sflag:s24], $0x4000  }
0x258: {  	s7 =	simm.s32 $0x14A00;
	s9 =	simm.s32 $0x14300;
	[sflag:s24] =	ssyncset.done $0x0  }
0x259: {  	s10 =	simm.s32 $0x14A80;
	s11 =	simm.s32 $0x14380;
	[sflag:s24] =	ssyncadd.s32 $0xFFFFC000  }
0x25a: {  	[spmem:s3] =	stream.indirect.scatter.add.f32 [tilespmem:s21], [sflag:$0x3], $0x80, s26, s18, $0xb8;
	[tilespmem:$0x1D000] =	vst v63  }
0x25b: {  	s14 =	simm.s32 $0x100;
	s23 =	simm.s32 $0x14080;
	_ =	swait.ge [sflag:s15], $0x4000  }
0x25c: {  	s25 =	simm.s32 $0x200;
	s26 =	simm.s32 $0x14100;
	[sflag:s15] =	ssyncset.done $0x0  }
.LBB2_3:
0x25d: {  	s8 =	sadd.s32 s14, s13  }
0x25e: {  	[sflag:s15] =	ssyncadd.s32 $0xFFFFC000;
	s20 =	smov.u32 s25;
	s6 =	sadd.s32 $0x100, s25  }
0x25f: {  	[tilespmem:s16], [sflag:$0x3] =	stream.linear.gather [hbm4b:s8+s4], $0x800, $0x38;
	[tilespmem:$0x1D000] =	vst v63  }
0x260: {  	p2 =	seq.s32 s25, $0x900;
	_ =	swait.ge [sflag:s15], $0x800  }
0x261: {  	s8 =	sadd.s32 s14, s12;
	[sflag:s15] =	ssyncset.done $0x0  }
0x262: {  	s14 =	smov.u32 s20;
	s20 =	simm.s32 $0x14480;
	[sflag:s15] =	ssyncadd.s32 $0xFFFFF800  }
0x263: {  	[tilespmem:s17], [sflag:$0x3] =	stream.linear.gather [hbm4b:s8+s4], $0x800, $0x38;
	[tilespmem:$0x1D000] =	vst v63  }
0x264: {  	s8 =	simm.s32 $0x14B80  }
0x265: {  	_ =	swait.ge [sflag:s15], $0x800  }
0x266: {  	[sflag:s15] =	ssyncset.done $0x0  }
0x267: {  	[sflag:s15] =	ssyncadd.s32 $0xFFFFF800  }
0x268: {  	[tilespmem:s19], [sflag:$0x1] =	stream.indirect.gather [hbm4b:s1+s18], $0x80, s16, s18, $0xb8;
	[tilespmem:$0x1D000] =	vst v63  }
0x269: {  	_ = 	snop  }
0x26a: {  	[tilespmem:s21], [sflag:$0x2] =	stream.indirect.gather [hbm4b:s1+s18], $0x80, s23, s18, $0xb8;
	[tilespmem:$0x1D000] =	vst v63  }
0x26b: {  	_ =	swait.ge [sflag:s22], $0x4000  }
0x26c: {  	[sflag:s22] =	ssyncset.done $0x0  }
0x26d: {  	[sflag:s22] =	ssyncadd.s32 $0xFFFFC000  }
0x26e: {  	[spmem:s3] =	stream.indirect.scatter.add.f32 [tilespmem:s19], [sflag:$0x3], $0x80, s17, s18, $0xb8;
	[tilespmem:$0x1D000] =	vst v63  }
0x26f: {  	_ =	swait.ge [sflag:s15], $0x4000  }
0x270: {  	[sflag:s15] =	ssyncset.done $0x0  }
0x271: {  	[sflag:s15] =	ssyncadd.s32 $0xFFFFC000  }
0x272: {  	[tilespmem:s19], [sflag:$0x1] =	stream.indirect.gather [hbm4b:s1+s18], $0x80, s26, s18, $0xb8;
	[tilespmem:$0x1D000] =	vst v63  }
0x273: {  	_ =	swait.ge [sflag:s24], $0x4000  }
0x274: {  	[sflag:s24] =	ssyncset.done $0x0  }
0x275: {  	[sflag:s24] =	ssyncadd.s32 $0xFFFFC000  }
0x276: {  	[spmem:s3] =	stream.indirect.scatter.add.f32 [tilespmem:s21], [sflag:$0x3], $0x80, s28, s18, $0xb8;
	[tilespmem:$0x1D000] =	vst v63  }
0x277: {  	_ =	swait.ge [sflag:s15], $0x4000  }
0x278: {  	[sflag:s15] =	ssyncset.done $0x0  }
0x279: {  	[sflag:s15] =	ssyncadd.s32 $0xFFFFC000  }
0x27a: {  	[tilespmem:s21], [sflag:$0x2] =	stream.indirect.gather [hbm4b:s1+s18], $0x80, s29, s18, $0xb8;
	[tilespmem:$0x1D000] =	vst v63  }
0x27b: {  	_ =	swait.ge [sflag:s22], $0x4000  }
0x27c: {  	[sflag:s22] =	ssyncset.done $0x0  }
0x27d: {  	[sflag:s22] =	ssyncadd.s32 $0xFFFFC000  }
0x27e: {  	[spmem:s3] =	stream.indirect.scatter.add.f32 [tilespmem:s19], [sflag:$0x3], $0x80, s30, s18, $0xb8;
	[tilespmem:$0x1D000] =	vst v63  }
0x27f: {  	_ =	swait.ge [sflag:s15], $0x4000  }
0x280: {  	[sflag:s15] =	ssyncset.done $0x0  }
0x281: {  	[sflag:s15] =	ssyncadd.s32 $0xFFFFC000  }
0x282: {  	[tilespmem:s19], [sflag:$0x1] =	stream.indirect.gather [hbm4b:s1+s18], $0x80, s31, s18, $0xb8;
	[tilespmem:$0x1D000] =	vst v63  }
0x283: {  	_ =	swait.ge [sflag:s24], $0x4000  }
0x284: {  	[sflag:s24] =	ssyncset.done $0x0  }
0x285: {  	[sflag:s24] =	ssyncadd.s32 $0xFFFFC000  }
0x286: {  	[spmem:s3] =	stream.indirect.scatter.add.f32 [tilespmem:s21], [sflag:$0x3], $0x80, s0, s18, $0xb8;
	[tilespmem:$0x1D000] =	vst v63  }
0x287: {  	_ =	swait.ge [sflag:s15], $0x4000  }
0x288: {  	[sflag:s15] =	ssyncset.done $0x0  }
0x289: {  	[sflag:s15] =	ssyncadd.s32 $0xFFFFC000  }
0x28a: {  	[tilespmem:s21], [sflag:$0x2] =	stream.indirect.gather [hbm4b:s1+s18], $0x80, s2, s18, $0xb8;
	[tilespmem:$0x1D000] =	vst v63  }
0x28b: {  	_ =	swait.ge [sflag:s22], $0x4000  }
0x28c: {  	[sflag:s22] =	ssyncset.done $0x0  }
0x28d: {  	[sflag:s22] =	ssyncadd.s32 $0xFFFFC000  }
0x28e: {  	[spmem:s3] =	stream.indirect.scatter.add.f32 [tilespmem:s19], [sflag:$0x3], $0x80, s7, s18, $0xb8;
	[tilespmem:$0x1D000] =	vst v63  }
0x28f: {  	_ =	swait.ge [sflag:s15], $0x4000  }
0x290: {  	[sflag:s15] =	ssyncset.done $0x0  }
0x291: {  	[sflag:s15] =	ssyncadd.s32 $0xFFFFC000  }
0x292: {  	[tilespmem:s19], [sflag:$0x1] =	stream.indirect.gather [hbm4b:s1+s18], $0x80, s9, s18, $0xb8;
	[tilespmem:$0x1D000] =	vst v63  }
0x293: {  	_ =	swait.ge [sflag:s24], $0x4000  }
0x294: {  	[sflag:s24] =	ssyncset.done $0x0  }
0x295: {  	[sflag:s24] =	ssyncadd.s32 $0xFFFFC000  }
0x296: {  	[spmem:s3] =	stream.indirect.scatter.add.f32 [tilespmem:s21], [sflag:$0x3], $0x80, s10, s18, $0xb8;
	[tilespmem:$0x1D000] =	vst v63  }
0x297: {  	_ =	swait.ge [sflag:s15], $0x4000  }
0x298: {  	[sflag:s15] =	ssyncset.done $0x0  }
0x299: {  	[sflag:s15] =	ssyncadd.s32 $0xFFFFC000  }
0x29a: {  	[tilespmem:s21], [sflag:$0x2] =	stream.indirect.gather [hbm4b:s1+s18], $0x80, s11, s18, $0xb8;
	[tilespmem:$0x1D000] =	vst v63  }
0x29b: {  	_ =	swait.ge [sflag:s22], $0x4000  }
0x29c: {  	[sflag:s22] =	ssyncset.done $0x0  }
0x29d: {  	s25 =	simm.s32 $0x14B00;
	[sflag:s22] =	ssyncadd.s32 $0xFFFFC000  }
0x29e: {  	[spmem:s3] =	stream.indirect.scatter.add.f32 [tilespmem:s19], [sflag:$0x3], $0x80, s25, s18, $0xb8;
	[tilespmem:$0x1D000] =	vst v63  }
0x29f: {  	_ =	swait.ge [sflag:s15], $0x4000  }
0x2a0: {  	[sflag:s15] =	ssyncset.done $0x0  }
0x2a1: {  	s25 =	simm.s32 $0x14400;
	[sflag:s15] =	ssyncadd.s32 $0xFFFFC000  }
0x2a2: {  	[tilespmem:s19], [sflag:$0x1] =	stream.indirect.gather [hbm4b:s1+s18], $0x80, s25, s18, $0xb8;
	[tilespmem:$0x1D000] =	vst v63  }
0x2a3: {  	_ =	swait.ge [sflag:s24], $0x4000  }
0x2a4: {  	[sflag:s24] =	ssyncset.done $0x0  }
0x2a5: {  	[sflag:s24] =	ssyncadd.s32 $0xFFFFC000  }
0x2a6: {  	[spmem:s3] =	stream.indirect.scatter.add.f32 [tilespmem:s21], [sflag:$0x3], $0x80, s8, s18, $0xb8;
	[tilespmem:$0x1D000] =	vst v63  }
0x2a7: {  	_ =	swait.ge [sflag:s15], $0x4000  }
0x2a8: {  	[sflag:s15] =	ssyncset.done $0x0  }
0x2a9: {  	[sflag:s15] =	ssyncadd.s32 $0xFFFFC000  }
0x2aa: {  	[tilespmem:s21], [sflag:$0x2] =	stream.indirect.gather [hbm4b:s1+s18], $0x80, s20, s18, $0xb8;
	[tilespmem:$0x1D000] =	vst v63  }
0x2ab: {  	_ =	swait.ge [sflag:s22], $0x4000  }
0x2ac: {  	[sflag:s22] =	ssyncset.done $0x0  }
0x2ad: {  	s25 =	simm.s32 $0x14C00;
	[sflag:s22] =	ssyncadd.s32 $0xFFFFC000  }
0x2ae: {  	[spmem:s3] =	stream.indirect.scatter.add.f32 [tilespmem:s19], [sflag:$0x3], $0x80, s25, s18, $0xb8;
	[tilespmem:$0x1D000] =	vst v63  }
0x2af: {  	_ =	swait.ge [sflag:s15], $0x4000  }
0x2b0: {  	[sflag:s15] =	ssyncset.done $0x0  }
0x2b1: {  	s25 =	simm.s32 $0x14500;
	[sflag:s15] =	ssyncadd.s32 $0xFFFFC000  }
0x2b2: {  	[tilespmem:s19], [sflag:$0x1] =	stream.indirect.gather [hbm4b:s1+s18], $0x80, s25, s18, $0xb8;
	[tilespmem:$0x1D000] =	vst v63  }
0x2b3: {  	_ =	swait.ge [sflag:s24], $0x4000  }
0x2b4: {  	[sflag:s24] =	ssyncset.done $0x0  }
0x2b5: {  	s25 =	simm.s32 $0x14C80;
	[sflag:s24] =	ssyncadd.s32 $0xFFFFC000  }
0x2b6: {  	[spmem:s3] =	stream.indirect.scatter.add.f32 [tilespmem:s21], [sflag:$0x3], $0x80, s25, s18, $0xb8;
	[tilespmem:$0x1D000] =	vst v63  }
0x2b7: {  	_ =	swait.ge [sflag:s15], $0x4000  }
0x2b8: {  	[sflag:s15] =	ssyncset.done $0x0  }
0x2b9: {  	s25 =	simm.s32 $0x14580;
	[sflag:s15] =	ssyncadd.s32 $0xFFFFC000  }
0x2ba: {  	[tilespmem:s21], [sflag:$0x2] =	stream.indirect.gather [hbm4b:s1+s18], $0x80, s25, s18, $0xb8;
	[tilespmem:$0x1D000] =	vst v63  }
0x2bb: {  	_ =	swait.ge [sflag:s22], $0x4000  }
0x2bc: {  	[sflag:s22] =	ssyncset.done $0x0  }
0x2bd: {  	s25 =	simm.s32 $0x14D00;
	[sflag:s22] =	ssyncadd.s32 $0xFFFFC000  }
0x2be: {  	[spmem:s3] =	stream.indirect.scatter.add.f32 [tilespmem:s19], [sflag:$0x3], $0x80, s25, s18, $0xb8;
	[tilespmem:$0x1D000] =	vst v63  }
0x2bf: {  	_ =	swait.ge [sflag:s15], $0x4000  }
0x2c0: {  	[sflag:s15] =	ssyncset.done $0x0  }
0x2c1: {  	s25 =	simm.s32 $0x14600;
	[sflag:s15] =	ssyncadd.s32 $0xFFFFC000  }
0x2c2: {  	[tilespmem:s19], [sflag:$0x1] =	stream.indirect.gather [hbm4b:s1+s18], $0x80, s25, s18, $0xb8;
	[tilespmem:$0x1D000] =	vst v63  }
0x2c3: {  	_ =	swait.ge [sflag:s24], $0x4000  }
0x2c4: {  	[sflag:s24] =	ssyncset.done $0x0  }
0x2c5: {  	s25 =	simm.s32 $0x14D80;
	[sflag:s24] =	ssyncadd.s32 $0xFFFFC000  }
0x2c6: {  	[spmem:s3] =	stream.indirect.scatter.add.f32 [tilespmem:s21], [sflag:$0x3], $0x80, s25, s18, $0xb8;
	[tilespmem:$0x1D000] =	vst v63  }
0x2c7: {  	_ =	swait.ge [sflag:s15], $0x4000  }
0x2c8: {  	[sflag:s15] =	ssyncset.done $0x0  }
0x2c9: {  	s25 =	simm.s32 $0x14680;
	[sflag:s15] =	ssyncadd.s32 $0xFFFFC000  }
0x2ca: {  	[tilespmem:s21], [sflag:$0x2] =	stream.indirect.gather [hbm4b:s1+s18], $0x80, s25, s18, $0xb8;
	[tilespmem:$0x1D000] =	vst v63  }
0x2cb: {  	_ =	swait.ge [sflag:s22], $0x4000  }
0x2cc: {  	[sflag:s22] =	ssyncset.done $0x0  }
0x2cd: {  	s25 =	simm.s32 $0x14E00;
	[sflag:s22] =	ssyncadd.s32 $0xFFFFC000  }
0x2ce: {  	[spmem:s3] =	stream.indirect.scatter.add.f32 [tilespmem:s19], [sflag:$0x3], $0x80, s25, s18, $0xb8;
	[tilespmem:$0x1D000] =	vst v63  }
0x2cf: {  	_ =	swait.ge [sflag:s15], $0x4000  }
0x2d0: {  	[sflag:s15] =	ssyncset.done $0x0  }
0x2d1: {  	s25 =	simm.s32 $0x14700;
	[sflag:s15] =	ssyncadd.s32 $0xFFFFC000  }
0x2d2: {  	[tilespmem:s19], [sflag:$0x1] =	stream.indirect.gather [hbm4b:s1+s18], $0x80, s25, s18, $0xb8;
	[tilespmem:$0x1D000] =	vst v63  }
0x2d3: {  	_ =	swait.ge [sflag:s24], $0x4000  }
0x2d4: {  	[sflag:s24] =	ssyncset.done $0x0  }
0x2d5: {  	s25 =	simm.s32 $0x14E80;
	[sflag:s24] =	ssyncadd.s32 $0xFFFFC000  }
0x2d6: {  	[spmem:s3] =	stream.indirect.scatter.add.f32 [tilespmem:s21], [sflag:$0x3], $0x80, s25, s18, $0xb8;
	[tilespmem:$0x1D000] =	vst v63  }
0x2d7: {  	_ =	swait.ge [sflag:s15], $0x4000  }
0x2d8: {  	[sflag:s15] =	ssyncset.done $0x0  }
0x2d9: {  	s25 =	simm.s32 $0x14780;
	[sflag:s15] =	ssyncadd.s32 $0xFFFFC000  }
0x2da: {  	[tilespmem:s21], [sflag:$0x2] =	stream.indirect.gather [hbm4b:s1+s18], $0x80, s25, s18, $0xb8;
	[tilespmem:$0x1D000] =	vst v63  }
0x2db: {  	_ =	swait.ge [sflag:s22], $0x4000  }
0x2dc: {  	[sflag:s22] =	ssyncset.done $0x0  }
0x2dd: {  	s25 =	simm.s32 $0x14F00;
	[sflag:s22] =	ssyncadd.s32 $0xFFFFC000  }
0x2de: {  	[spmem:s3] =	stream.indirect.scatter.add.f32 [tilespmem:s19], [sflag:$0x3], $0x80, s25, s18, $0xb8;
	[tilespmem:$0x1D000] =	vst v63  }
0x2df: {  	_ =	swait.ge [sflag:s15], $0x4000  }
0x2e0: {  	[sflag:s15] =	ssyncset.done $0x0  }
0x2e1: {  	[sflag:s15] =	ssyncadd.s32 $0xFFFFC000  }
0x2e2: {  	_ =	swait.ge [sflag:s24], $0x4000  }
.Ltmp5:
0x2e3: {  	[sflag:s24] =	ssyncset.done $0x0;
	(pc) =	sbr.rel @!p2 .LBB2_3-.Ltmp5, $4  }
0x2e4: {  	s25 =	simm.s32 $0x14F80;
	[sflag:s24] =	ssyncadd.s32 $0xFFFFC000  }
0x2e5: {  	[spmem:s3] =	stream.indirect.scatter.add.f32 [tilespmem:s21], [sflag:$0x3], $0x80, s25, s18, $0xb8;
	[tilespmem:$0x1D000] =	vst v63  }
0x2e6: {  	_ =	swait.ge [sflag:s15], $0x4000  }
0x2e7: {  	s25 =	smov.u32 s6;
	[sflag:s15] =	ssyncset.done $0x0  }
0x2e8: {  	s6 =	sadd.s32 s14, s13;
	[sflag:s15] =	ssyncadd.s32 $0xFFFFC000  }
0x2e9: {  	[tilespmem:s16], [sflag:$0x3] =	stream.linear.gather [hbm4b:s6+s4], $0x800, $0x38;
	[tilespmem:$0x1D000] =	vst v63  }
0x2ea: {  	_ =	swait.ge [sflag:s15], $0x800  }
0x2eb: {  	[sflag:s15] =	ssyncset.done $0x0  }
0x2ec: {  	s25 =	sadd.s32 s14, s12;
	[sflag:s15] =	ssyncadd.s32 $0xFFFFF800  }
0x2ed: {  	[tilespmem:s17], [sflag:$0x3] =	stream.linear.gather [hbm4b:s25+s4], $0x800, $0x38;
	[tilespmem:$0x1D000] =	vst v63  }
0x2ee: {  	_ =	swait.ge [sflag:s15], $0x800  }
0x2ef: {  	[sflag:s15] =	ssyncset.done $0x0  }
0x2f0: {  	[sflag:s15] =	ssyncadd.s32 $0xFFFFF800  }
0x2f1: {  	[tilespmem:s19], [sflag:$0x1] =	stream.indirect.gather [hbm4b:s1+s18], $0x80, s16, s18, $0xb8;
	[tilespmem:$0x1D000] =	vst v63  }
0x2f2: {  	_ = 	snop  }
0x2f3: {  	[tilespmem:s21], [sflag:$0x2] =	stream.indirect.gather [hbm4b:s1+s18], $0x80, s23, s18, $0xb8;
	[tilespmem:$0x1D000] =	vst v63  }
0x2f4: {  	_ =	swait.ge [sflag:s22], $0x4000  }
0x2f5: {  	[sflag:s22] =	ssyncset.done $0x0  }
0x2f6: {  	[sflag:s22] =	ssyncadd.s32 $0xFFFFC000  }
0x2f7: {  	[spmem:s3] =	stream.indirect.scatter.add.f32 [tilespmem:s19], [sflag:$0x3], $0x80, s17, s18, $0xb8;
	[tilespmem:$0x1D000] =	vst v63  }
0x2f8: {  	_ =	swait.ge [sflag:s15], $0x4000  }
0x2f9: {  	[sflag:s15] =	ssyncset.done $0x0  }
0x2fa: {  	[sflag:s15] =	ssyncadd.s32 $0xFFFFC000  }
0x2fb: {  	[tilespmem:s19], [sflag:$0x1] =	stream.indirect.gather [hbm4b:s1+s18], $0x80, s26, s18, $0xb8;
	[tilespmem:$0x1D000] =	vst v63  }
0x2fc: {  	_ =	swait.ge [sflag:s24], $0x4000  }
0x2fd: {  	[sflag:s24] =	ssyncset.done $0x0  }
0x2fe: {  	[sflag:s24] =	ssyncadd.s32 $0xFFFFC000  }
0x2ff: {  	[spmem:s3] =	stream.indirect.scatter.add.f32 [tilespmem:s21], [sflag:$0x3], $0x80, s28, s18, $0xb8;
	[tilespmem:$0x1D000] =	vst v63  }
0x300: {  	_ =	swait.ge [sflag:s15], $0x4000  }
0x301: {  	[sflag:s15] =	ssyncset.done $0x0  }
0x302: {  	[sflag:s15] =	ssyncadd.s32 $0xFFFFC000  }
0x303: {  	[tilespmem:s21], [sflag:$0x2] =	stream.indirect.gather [hbm4b:s1+s18], $0x80, s29, s18, $0xb8;
	[tilespmem:$0x1D000] =	vst v63  }
0x304: {  	_ =	swait.ge [sflag:s22], $0x4000  }
0x305: {  	[sflag:s22] =	ssyncset.done $0x0  }
0x306: {  	[sflag:s22] =	ssyncadd.s32 $0xFFFFC000  }
0x307: {  	[spmem:s3] =	stream.indirect.scatter.add.f32 [tilespmem:s19], [sflag:$0x3], $0x80, s30, s18, $0xb8;
	[tilespmem:$0x1D000] =	vst v63  }
0x308: {  	_ =	swait.ge [sflag:s15], $0x4000  }
0x309: {  	[sflag:s15] =	ssyncset.done $0x0  }
0x30a: {  	[sflag:s15] =	ssyncadd.s32 $0xFFFFC000  }
0x30b: {  	[tilespmem:s19], [sflag:$0x1] =	stream.indirect.gather [hbm4b:s1+s18], $0x80, s31, s18, $0xb8;
	[tilespmem:$0x1D000] =	vst v63  }
0x30c: {  	_ =	swait.ge [sflag:s24], $0x4000  }
0x30d: {  	[sflag:s24] =	ssyncset.done $0x0  }
0x30e: {  	[sflag:s24] =	ssyncadd.s32 $0xFFFFC000  }
0x30f: {  	[spmem:s3] =	stream.indirect.scatter.add.f32 [tilespmem:s21], [sflag:$0x3], $0x80, s0, s18, $0xb8;
	[tilespmem:$0x1D000] =	vst v63  }
0x310: {  	_ =	swait.ge [sflag:s15], $0x4000  }
0x311: {  	[sflag:s15] =	ssyncset.done $0x0  }
0x312: {  	[sflag:s15] =	ssyncadd.s32 $0xFFFFC000  }
0x313: {  	[tilespmem:s21], [sflag:$0x2] =	stream.indirect.gather [hbm4b:s1+s18], $0x80, s2, s18, $0xb8;
	[tilespmem:$0x1D000] =	vst v63  }
0x314: {  	_ =	swait.ge [sflag:s22], $0x4000  }
0x315: {  	[sflag:s22] =	ssyncset.done $0x0  }
0x316: {  	[sflag:s22] =	ssyncadd.s32 $0xFFFFC000  }
0x317: {  	[spmem:s3] =	stream.indirect.scatter.add.f32 [tilespmem:s19], [sflag:$0x3], $0x80, s7, s18, $0xb8;
	[tilespmem:$0x1D000] =	vst v63  }
0x318: {  	_ =	swait.ge [sflag:s15], $0x4000  }
0x319: {  	[sflag:s15] =	ssyncset.done $0x0  }
0x31a: {  	[sflag:s15] =	ssyncadd.s32 $0xFFFFC000  }
0x31b: {  	[tilespmem:s19], [sflag:$0x1] =	stream.indirect.gather [hbm4b:s1+s18], $0x80, s9, s18, $0xb8;
	[tilespmem:$0x1D000] =	vst v63  }
0x31c: {  	_ =	swait.ge [sflag:s24], $0x4000  }
0x31d: {  	[sflag:s24] =	ssyncset.done $0x0  }
0x31e: {  	[sflag:s24] =	ssyncadd.s32 $0xFFFFC000  }
0x31f: {  	[spmem:s3] =	stream.indirect.scatter.add.f32 [tilespmem:s21], [sflag:$0x3], $0x80, s10, s18, $0xb8;
	[tilespmem:$0x1D000] =	vst v63  }
0x320: {  	_ =	swait.ge [sflag:s15], $0x4000  }
0x321: {  	[sflag:s15] =	ssyncset.done $0x0  }
0x322: {  	[sflag:s15] =	ssyncadd.s32 $0xFFFFC000  }
0x323: {  	[tilespmem:s21], [sflag:$0x2] =	stream.indirect.gather [hbm4b:s1+s18], $0x80, s11, s18, $0xb8;
	[tilespmem:$0x1D000] =	vst v63  }
0x324: {  	_ =	swait.ge [sflag:s22], $0x4000  }
0x325: {  	[sflag:s22] =	ssyncset.done $0x0  }
0x326: {  	s14 =	simm.s32 $0x14B00;
	[sflag:s22] =	ssyncadd.s32 $0xFFFFC000  }
0x327: {  	[spmem:s3] =	stream.indirect.scatter.add.f32 [tilespmem:s19], [sflag:$0x3], $0x80, s14, s18, $0xb8;
	[tilespmem:$0x1D000] =	vst v63  }
0x328: {  	_ =	swait.ge [sflag:s15], $0x4000  }
0x329: {  	[sflag:s15] =	ssyncset.done $0x0  }
0x32a: {  	s23 =	simm.s32 $0x14400;
	[sflag:s15] =	ssyncadd.s32 $0xFFFFC000  }
0x32b: {  	[tilespmem:s19], [sflag:$0x1] =	stream.indirect.gather [hbm4b:s1+s18], $0x80, s23, s18, $0xb8;
	[tilespmem:$0x1D000] =	vst v63  }
0x32c: {  	_ =	swait.ge [sflag:s24], $0x4000  }
0x32d: {  	[sflag:s24] =	ssyncset.done $0x0  }
0x32e: {  	[sflag:s24] =	ssyncadd.s32 $0xFFFFC000  }
0x32f: {  	[spmem:s3] =	stream.indirect.scatter.add.f32 [tilespmem:s21], [sflag:$0x3], $0x80, s8, s18, $0xb8;
	[tilespmem:$0x1D000] =	vst v63  }
0x330: {  	_ =	swait.ge [sflag:s15], $0x4000  }
0x331: {  	[sflag:s15] =	ssyncset.done $0x0  }
0x332: {  	[sflag:s15] =	ssyncadd.s32 $0xFFFFC000  }
0x333: {  	[tilespmem:s21], [sflag:$0x2] =	stream.indirect.gather [hbm4b:s1+s18], $0x80, s20, s18, $0xb8;
	[tilespmem:$0x1D000] =	vst v63  }
0x334: {  	_ =	swait.ge [sflag:s22], $0x4000  }
0x335: {  	[sflag:s22] =	ssyncset.done $0x0  }
0x336: {  	s25 =	simm.s32 $0x14C00;
	[sflag:s22] =	ssyncadd.s32 $0xFFFFC000  }
0x337: {  	[spmem:s3] =	stream.indirect.scatter.add.f32 [tilespmem:s19], [sflag:$0x3], $0x80, s25, s18, $0xb8;
	[tilespmem:$0x1D000] =	vst v63  }
0x338: {  	_ =	swait.ge [sflag:s15], $0x4000  }
0x339: {  	[sflag:s15] =	ssyncset.done $0x0  }
0x33a: {  	s26 =	simm.s32 $0x14500;
	[sflag:s15] =	ssyncadd.s32 $0xFFFFC000  }
0x33b: {  	[tilespmem:s19], [sflag:$0x1] =	stream.indirect.gather [hbm4b:s1+s18], $0x80, s26, s18, $0xb8;
	[tilespmem:$0x1D000] =	vst v63  }
0x33c: {  	_ =	swait.ge [sflag:s24], $0x4000  }
0x33d: {  	[sflag:s24] =	ssyncset.done $0x0  }
0x33e: {  	s2 =	simm.s32 $0x14C80;
	[sflag:s24] =	ssyncadd.s32 $0xFFFFC000  }
0x33f: {  	[spmem:s3] =	stream.indirect.scatter.add.f32 [tilespmem:s21], [sflag:$0x3], $0x80, s2, s18, $0xb8;
	[tilespmem:$0x1D000] =	vst v63  }
0x340: {  	_ =	swait.ge [sflag:s15], $0x4000  }
0x341: {  	[sflag:s15] =	ssyncset.done $0x0  }
0x342: {  	s6 =	simm.s32 $0x14580;
	[sflag:s15] =	ssyncadd.s32 $0xFFFFC000  }
0x343: {  	[tilespmem:s21], [sflag:$0x2] =	stream.indirect.gather [hbm4b:s1+s18], $0x80, s6, s18, $0xb8;
	[tilespmem:$0x1D000] =	vst v63  }
0x344: {  	_ =	swait.ge [sflag:s22], $0x4000  }
0x345: {  	[sflag:s22] =	ssyncset.done $0x0  }
0x346: {  	s7 =	simm.s32 $0x14D00;
	[sflag:s22] =	ssyncadd.s32 $0xFFFFC000  }
0x347: {  	[spmem:s3] =	stream.indirect.scatter.add.f32 [tilespmem:s19], [sflag:$0x3], $0x80, s7, s18, $0xb8;
	[tilespmem:$0x1D000] =	vst v63  }
0x348: {  	_ =	swait.ge [sflag:s15], $0x4000  }
0x349: {  	[sflag:s15] =	ssyncset.done $0x0  }
0x34a: {  	s8 =	simm.s32 $0x14600;
	[sflag:s15] =	ssyncadd.s32 $0xFFFFC000  }
0x34b: {  	[tilespmem:s19], [sflag:$0x1] =	stream.indirect.gather [hbm4b:s1+s18], $0x80, s8, s18, $0xb8;
	[tilespmem:$0x1D000] =	vst v63  }
0x34c: {  	_ =	swait.ge [sflag:s24], $0x4000  }
0x34d: {  	[sflag:s24] =	ssyncset.done $0x0  }
0x34e: {  	s9 =	simm.s32 $0x14D80;
	[sflag:s24] =	ssyncadd.s32 $0xFFFFC000  }
0x34f: {  	[spmem:s3] =	stream.indirect.scatter.add.f32 [tilespmem:s21], [sflag:$0x3], $0x80, s9, s18, $0xb8;
	[tilespmem:$0x1D000] =	vst v63  }
0x350: {  	_ =	swait.ge [sflag:s15], $0x4000  }
0x351: {  	[sflag:s15] =	ssyncset.done $0x0  }
0x352: {  	s10 =	simm.s32 $0x14680;
	[sflag:s15] =	ssyncadd.s32 $0xFFFFC000  }
0x353: {  	[tilespmem:s21], [sflag:$0x2] =	stream.indirect.gather [hbm4b:s1+s18], $0x80, s10, s18, $0xb8;
	[tilespmem:$0x1D000] =	vst v63  }
0x354: {  	_ =	swait.ge [sflag:s22], $0x4000  }
0x355: {  	[sflag:s22] =	ssyncset.done $0x0  }
0x356: {  	s11 =	simm.s32 $0x14E00;
	[sflag:s22] =	ssyncadd.s32 $0xFFFFC000  }
0x357: {  	[spmem:s3] =	stream.indirect.scatter.add.f32 [tilespmem:s19], [sflag:$0x3], $0x80, s11, s18, $0xb8;
	[tilespmem:$0x1D000] =	vst v63  }
0x358: {  	_ =	swait.ge [sflag:s15], $0x4000  }
0x359: {  	[sflag:s15] =	ssyncset.done $0x0  }
0x35a: {  	s14 =	simm.s32 $0x14700;
	[sflag:s15] =	ssyncadd.s32 $0xFFFFC000  }
0x35b: {  	[tilespmem:s19], [sflag:$0x1] =	stream.indirect.gather [hbm4b:s1+s18], $0x80, s14, s18, $0xb8;
	[tilespmem:$0x1D000] =	vst v63  }
0x35c: {  	_ =	swait.ge [sflag:s24], $0x4000  }
0x35d: {  	[sflag:s24] =	ssyncset.done $0x0  }
0x35e: {  	s20 =	simm.s32 $0x14E80;
	[sflag:s24] =	ssyncadd.s32 $0xFFFFC000  }
0x35f: {  	[spmem:s3] =	stream.indirect.scatter.add.f32 [tilespmem:s21], [sflag:$0x3], $0x80, s20, s18, $0xb8;
	[tilespmem:$0x1D000] =	vst v63  }
0x360: {  	_ =	swait.ge [sflag:s15], $0x4000  }
0x361: {  	[sflag:s15] =	ssyncset.done $0x0  }
0x362: {  	s23 =	simm.s32 $0x14780;
	[sflag:s15] =	ssyncadd.s32 $0xFFFFC000  }
0x363: {  	[tilespmem:s21], [sflag:$0x2] =	stream.indirect.gather [hbm4b:s1+s18], $0x80, s23, s18, $0xb8;
	[tilespmem:$0x1D000] =	vst v63  }
0x364: {  	_ =	swait.ge [sflag:s22], $0x4000  }
0x365: {  	[sflag:s22] =	ssyncset.done $0x0  }
0x366: {  	s25 =	simm.s32 $0x14F00;
	[sflag:s22] =	ssyncadd.s32 $0xFFFFC000  }
0x367: {  	[spmem:s3] =	stream.indirect.scatter.add.f32 [tilespmem:s19], [sflag:$0x3], $0x80, s25, s18, $0xb8;
	[tilespmem:$0x1D000] =	vst v63  }
0x368: {  	_ =	swait.ge [sflag:s15], $0x4000  }
0x369: {  	s28 =	simm.s32 $0x14900;
	s29 =	simm.s32 $0x14200;
	[sflag:s15] =	ssyncset.done $0x0  }
0x36a: {  	s30 =	simm.s32 $0x14B00;
	s0 =	simm.s32 $0x14980;
	[sflag:s15] =	ssyncadd.s32 $0xFFFFC000  }
0x36b: {  	s26 =	simm.s32 $0x14F80;
	s2 =	simm.s32 $0x14280;
	_ =	swait.ge [sflag:s24], $0x4000  }
0x36c: {  	s7 =	simm.s32 $0x14A00;
	s9 =	simm.s32 $0x14300;
	[sflag:s24] =	ssyncset.done $0x0  }
.Ltmp6:
0x36d: {  	s10 =	simm.s32 $0x14A80;
	[sflag:s24] =	ssyncadd.s32 $0xFFFFC000;
	(pc) =	sbr.rel .LBB2_8-.Ltmp6, $4  }
0x36e: {  	[spmem:s3] =	stream.indirect.scatter.add.f32 [tilespmem:s21], [sflag:$0x3], $0x80, s26, s18, $0xb8;
	[tilespmem:$0x1D000] =	vst v63  }
0x36f: {  	s11 =	simm.s32 $0x14380;
	s14 =	simm.s32 $0x14880;
	_ =	swait.ge [sflag:s15], $0x4000  }
0x370: {  	s23 =	simm.s32 $0x14080;
	s25 =	simm.s32 $0x14100;
	[sflag:s15] =	ssyncset.done $0x0  }
0x371: {  	s26 =	simm.s32 $0x14180;
	s31 =	rddreg [dreg:$0xc];
	[sflag:s15] =	ssyncadd.s32 $0xFFFFC000  }
.LBB2_9:
0x372: {  	_ =	sfence.sel $0x180000  }
0x373: {  	[bflag:$0x0] =	sbarrier.arrive $0xFFFF  }
0x374: {  	_ =	strace $0x9000004A  }
0x375: {  	s0 =	stileid.u32;
	[bflag:$0x2] =	sbarrier.arrive $0xFFFF  }
0x376: {  	p0 =	sne.s32 s0, $0x0;
	s0 =	rddreg [dreg:$0x3]  }
0x377: {  	s0 =	sadd.s32 @!p0 $0x100000, s0  }
0x378: {  	[sflag:s0] =	ssyncadd.tile.s32 @!p0 $0x1;
	_ =	shalt  }
.Lfunc_end2:
_tile_overlayer_lowered:
.L_overlay_start_2:
0x379: {  	(tag) =	ssettag $0x2  }
0x37a: {  	s0 =	rddreg [dreg:$0x0];
	s2 =	stileid.u32  }
0x37b: {  	s1 =	rddreg [dreg:$0x1];
	p0 =	sne.s32 s2, $0x0  }
0x37c: {  	s3 =	rddreg [dreg:$0x2];
	[bflag:$0x3] =	sbarrier.arrive $0xFFFF;
	s2 =	simm.s32 @!p0 $0x1C03  }
0x37d: {  	[timem:s3], [sflag:s2] =	dma.local @!p0 [hbm:s0], s1  }
0x37e: {  	s0 =	simm.s32 @!p0 $0x3  }
0x37f: {  	_ =	swait.ge @!p0 [sflag:s0], s1  }
0x380: {  	s1 =	ssub.s32 @!p0 $0x0, s1;
	[sflag:s0] =	ssyncset.done @!p0 $0x0  }
0x381: {  	[sflag:s0] =	ssyncadd.s32 @!p0 s1  }
0x382: {  	[bflag:$0x3] =	sbarrier.arrive $0xFFFF  }
0x383: {  	_ =	shalt  }

</sc_bundles>
